<compile_context>
chip_gen: v7x
topology: tpu7x:2x2x1
jax: 0.10.2.dev20260603
libtpu: 0.0.44.dev20260713+nightly
codegen_flags: <defaults>
</compile_context>

<pallas_src>
import functools

import jax
import jax.numpy as jnp
from jax import lax
from jax.experimental import pallas as pl
from jax.experimental.pallas import tpu as pltpu
from jax.experimental.pallas import tpu_sc as plsc

S = 512
D = 256
MAX_LEN = 2048
NC = 2
NS = 16
NW = NC * NS
IPW = S // NW
C = 32
NCH = S // C
EWIN = C + IPW
T = 4
GPC = IPW // T
NG = NCH * GPC
L = 16


def _in_copies(x_hbm, emb_hbm, x_v, emb_v, i_base, ch, ib, sem):
    j0 = ch * C
    start = (MAX_LEN - 1) - (C - 1) + i_base - j0
    x_cp = pltpu.make_async_copy(x_hbm.at[pl.ds(j0, C)], x_v.at[ib], sem)
    e_cp = pltpu.make_async_copy(
        emb_hbm.at[pl.ds(start, EWIN)], emb_v.at[ib], sem
    )
    return x_cp, e_cp


def _body(x_hbm, emb_hbm, out_hbm, x_v, emb_v, rows_v, sem_in, sem_out):
    wid = lax.axis_index("s") * NC + lax.axis_index("c")
    i_base = wid * IPW

    for cp in _in_copies(x_hbm, emb_hbm, x_v, emb_v, i_base, 0, 0, sem_in):
        cp.start()

    def per_g(g, _):
        ch = lax.shift_right_logical(g, 2)
        grp = g & (GPC - 1)
        b = g & 1
        ib = ch & 1
        j0 = ch * C

        @pl.when(grp == 0)
        def _inputs():
            for cp in _in_copies(
                x_hbm, emb_hbm, x_v, emb_v, i_base, ch, ib, sem_in
            ):
                cp.wait()

        @pl.when(jnp.logical_and(grp == 0, ch + 1 < NCH))
        def _prefetch():
            for cp in _in_copies(
                x_hbm, emb_hbm, x_v, emb_v, i_base, ch + 1, 1 - ib, sem_in
            ):
                cp.start()

        @pl.when(g >= 2)
        def _wait_prev():
            pltpu.make_async_copy(
                rows_v.at[b], out_hbm.at[pl.ds(0, T), pl.ds(0, C)], sem_out
            ).wait()

        @plsc.parallel_loop(0, C, 1, unroll=1)
        def per_jj(jj):
            for c in range(0, D, L):
                xr = x_v[ib, jj, pl.ds(c, L)]
                for t in range(T):
                    r = (C - 1) + (grp * T + t) - jj
                    rows_v[b, t, jj, pl.ds(c, L)] = (
                        emb_v[ib, r, pl.ds(c, L)] + xr
                    )

        i0 = i_base + grp * T
        pltpu.async_copy(
            rows_v.at[b], out_hbm.at[pl.ds(i0, T), pl.ds(j0, C)], sem_out
        )
        return 0

    lax.fori_loop(0, NG, per_g, 0)

    for _ in range(2):
        pltpu.make_async_copy(
            rows_v.at[0], out_hbm.at[pl.ds(0, T), pl.ds(0, C)], sem_out
        ).wait()


def kernel(x, emb):
    x2 = x.reshape(S, D)
    mesh = plsc.VectorSubcoreMesh(core_axis_name="c", subcore_axis_name="s")
    run = functools.partial(
        pl.kernel,
        mesh=mesh,
        out_type=jax.ShapeDtypeStruct((S, S, D), jnp.float32),
        scratch_types=[
            pltpu.VMEM((2, C, D), jnp.float32),
            pltpu.VMEM((2, EWIN, D), jnp.float32),
            pltpu.VMEM((2, T, C, D), jnp.float32),
            pltpu.SemaphoreType.DMA,
            pltpu.SemaphoreType.DMA,
        ],
    )(_body)
    return run(x2, emb)

# --- scband reference (transcript-rebuilt; emitter-appended) ---
"""Pipeline reference for scband-relative-positional-encoding-7395933683985 (READ-ONLY COPY).

The authoritative reference and input builder live on the scoring server;
editing this copy changes nothing except your own understanding.
"""

import jax, jax.numpy as jnp
import numpy as np

D_MODEL = 256
MAX_LEN = 2048


def setup_inputs(seed: int = 0) -> dict:
    key = jax.random.key(seed)
    k1, k2 = jax.random.split(key)
    x = jax.random.normal(k1, (1, 512, D_MODEL), dtype=jnp.float32)
    emb = jax.random.normal(k2, (2 * MAX_LEN - 1, D_MODEL), dtype=jnp.float32) * 0.02
    return {"x": x, "emb": emb}


def reference(x, emb):
    seq_len = x.shape[1]
    pos = jnp.arange(seq_len)
    rel_pos = pos[:, None] - pos[None, :] + MAX_LEN - 1  # [S, S] in [MAX_LEN-S, MAX_LEN+S-2]
    rel_emb = jnp.take(emb, rel_pos, axis=0)  # gather -> [S, S, d_model]
    return x + rel_emb  # broadcast [1, S, d] + [S, S, d] -> [S, S, d]

if __name__ == "__main__":
    import jax
    _d = setup_inputs()
    print(jax.jit(kernel)(*tuple(_d.values())))

</pallas_src>

<mosaic_0001>
#map = affine_map<(d0, d1) -> (0, 0)>
#map1 = affine_map<(d0, d1) -> (0, 0, 0)>
module attributes {stable_mosaic.version = 14 : i64} {
  func.func @_body(%arg0: i32, %arg1: i32, %arg2: memref<512x256xf32, #tpu.memory_space<hbm>>, %arg3: memref<4095x256xf32, #tpu.memory_space<hbm>>, %arg4: memref<512x512x256xf32, #tpu.memory_space<hbm>>, %arg5: memref<2x32x256xf32, #tpu.memory_space<vmem>>, %arg6: memref<2x48x256xf32, #tpu.memory_space<vmem>>, %arg7: memref<2x4x32x256xf32, #tpu.memory_space<vmem>>, %arg8: memref<!tpu.dma_semaphore, #tpu.memory_space<semaphore_mem>>, %arg9: memref<!tpu.dma_semaphore, #tpu.memory_space<semaphore_mem>>) attributes {dimension_semantics = [#tpu.dimension_semantics<core_parallel>, #tpu.dimension_semantics<subcore_parallel>], iteration_bounds = array<i64: 2, 16>, scalar_prefetch = 0 : i64, scratch_operands = 5 : i64, tpu.core_type = #tpu.core_type<sc_vector_subcore>, window_params = [{transform_indices = #map}, {transform_indices = #map}, {transform_indices = #map1}]} {
    %mul3A = arith.constant 2 : i32
    %mul3A_0 = arith.muli %arg1, %mul3A : i32
    %add3A = arith.addi %mul3A_0, %arg0 : i32
    %mul3A_1 = arith.constant 16 : i32
    %mul3A_2 = arith.muli %add3A, %mul3A_1 : i32
    %add3A_3 = arith.constant 2016 : i32
    %add3A_4 = arith.addi %add3A_3, %mul3A_2 : i32
    %sub3A = arith.constant 0 : i32
    %sub3A_5 = arith.subi %add3A_4, %sub3A : i32
    %dma_start3A = arith.constant 0 : i32
    %dma_start3A_6 = arith.constant 0 : i32
    %dma_start3A_7 = arith.constant 0 : i32
    %dma_start3A_8 = tpu.memref_slice %arg5[%dma_start3A, %dma_start3A_6, %dma_start3A_7] : memref<2x32x256xf32, #tpu.memory_space<vmem>> -> memref<1x32x256xf32, #tpu.memory_space<vmem>>
    %dma_start3A_9 = tpu.memref_squeeze %dma_start3A_8 : memref<1x32x256xf32, #tpu.memory_space<vmem>> -> memref<32x256xf32, #tpu.memory_space<vmem>>
    %dma_start3A_10 = arith.constant 0 : i32
    %dma_start3A_11 = arith.constant 0 : i32
    %dma_start3A_12 = tpu.memref_slice %arg2[%dma_start3A_10, %dma_start3A_11] : memref<512x256xf32, #tpu.memory_space<hbm>> -> memref<32x256xf32, #tpu.memory_space<hbm>>
    %dma_start3A_13 = arith.constant 0 : i32
    %dma_start3A_14 = arith.constant 0 : i32
    %dma_start3A_15 = tpu.memref_slice %arg5[%dma_start3A, %dma_start3A_13, %dma_start3A_14] : memref<2x32x256xf32, #tpu.memory_space<vmem>> -> memref<1x32x256xf32, #tpu.memory_space<vmem>>
    %dma_start3A_16 = tpu.memref_squeeze %dma_start3A_15 : memref<1x32x256xf32, #tpu.memory_space<vmem>> -> memref<32x256xf32, #tpu.memory_space<vmem>>
    %dma_start3A_17 = arith.constant 0 : i32
    %dma_start3A_18 = arith.constant 0 : i32
    %dma_start3A_19 = tpu.memref_slice %arg2[%dma_start3A_17, %dma_start3A_18] : memref<512x256xf32, #tpu.memory_space<hbm>> -> memref<32x256xf32, #tpu.memory_space<hbm>>
    tpu.enqueue_dma source(%dma_start3A_19 : memref<32x256xf32, #tpu.memory_space<hbm>>) target(%dma_start3A_16 : memref<32x256xf32, #tpu.memory_space<vmem>>) target_semaphore(%arg8 : memref<!tpu.dma_semaphore, #tpu.memory_space<semaphore_mem>>)
    %dma_start3A_20 = arith.constant 0 : i32
    %dma_start3A_21 = arith.constant 0 : i32
    %dma_start3A_22 = arith.constant 0 : i32
    %dma_start3A_23 = tpu.memref_slice %arg6[%dma_start3A_20, %dma_start3A_21, %dma_start3A_22] : memref<2x48x256xf32, #tpu.memory_space<vmem>> -> memref<1x48x256xf32, #tpu.memory_space<vmem>>
    %dma_start3A_24 = tpu.memref_squeeze %dma_start3A_23 : memref<1x48x256xf32, #tpu.memory_space<vmem>> -> memref<48x256xf32, #tpu.memory_space<vmem>>
    %dma_start3A_25 = arith.constant 0 : i32
    %dma_start3A_26 = tpu.memref_slice %arg3[%sub3A_5, %dma_start3A_25] : memref<4095x256xf32, #tpu.memory_space<hbm>> -> memref<48x256xf32, #tpu.memory_space<hbm>>
    %dma_start3A_27 = arith.constant 0 : i32
    %dma_start3A_28 = arith.constant 0 : i32
    %dma_start3A_29 = tpu.memref_slice %arg6[%dma_start3A_20, %dma_start3A_27, %dma_start3A_28] : memref<2x48x256xf32, #tpu.memory_space<vmem>> -> memref<1x48x256xf32, #tpu.memory_space<vmem>>
    %dma_start3A_30 = tpu.memref_squeeze %dma_start3A_29 : memref<1x48x256xf32, #tpu.memory_space<vmem>> -> memref<48x256xf32, #tpu.memory_space<vmem>>
    %dma_start3A_31 = arith.constant 0 : i32
    %dma_start3A_32 = tpu.memref_slice %arg3[%sub3A_5, %dma_start3A_31] : memref<4095x256xf32, #tpu.memory_space<hbm>> -> memref<48x256xf32, #tpu.memory_space<hbm>>
    tpu.enqueue_dma source(%dma_start3A_32 : memref<48x256xf32, #tpu.memory_space<hbm>>) target(%dma_start3A_30 : memref<48x256xf32, #tpu.memory_space<vmem>>) target_semaphore(%arg8 : memref<!tpu.dma_semaphore, #tpu.memory_space<semaphore_mem>>)
    %scan3A = arith.constant 0 : i32
    %scan3A_33 = arith.constant 0 : i32
    %scan3A_34 = arith.constant 64 : i32
    %scan3A_35 = arith.addi %scan3A_33, %scan3A_34 : i32
    %scan3A_36 = arith.constant 1 : i32
    %scan3A_37 = scf.for %scan3A_76 = %scan3A_33 to %scan3A_35 step %scan3A_36 iter_args(%scan3A_77 = %scan3A) -> (i32)  : i32 {
      %shift_right_logical3A = arith.constant 2 : i32
      %shift_right_logical3A_78 = arith.shrui %scan3A_76, %shift_right_logical3A : i32
      %and3A = arith.constant 3 : i32
      %and3A_79 = arith.andi %scan3A_76, %and3A : i32
      %and3A_80 = arith.constant 1 : i32
      %and3A_81 = arith.andi %scan3A_76, %and3A_80 : i32
      %and3A_82 = arith.constant 1 : i32
      %and3A_83 = arith.andi %shift_right_logical3A_78, %and3A_82 : i32
      %mul3A_84 = arith.constant 32 : i32
      %mul3A_85 = arith.muli %shift_right_logical3A_78, %mul3A_84 : i32
      %eq3A = arith.constant 0 : i32
      %eq3A_86 = arith.cmpi eq, %and3A_79, %eq3A : i32
      %convert_element_type3A = arith.extui %eq3A_86 : i1 to i32
      %cond3A = arith.constant 0 : i32
      %cond3A_87 = arith.cmpi ne, %convert_element_type3A, %cond3A : i32
      scf.if %cond3A_87 {
        %mul3A_121 = arith.constant 32 : i32
        %mul3A_122 = arith.muli %shift_right_logical3A_78, %mul3A_121 : i32
        %add3A_123 = arith.constant 2016 : i32
        %add3A_124 = arith.addi %add3A_123, %mul3A_2 : i32
        %sub3A_125 = arith.subi %add3A_124, %mul3A_122 : i32
        %dma_wait3A_126 = arith.constant 0 : i32
        %dma_wait3A_127 = arith.constant 0 : i32
        %dma_wait3A_128 = tpu.memref_slice %arg5[%and3A_83, %dma_wait3A_126, %dma_wait3A_127] : memref<2x32x256xf32, #tpu.memory_space<vmem>> -> memref<1x32x256xf32, #tpu.memory_space<vmem>>
        %dma_wait3A_129 = tpu.memref_squeeze %dma_wait3A_128 : memref<1x32x256xf32, #tpu.memory_space<vmem>> -> memref<32x256xf32, #tpu.memory_space<vmem>>
        %dma_wait3A_130 = arith.constant 0 : i32
        %dma_wait3A_131 = tpu.memref_slice %arg2[%mul3A_122, %dma_wait3A_130] : memref<512x256xf32, #tpu.memory_space<hbm>> -> memref<32x256xf32, #tpu.memory_space<hbm>>
        %dma_wait3A_132 = arith.constant 0 : i32
        %dma_wait3A_133 = arith.constant 0 : i32
        %dma_wait3A_134 = tpu.memref_slice %arg5[%and3A_83, %dma_wait3A_132, %dma_wait3A_133] : memref<2x32x256xf32, #tpu.memory_space<vmem>> -> memref<1x32x256xf32, #tpu.memory_space<vmem>>
        %dma_wait3A_135 = tpu.memref_squeeze %dma_wait3A_134 : memref<1x32x256xf32, #tpu.memory_space<vmem>> -> memref<32x256xf32, #tpu.memory_space<vmem>>
        %dma_wait3A_136 = arith.constant 0 : i32
        %dma_wait3A_137 = tpu.memref_slice %arg2[%mul3A_122, %dma_wait3A_136] : memref<512x256xf32, #tpu.memory_space<hbm>> -> memref<32x256xf32, #tpu.memory_space<hbm>>
        tpu.wait_dma2 semaphore(%arg8 : memref<!tpu.dma_semaphore, #tpu.memory_space<semaphore_mem>>) src(%dma_wait3A_137 : memref<32x256xf32, #tpu.memory_space<hbm>>) dst(%dma_wait3A_135 : memref<32x256xf32, #tpu.memory_space<vmem>>)
        %dma_wait3A_138 = arith.constant 0 : i32
        %dma_wait3A_139 = arith.constant 0 : i32
        %dma_wait3A_140 = tpu.memref_slice %arg6[%and3A_83, %dma_wait3A_138, %dma_wait3A_139] : memref<2x48x256xf32, #tpu.memory_space<vmem>> -> memref<1x48x256xf32, #tpu.memory_space<vmem>>
        %dma_wait3A_141 = tpu.memref_squeeze %dma_wait3A_140 : memref<1x48x256xf32, #tpu.memory_space<vmem>> -> memref<48x256xf32, #tpu.memory_space<vmem>>
        %dma_wait3A_142 = arith.constant 0 : i32
        %dma_wait3A_143 = tpu.memref_slice %arg3[%sub3A_125, %dma_wait3A_142] : memref<4095x256xf32, #tpu.memory_space<hbm>> -> memref<48x256xf32, #tpu.memory_space<hbm>>
        %dma_wait3A_144 = arith.constant 0 : i32
        %dma_wait3A_145 = arith.constant 0 : i32
        %dma_wait3A_146 = tpu.memref_slice %arg6[%and3A_83, %dma_wait3A_144, %dma_wait3A_145] : memref<2x48x256xf32, #tpu.memory_space<vmem>> -> memref<1x48x256xf32, #tpu.memory_space<vmem>>
        %dma_wait3A_147 = tpu.memref_squeeze %dma_wait3A_146 : memref<1x48x256xf32, #tpu.memory_space<vmem>> -> memref<48x256xf32, #tpu.memory_space<vmem>>
        %dma_wait3A_148 = arith.constant 0 : i32
        %dma_wait3A_149 = tpu.memref_slice %arg3[%sub3A_125, %dma_wait3A_148] : memref<4095x256xf32, #tpu.memory_space<hbm>> -> memref<48x256xf32, #tpu.memory_space<hbm>>
        tpu.wait_dma2 semaphore(%arg8 : memref<!tpu.dma_semaphore, #tpu.memory_space<semaphore_mem>>) src(%dma_wait3A_149 : memref<48x256xf32, #tpu.memory_space<hbm>>) dst(%dma_wait3A_147 : memref<48x256xf32, #tpu.memory_space<vmem>>)
      } else {
      }
      %eq3A_88 = arith.constant 0 : i32
      %eq3A_89 = arith.cmpi eq, %and3A_79, %eq3A_88 : i32
      %add3A_90 = arith.constant 1 : i32
      %add3A_91 = arith.addi %shift_right_logical3A_78, %add3A_90 : i32
      %lt3A = arith.constant 16 : i32
      %lt3A_92 = arith.cmpi slt, %add3A_91, %lt3A : i32
      %and3A_93 = arith.andi %eq3A_89, %lt3A_92 : i1
      %convert_element_type3A_94 = arith.extui %and3A_93 : i1 to i32
      %cond3A_95 = arith.constant 0 : i32
      %cond3A_96 = arith.cmpi ne, %convert_element_type3A_94, %cond3A_95 : i32
      scf.if %cond3A_96 {
        %add3A_121 = arith.constant 1 : i32
        %add3A_122 = arith.addi %shift_right_logical3A_78, %add3A_121 : i32
        %sub3A_123 = arith.constant 1 : i32
        %sub3A_124 = arith.subi %sub3A_123, %and3A_83 : i32
        %mul3A_125 = arith.constant 32 : i32
        %mul3A_126 = arith.muli %add3A_122, %mul3A_125 : i32
        %add3A_127 = arith.constant 2016 : i32
        %add3A_128 = arith.addi %add3A_127, %mul3A_2 : i32
        %sub3A_129 = arith.subi %add3A_128, %mul3A_126 : i32
        %dma_start3A_130 = arith.constant 0 : i32
        %dma_start3A_131 = arith.constant 0 : i32
        %dma_start3A_132 = tpu.memref_slice %arg5[%sub3A_124, %dma_start3A_130, %dma_start3A_131] : memref<2x32x256xf32, #tpu.memory_space<vmem>> -> memref<1x32x256xf32, #tpu.memory_space<vmem>>
        %dma_start3A_133 = tpu.memref_squeeze %dma_start3A_132 : memref<1x32x256xf32, #tpu.memory_space<vmem>> -> memref<32x256xf32, #tpu.memory_space<vmem>>
        %dma_start3A_134 = arith.constant 0 : i32
        %dma_start3A_135 = tpu.memref_slice %arg2[%mul3A_126, %dma_start3A_134] : memref<512x256xf32, #tpu.memory_space<hbm>> -> memref<32x256xf32, #tpu.memory_space<hbm>>
        %dma_start3A_136 = arith.constant 0 : i32
        %dma_start3A_137 = arith.constant 0 : i32
        %dma_start3A_138 = tpu.memref_slice %arg5[%sub3A_124, %dma_start3A_136, %dma_start3A_137] : memref<2x32x256xf32, #tpu.memory_space<vmem>> -> memref<1x32x256xf32, #tpu.memory_space<vmem>>
        %dma_start3A_139 = tpu.memref_squeeze %dma_start3A_138 : memref<1x32x256xf32, #tpu.memory_space<vmem>> -> memref<32x256xf32, #tpu.memory_space<vmem>>
        %dma_start3A_140 = arith.constant 0 : i32
        %dma_start3A_141 = tpu.memref_slice %arg2[%mul3A_126, %dma_start3A_140] : memref<512x256xf32, #tpu.memory_space<hbm>> -> memref<32x256xf32, #tpu.memory_space<hbm>>
        tpu.enqueue_dma source(%dma_start3A_141 : memref<32x256xf32, #tpu.memory_space<hbm>>) target(%dma_start3A_139 : memref<32x256xf32, #tpu.memory_space<vmem>>) target_semaphore(%arg8 : memref<!tpu.dma_semaphore, #tpu.memory_space<semaphore_mem>>)
        %dma_start3A_142 = arith.constant 0 : i32
        %dma_start3A_143 = arith.constant 0 : i32
        %dma_start3A_144 = tpu.memref_slice %arg6[%sub3A_124, %dma_start3A_142, %dma_start3A_143] : memref<2x48x256xf32, #tpu.memory_space<vmem>> -> memref<1x48x256xf32, #tpu.memory_space<vmem>>
        %dma_start3A_145 = tpu.memref_squeeze %dma_start3A_144 : memref<1x48x256xf32, #tpu.memory_space<vmem>> -> memref<48x256xf32, #tpu.memory_space<vmem>>
        %dma_start3A_146 = arith.constant 0 : i32
        %dma_start3A_147 = tpu.memref_slice %arg3[%sub3A_129, %dma_start3A_146] : memref<4095x256xf32, #tpu.memory_space<hbm>> -> memref<48x256xf32, #tpu.memory_space<hbm>>
        %dma_start3A_148 = arith.constant 0 : i32
        %dma_start3A_149 = arith.constant 0 : i32
        %dma_start3A_150 = tpu.memref_slice %arg6[%sub3A_124, %dma_start3A_148, %dma_start3A_149] : memref<2x48x256xf32, #tpu.memory_space<vmem>> -> memref<1x48x256xf32, #tpu.memory_space<vmem>>
        %dma_start3A_151 = tpu.memref_squeeze %dma_start3A_150 : memref<1x48x256xf32, #tpu.memory_space<vmem>> -> memref<48x256xf32, #tpu.memory_space<vmem>>
        %dma_start3A_152 = arith.constant 0 : i32
        %dma_start3A_153 = tpu.memref_slice %arg3[%sub3A_129, %dma_start3A_152] : memref<4095x256xf32, #tpu.memory_space<hbm>> -> memref<48x256xf32, #tpu.memory_space<hbm>>
        tpu.enqueue_dma source(%dma_start3A_153 : memref<48x256xf32, #tpu.memory_space<hbm>>) target(%dma_start3A_151 : memref<48x256xf32, #tpu.memory_space<vmem>>) target_semaphore(%arg8 : memref<!tpu.dma_semaphore, #tpu.memory_space<semaphore_mem>>)
      } else {
      }
      %ge3A = arith.constant 2 : i32
      %ge3A_97 = arith.cmpi sge, %scan3A_76, %ge3A : i32
      %convert_element_type3A_98 = arith.extui %ge3A_97 : i1 to i32
      %cond3A_99 = arith.constant 0 : i32
      %cond3A_100 = arith.cmpi ne, %convert_element_type3A_98, %cond3A_99 : i32
      scf.if %cond3A_100 {
        %dma_wait3A_121 = arith.constant 0 : i32
        %dma_wait3A_122 = arith.constant 0 : i32
        %dma_wait3A_123 = arith.constant 0 : i32
        %dma_wait3A_124 = tpu.memref_slice %arg7[%and3A_81, %dma_wait3A_121, %dma_wait3A_122, %dma_wait3A_123] : memref<2x4x32x256xf32, #tpu.memory_space<vmem>> -> memref<1x4x32x256xf32, #tpu.memory_space<vmem>>
        %dma_wait3A_125 = tpu.memref_squeeze %dma_wait3A_124 : memref<1x4x32x256xf32, #tpu.memory_space<vmem>> -> memref<4x32x256xf32, #tpu.memory_space<vmem>>
        %dma_wait3A_126 = arith.constant 0 : i32
        %dma_wait3A_127 = arith.constant 0 : i32
        %dma_wait3A_128 = arith.constant 0 : i32
        %dma_wait3A_129 = tpu.memref_slice %arg4[%dma_wait3A_126, %dma_wait3A_127, %dma_wait3A_128] : memref<512x512x256xf32, #tpu.memory_space<hbm>> -> memref<4x32x256xf32, #tpu.memory_space<hbm>>
        %dma_wait3A_130 = arith.constant 0 : i32
        %dma_wait3A_131 = arith.constant 0 : i32
        %dma_wait3A_132 = arith.constant 0 : i32
        %dma_wait3A_133 = tpu.memref_slice %arg4[%dma_wait3A_130, %dma_wait3A_131, %dma_wait3A_132] : memref<512x512x256xf32, #tpu.memory_space<hbm>> -> memref<4x32x256xf32, #tpu.memory_space<hbm>>
        %dma_wait3A_134 = arith.constant 0 : i32
        %dma_wait3A_135 = arith.constant 0 : i32
        %dma_wait3A_136 = arith.constant 0 : i32
        %dma_wait3A_137 = tpu.memref_slice %arg7[%and3A_81, %dma_wait3A_134, %dma_wait3A_135, %dma_wait3A_136] : memref<2x4x32x256xf32, #tpu.memory_space<vmem>> -> memref<1x4x32x256xf32, #tpu.memory_space<vmem>>
        %dma_wait3A_138 = tpu.memref_squeeze %dma_wait3A_137 : memref<1x4x32x256xf32, #tpu.memory_space<vmem>> -> memref<4x32x256xf32, #tpu.memory_space<vmem>>
        tpu.wait_dma2 semaphore(%arg9 : memref<!tpu.dma_semaphore, #tpu.memory_space<semaphore_mem>>) src(%dma_wait3A_138 : memref<4x32x256xf32, #tpu.memory_space<vmem>>) dst(%dma_wait3A_133 : memref<4x32x256xf32, #tpu.memory_space<hbm>>)
      } else {
      }
      %parallel_loop3A = arith.constant 0 : i32
      %parallel_loop3A_101 = arith.constant 32 : i32
      %parallel_loop3A_102 = arith.constant 1 : i32
      scf.for %parallel_loop3A_121 = %parallel_loop3A to %parallel_loop3A_101 step %parallel_loop3A_102  : i32 {
        %parallel_loop3A_122 = arith.index_cast %and3A_83 : i32 to index
        %parallel_loop3A_123 = arith.index_cast %parallel_loop3A_121 : i32 to index
        %parallel_loop3A_124 = arith.constant 0 : index
        %parallel_loop3A_125 = tpu.vector_load %arg5[%parallel_loop3A_122, %parallel_loop3A_123, %parallel_loop3A_124] {strides = array<i32>} : memref<2x32x256xf32, #tpu.memory_space<vmem>>, vector<1x1x16xf32>,
        %parallel_loop3A_126 = vector.shape_cast %parallel_loop3A_125 : vector<1x1x16xf32> to vector<16xf32>
        %parallel_loop3A_127 = arith.constant 4 : i32
        %parallel_loop3A_128 = arith.muli %and3A_79, %parallel_loop3A_127 : i32
        %parallel_loop3A_129 = arith.constant 0 : i32
        %parallel_loop3A_130 = arith.addi %parallel_loop3A_128, %parallel_loop3A_129 : i32
        %parallel_loop3A_131 = arith.constant 31 : i32
        %parallel_loop3A_132 = arith.addi %parallel_loop3A_131, %parallel_loop3A_130 : i32
        %parallel_loop3A_133 = arith.subi %parallel_loop3A_132, %parallel_loop3A_121 : i32
        %parallel_loop3A_134 = arith.index_cast %and3A_83 : i32 to index
        %parallel_loop3A_135 = arith.index_cast %parallel_loop3A_133 : i32 to index
        %parallel_loop3A_136 = arith.constant 0 : index
        %parallel_loop3A_137 = tpu.vector_load %arg6[%parallel_loop3A_134, %parallel_loop3A_135, %parallel_loop3A_136] {strides = array<i32>} : memref<2x48x256xf32, #tpu.memory_space<vmem>>, vector<1x1x16xf32>,
        %parallel_loop3A_138 = vector.shape_cast %parallel_loop3A_137 : vector<1x1x16xf32> to vector<16xf32>
        %parallel_loop3A_139 = arith.addf %parallel_loop3A_138, %parallel_loop3A_126 : vector<16xf32>
        %parallel_loop3A_140 = arith.constant 0 : i32
        %parallel_loop3A_141 = arith.index_cast %and3A_81 : i32 to index
        %parallel_loop3A_142 = arith.index_cast %parallel_loop3A_140 : i32 to index
        %parallel_loop3A_143 = arith.index_cast %parallel_loop3A_121 : i32 to index
        %parallel_loop3A_144 = arith.constant 0 : index
        %parallel_loop3A_145 = tpu.vector_load %arg7[%parallel_loop3A_141, %parallel_loop3A_142, %parallel_loop3A_143, %parallel_loop3A_144] {strides = array<i32>} : memref<2x4x32x256xf32, #tpu.memory_space<vmem>>, vector<1x1x1x16xf32>,
        %parallel_loop3A_146 = vector.shape_cast %parallel_loop3A_145 : vector<1x1x1x16xf32> to vector<16xf32>
        %parallel_loop3A_147 = vector.shape_cast %parallel_loop3A_139 : vector<16xf32> to vector<1x1x1x16xf32>
        tpu.vector_store %arg7[%parallel_loop3A_141, %parallel_loop3A_142, %parallel_loop3A_143, %parallel_loop3A_144], %parallel_loop3A_147 {strides = array<i32>} : memref<2x4x32x256xf32, #tpu.memory_space<vmem>>, vector<1x1x1x16xf32>,
        %parallel_loop3A_148 = arith.constant 4 : i32
        %parallel_loop3A_149 = arith.muli %and3A_79, %parallel_loop3A_148 : i32
        %parallel_loop3A_150 = arith.constant 1 : i32
        %parallel_loop3A_151 = arith.addi %parallel_loop3A_149, %parallel_loop3A_150 : i32
        %parallel_loop3A_152 = arith.constant 31 : i32
        %parallel_loop3A_153 = arith.addi %parallel_loop3A_152, %parallel_loop3A_151 : i32
        %parallel_loop3A_154 = arith.subi %parallel_loop3A_153, %parallel_loop3A_121 : i32
        %parallel_loop3A_155 = arith.index_cast %and3A_83 : i32 to index
        %parallel_loop3A_156 = arith.index_cast %parallel_loop3A_154 : i32 to index
        %parallel_loop3A_157 = arith.constant 0 : index
        %parallel_loop3A_158 = tpu.vector_load %arg6[%parallel_loop3A_155, %parallel_loop3A_156, %parallel_loop3A_157] {strides = array<i32>} : memref<2x48x256xf32, #tpu.memory_space<vmem>>, vector<1x1x16xf32>,
        %parallel_loop3A_159 = vector.shape_cast %parallel_loop3A_158 : vector<1x1x16xf32> to vector<16xf32>
        %parallel_loop3A_160 = arith.addf %parallel_loop3A_159, %parallel_loop3A_126 : vector<16xf32>
        %parallel_loop3A_161 = arith.constant 1 : i32
        %parallel_loop3A_162 = arith.index_cast %and3A_81 : i32 to index
        %parallel_loop3A_163 = arith.index_cast %parallel_loop3A_161 : i32 to index
        %parallel_loop3A_164 = arith.index_cast %parallel_loop3A_121 : i32 to index
        %parallel_loop3A_165 = arith.constant 0 : index
        %parallel_loop3A_166 = tpu.vector_load %arg7[%parallel_loop3A_162, %parallel_loop3A_163, %parallel_loop3A_164, %parallel_loop3A_165] {strides = array<i32>} : memref<2x4x32x256xf32, #tpu.memory_space<vmem>>, vector<1x1x1x16xf32>,
        %parallel_loop3A_167 = vector.shape_cast %parallel_loop3A_166 : vector<1x1x1x16xf32> to vector<16xf32>
        %parallel_loop3A_168 = vector.shape_cast %parallel_loop3A_160 : vector<16xf32> to vector<1x1x1x16xf32>
        tpu.vector_store %arg7[%parallel_loop3A_162, %parallel_loop3A_163, %parallel_loop3A_164, %parallel_loop3A_165], %parallel_loop3A_168 {strides = array<i32>} : memref<2x4x32x256xf32, #tpu.memory_space<vmem>>, vector<1x1x1x16xf32>,
        %parallel_loop3A_169 = arith.constant 4 : i32
        %parallel_loop3A_170 = arith.muli %and3A_79, %parallel_loop3A_169 : i32
        %parallel_loop3A_171 = arith.constant 2 : i32
        %parallel_loop3A_172 = arith.addi %parallel_loop3A_170, %parallel_loop3A_171 : i32
        %parallel_loop3A_173 = arith.constant 31 : i32
        %parallel_loop3A_174 = arith.addi %parallel_loop3A_173, %parallel_loop3A_172 : i32
        %parallel_loop3A_175 = arith.subi %parallel_loop3A_174, %parallel_loop3A_121 : i32
        %parallel_loop3A_176 = arith.index_cast %and3A_83 : i32 to index
        %parallel_loop3A_177 = arith.index_cast %parallel_loop3A_175 : i32 to index
        %parallel_loop3A_178 = arith.constant 0 : index
        %parallel_loop3A_179 = tpu.vector_load %arg6[%parallel_loop3A_176, %parallel_loop3A_177, %parallel_loop3A_178] {strides = array<i32>} : memref<2x48x256xf32, #tpu.memory_space<vmem>>, vector<1x1x16xf32>,
        %parallel_loop3A_180 = vector.shape_cast %parallel_loop3A_179 : vector<1x1x16xf32> to vector<16xf32>
        %parallel_loop3A_181 = arith.addf %parallel_loop3A_180, %parallel_loop3A_126 : vector<16xf32>
        %parallel_loop3A_182 = arith.constant 2 : i32
        %parallel_loop3A_183 = arith.index_cast %and3A_81 : i32 to index
        %parallel_loop3A_184 = arith.index_cast %parallel_loop3A_182 : i32 to index
        %parallel_loop3A_185 = arith.index_cast %parallel_loop3A_121 : i32 to index
        %parallel_loop3A_186 = arith.constant 0 : index
        %parallel_loop3A_187 = tpu.vector_load %arg7[%parallel_loop3A_183, %parallel_loop3A_184, %parallel_loop3A_185, %parallel_loop3A_186] {strides = array<i32>} : memref<2x4x32x256xf32, #tpu.memory_space<vmem>>, vector<1x1x1x16xf32>,
        %parallel_loop3A_188 = vector.shape_cast %parallel_loop3A_187 : vector<1x1x1x16xf32> to vector<16xf32>
        %parallel_loop3A_189 = vector.shape_cast %parallel_loop3A_181 : vector<16xf32> to vector<1x1x1x16xf32>
        tpu.vector_store %arg7[%parallel_loop3A_183, %parallel_loop3A_184, %parallel_loop3A_185, %parallel_loop3A_186], %parallel_loop3A_189 {strides = array<i32>} : memref<2x4x32x256xf32, #tpu.memory_space<vmem>>, vector<1x1x1x16xf32>,
        %parallel_loop3A_190 = arith.constant 4 : i32
        %parallel_loop3A_191 = arith.muli %and3A_79, %parallel_loop3A_190 : i32
        %parallel_loop3A_192 = arith.constant 3 : i32
        %parallel_loop3A_193 = arith.addi %parallel_loop3A_191, %parallel_loop3A_192 : i32
        %parallel_loop3A_194 = arith.constant 31 : i32
        %parallel_loop3A_195 = arith.addi %parallel_loop3A_194, %parallel_loop3A_193 : i32
        %parallel_loop3A_196 = arith.subi %parallel_loop3A_195, %parallel_loop3A_121 : i32
        %parallel_loop3A_197 = arith.index_cast %and3A_83 : i32 to index
        %parallel_loop3A_198 = arith.index_cast %parallel_loop3A_196 : i32 to index
        %parallel_loop3A_199 = arith.constant 0 : index
        %parallel_loop3A_200 = tpu.vector_load %arg6[%parallel_loop3A_197, %parallel_loop3A_198, %parallel_loop3A_199] {strides = array<i32>} : memref<2x48x256xf32, #tpu.memory_space<vmem>>, vector<1x1x16xf32>,
        %parallel_loop3A_201 = vector.shape_cast %parallel_loop3A_200 : vector<1x1x16xf32> to vector<16xf32>
        %parallel_loop3A_202 = arith.addf %parallel_loop3A_201, %parallel_loop3A_126 : vector<16xf32>
        %parallel_loop3A_203 = arith.constant 3 : i32
        %parallel_loop3A_204 = arith.index_cast %and3A_81 : i32 to index
        %parallel_loop3A_205 = arith.index_cast %parallel_loop3A_203 : i32 to index
        %parallel_loop3A_206 = arith.index_cast %parallel_loop3A_121 : i32 to index
        %parallel_loop3A_207 = arith.constant 0 : index
        %parallel_loop3A_208 = tpu.vector_load %arg7[%parallel_loop3A_204, %parallel_loop3A_205, %parallel_loop3A_206, %parallel_loop3A_207] {strides = array<i32>} : memref<2x4x32x256xf32, #tpu.memory_space<vmem>>, vector<1x1x1x16xf32>,
        %parallel_loop3A_209 = vector.shape_cast %parallel_loop3A_208 : vector<1x1x1x16xf32> to vector<16xf32>
        %parallel_loop3A_210 = vector.shape_cast %parallel_loop3A_202 : vector<16xf32> to vector<1x1x1x16xf32>
        tpu.vector_store %arg7[%parallel_loop3A_204, %parallel_loop3A_205, %parallel_loop3A_206, %parallel_loop3A_207], %parallel_loop3A_210 {strides = array<i32>} : memref<2x4x32x256xf32, #tpu.memory_space<vmem>>, vector<1x1x1x16xf32>,
        %parallel_loop3A_211 = arith.index_cast %and3A_83 : i32 to index
        %parallel_loop3A_212 = arith.index_cast %parallel_loop3A_121 : i32 to index
        %parallel_loop3A_213 = arith.constant 16 : index
        %parallel_loop3A_214 = tpu.vector_load %arg5[%parallel_loop3A_211, %parallel_loop3A_212, %parallel_loop3A_213] {strides = array<i32>} : memref<2x32x256xf32, #tpu.memory_space<vmem>>, vector<1x1x16xf32>,
        %parallel_loop3A_215 = vector.shape_cast %parallel_loop3A_214 : vector<1x1x16xf32> to vector<16xf32>
        %parallel_loop3A_216 = arith.constant 4 : i32
        %parallel_loop3A_217 = arith.muli %and3A_79, %parallel_loop3A_216 : i32
        %parallel_loop3A_218 = arith.constant 0 : i32
        %parallel_loop3A_219 = arith.addi %parallel_loop3A_217, %parallel_loop3A_218 : i32
        %parallel_loop3A_220 = arith.constant 31 : i32
        %parallel_loop3A_221 = arith.addi %parallel_loop3A_220, %parallel_loop3A_219 : i32
        %parallel_loop3A_222 = arith.subi %parallel_loop3A_221, %parallel_loop3A_121 : i32
        %parallel_loop3A_223 = arith.index_cast %and3A_83 : i32 to index
        %parallel_loop3A_224 = arith.index_cast %parallel_loop3A_222 : i32 to index
        %parallel_loop3A_225 = arith.constant 16 : index
        %parallel_loop3A_226 = tpu.vector_load %arg6[%parallel_loop3A_223, %parallel_loop3A_224, %parallel_loop3A_225] {strides = array<i32>} : memref<2x48x256xf32, #tpu.memory_space<vmem>>, vector<1x1x16xf32>,
        %parallel_loop3A_227 = vector.shape_cast %parallel_loop3A_226 : vector<1x1x16xf32> to vector<16xf32>
        %parallel_loop3A_228 = arith.addf %parallel_loop3A_227, %parallel_loop3A_215 : vector<16xf32>
        %parallel_loop3A_229 = arith.constant 0 : i32
        %parallel_loop3A_230 = arith.index_cast %and3A_81 : i32 to index
        %parallel_loop3A_231 = arith.index_cast %parallel_loop3A_229 : i32 to index
        %parallel_loop3A_232 = arith.index_cast %parallel_loop3A_121 : i32 to index
        %parallel_loop3A_233 = arith.constant 16 : index
        %parallel_loop3A_234 = tpu.vector_load %arg7[%parallel_loop3A_230, %parallel_loop3A_231, %parallel_loop3A_232, %parallel_loop3A_233] {strides = array<i32>} : memref<2x4x32x256xf32, #tpu.memory_space<vmem>>, vector<1x1x1x16xf32>,
        %parallel_loop3A_235 = vector.shape_cast %parallel_loop3A_234 : vector<1x1x1x16xf32> to vector<16xf32>
        %parallel_loop3A_236 = vector.shape_cast %parallel_loop3A_228 : vector<16xf32> to vector<1x1x1x16xf32>
        tpu.vector_store %arg7[%parallel_loop3A_230, %parallel_loop3A_231, %parallel_loop3A_232, %parallel_loop3A_233], %parallel_loop3A_236 {strides = array<i32>} : memref<2x4x32x256xf32, #tpu.memory_space<vmem>>, vector<1x1x1x16xf32>,
        %parallel_loop3A_237 = arith.constant 4 : i32
        %parallel_loop3A_238 = arith.muli %and3A_79, %parallel_loop3A_237 : i32
        %parallel_loop3A_239 = arith.constant 1 : i32
        %parallel_loop3A_240 = arith.addi %parallel_loop3A_238, %parallel_loop3A_239 : i32
        %parallel_loop3A_241 = arith.constant 31 : i32
        %parallel_loop3A_242 = arith.addi %parallel_loop3A_241, %parallel_loop3A_240 : i32
        %parallel_loop3A_243 = arith.subi %parallel_loop3A_242, %parallel_loop3A_121 : i32
        %parallel_loop3A_244 = arith.index_cast %and3A_83 : i32 to index
        %parallel_loop3A_245 = arith.index_cast %parallel_loop3A_243 : i32 to index
        %parallel_loop3A_246 = arith.constant 16 : index
        %parallel_loop3A_247 = tpu.vector_load %arg6[%parallel_loop3A_244, %parallel_loop3A_245, %parallel_loop3A_246] {strides = array<i32>} : memref<2x48x256xf32, #tpu.memory_space<vmem>>, vector<1x1x16xf32>,
        %parallel_loop3A_248 = vector.shape_cast %parallel_loop3A_247 : vector<1x1x16xf32> to vector<16xf32>
        %parallel_loop3A_249 = arith.addf %parallel_loop3A_248, %parallel_loop3A_215 : vector<16xf32>
        %parallel_loop3A_250 = arith.constant 1 : i32
        %parallel_loop3A_251 = arith.index_cast %and3A_81 : i32 to index
        %parallel_loop3A_252 = arith.index_cast %parallel_loop3A_250 : i32 to index
        %parallel_loop3A_253 = arith.index_cast %parallel_loop3A_121 : i32 to index
        %parallel_loop3A_254 = arith.constant 16 : index
        %parallel_loop3A_255 = tpu.vector_load %arg7[%parallel_loop3A_251, %parallel_loop3A_252, %parallel_loop3A_253, %parallel_loop3A_254] {strides = array<i32>} : memref<2x4x32x256xf32, #tpu.memory_space<vmem>>, vector<1x1x1x16xf32>,
        %parallel_loop3A_256 = vector.shape_cast %parallel_loop3A_255 : vector<1x1x1x16xf32> to vector<16xf32>
        %parallel_loop3A_257 = vector.shape_cast %parallel_loop3A_249 : vector<16xf32> to vector<1x1x1x16xf32>
        tpu.vector_store %arg7[%parallel_loop3A_251, %parallel_loop3A_252, %parallel_loop3A_253, %parallel_loop3A_254], %parallel_loop3A_257 {strides = array<i32>} : memref<2x4x32x256xf32, #tpu.memory_space<vmem>>, vector<1x1x1x16xf32>,
        %parallel_loop3A_258 = arith.constant 4 : i32
        %parallel_loop3A_259 = arith.muli %and3A_79, %parallel_loop3A_258 : i32
        %parallel_loop3A_260 = arith.constant 2 : i32
        %parallel_loop3A_261 = arith.addi %parallel_loop3A_259, %parallel_loop3A_260 : i32
        %parallel_loop3A_262 = arith.constant 31 : i32
        %parallel_loop3A_263 = arith.addi %parallel_loop3A_262, %parallel_loop3A_261 : i32
        %parallel_loop3A_264 = arith.subi %parallel_loop3A_263, %parallel_loop3A_121 : i32
        %parallel_loop3A_265 = arith.index_cast %and3A_83 : i32 to index
        %parallel_loop3A_266 = arith.index_cast %parallel_loop3A_264 : i32 to index
        %parallel_loop3A_267 = arith.constant 16 : index
        %parallel_loop3A_268 = tpu.vector_load %arg6[%parallel_loop3A_265, %parallel_loop3A_266, %parallel_loop3A_267] {strides = array<i32>} : memref<2x48x256xf32, #tpu.memory_space<vmem>>, vector<1x1x16xf32>,
        %parallel_loop3A_269 = vector.shape_cast %parallel_loop3A_268 : vector<1x1x16xf32> to vector<16xf32>
        %parallel_loop3A_270 = arith.addf %parallel_loop3A_269, %parallel_loop3A_215 : vector<16xf32>
        %parallel_loop3A_271 = arith.constant 2 : i32
        %parallel_loop3A_272 = arith.index_cast %and3A_81 : i32 to index
        %parallel_loop3A_273 = arith.index_cast %parallel_loop3A_271 : i32 to index
        %parallel_loop3A_274 = arith.index_cast %parallel_loop3A_121 : i32 to index
        %parallel_loop3A_275 = arith.constant 16 : index
        %parallel_loop3A_276 = tpu.vector_load %arg7[%parallel_loop3A_272, %parallel_loop3A_273, %parallel_loop3A_274, %parallel_loop3A_275] {strides = array<i32>} : memref<2x4x32x256xf32, #tpu.memory_space<vmem>>, vector<1x1x1x16xf32>,
        %parallel_loop3A_277 = vector.shape_cast %parallel_loop3A_276 : vector<1x1x1x16xf32> to vector<16xf32>
        %parallel_loop3A_278 = vector.shape_cast %parallel_loop3A_270 : vector<16xf32> to vector<1x1x1x16xf32>
        tpu.vector_store %arg7[%parallel_loop3A_272, %parallel_loop3A_273, %parallel_loop3A_274, %parallel_loop3A_275], %parallel_loop3A_278 {strides = array<i32>} : memref<2x4x32x256xf32, #tpu.memory_space<vmem>>, vector<1x1x1x16xf32>,
        %parallel_loop3A_279 = arith.constant 4 : i32
        %parallel_loop3A_280 = arith.muli %and3A_79, %parallel_loop3A_279 : i32
        %parallel_loop3A_281 = arith.constant 3 : i32
        %parallel_loop3A_282 = arith.addi %parallel_loop3A_280, %parallel_loop3A_281 : i32
        %parallel_loop3A_283 = arith.constant 31 : i32
        %parallel_loop3A_284 = arith.addi %parallel_loop3A_283, %parallel_loop3A_282 : i32
        %parallel_loop3A_285 = arith.subi %parallel_loop3A_284, %parallel_loop3A_121 : i32
        %parallel_loop3A_286 = arith.index_cast %and3A_83 : i32 to index
        %parallel_loop3A_287 = arith.index_cast %parallel_loop3A_285 : i32 to index
        %parallel_loop3A_288 = arith.constant 16 : index
        %parallel_loop3A_289 = tpu.vector_load %arg6[%parallel_loop3A_286, %parallel_loop3A_287, %parallel_loop3A_288] {strides = array<i32>} : memref<2x48x256xf32, #tpu.memory_space<vmem>>, vector<1x1x16xf32>,
        %parallel_loop3A_290 = vector.shape_cast %parallel_loop3A_289 : vector<1x1x16xf32> to vector<16xf32>
        %parallel_loop3A_291 = arith.addf %parallel_loop3A_290, %parallel_loop3A_215 : vector<16xf32>
        %parallel_loop3A_292 = arith.constant 3 : i32
        %parallel_loop3A_293 = arith.index_cast %and3A_81 : i32 to index
        %parallel_loop3A_294 = arith.index_cast %parallel_loop3A_292 : i32 to index
        %parallel_loop3A_295 = arith.index_cast %parallel_loop3A_121 : i32 to index
        %parallel_loop3A_296 = arith.constant 16 : index
        %parallel_loop3A_297 = tpu.vector_load %arg7[%parallel_loop3A_293, %parallel_loop3A_294, %parallel_loop3A_295, %parallel_loop3A_296] {strides = array<i32>} : memref<2x4x32x256xf32, #tpu.memory_space<vmem>>, vector<1x1x1x16xf32>,
        %parallel_loop3A_298 = vector.shape_cast %parallel_loop3A_297 : vector<1x1x1x16xf32> to vector<16xf32>
        %parallel_loop3A_299 = vector.shape_cast %parallel_loop3A_291 : vector<16xf32> to vector<1x1x1x16xf32>
        tpu.vector_store %arg7[%parallel_loop3A_293, %parallel_loop3A_294, %parallel_loop3A_295, %parallel_loop3A_296], %parallel_loop3A_299 {strides = array<i32>} : memref<2x4x32x256xf32, #tpu.memory_space<vmem>>, vector<1x1x1x16xf32>,
        %parallel_loop3A_300 = arith.index_cast %and3A_83 : i32 to index
        %parallel_loop3A_301 = arith.index_cast %parallel_loop3A_121 : i32 to index
        %parallel_loop3A_302 = arith.constant 32 : index
        %parallel_loop3A_303 = tpu.vector_load %arg5[%parallel_loop3A_300, %parallel_loop3A_301, %parallel_loop3A_302] {strides = array<i32>} : memref<2x32x256xf32, #tpu.memory_space<vmem>>, vector<1x1x16xf32>,
        %parallel_loop3A_304 = vector.shape_cast %parallel_loop3A_303 : vector<1x1x16xf32> to vector<16xf32>
        %parallel_loop3A_305 = arith.constant 4 : i32
        %parallel_loop3A_306 = arith.muli %and3A_79, %parallel_loop3A_305 : i32
        %parallel_loop3A_307 = arith.constant 0 : i32
        %parallel_loop3A_308 = arith.addi %parallel_loop3A_306, %parallel_loop3A_307 : i32
        %parallel_loop3A_309 = arith.constant 31 : i32
        %parallel_loop3A_310 = arith.addi %parallel_loop3A_309, %parallel_loop3A_308 : i32
        %parallel_loop3A_311 = arith.subi %parallel_loop3A_310, %parallel_loop3A_121 : i32
        %parallel_loop3A_312 = arith.index_cast %and3A_83 : i32 to index
        %parallel_loop3A_313 = arith.index_cast %parallel_loop3A_311 : i32 to index
        %parallel_loop3A_314 = arith.constant 32 : index
        %parallel_loop3A_315 = tpu.vector_load %arg6[%parallel_loop3A_312, %parallel_loop3A_313, %parallel_loop3A_314] {strides = array<i32>} : memref<2x48x256xf32, #tpu.memory_space<vmem>>, vector<1x1x16xf32>,
        %parallel_loop3A_316 = vector.shape_cast %parallel_loop3A_315 : vector<1x1x16xf32> to vector<16xf32>
        %parallel_loop3A_317 = arith.addf %parallel_loop3A_316, %parallel_loop3A_304 : vector<16xf32>
        %parallel_loop3A_318 = arith.constant 0 : i32
        %parallel_loop3A_319 = arith.index_cast %and3A_81 : i32 to index
        %parallel_loop3A_320 = arith.index_cast %parallel_loop3A_318 : i32 to index
        %parallel_loop3A_321 = arith.index_cast %parallel_loop3A_121 : i32 to index
        %parallel_loop3A_322 = arith.constant 32 : index
        %parallel_loop3A_323 = tpu.vector_load %arg7[%parallel_loop3A_319, %parallel_loop3A_320, %parallel_loop3A_321, %parallel_loop3A_322] {strides = array<i32>} : memref<2x4x32x256xf32, #tpu.memory_space<vmem>>, vector<1x1x1x16xf32>,
        %parallel_loop3A_324 = vector.shape_cast %parallel_loop3A_323 : vector<1x1x1x16xf32> to vector<16xf32>
        %parallel_loop3A_325 = vector.shape_cast %parallel_loop3A_317 : vector<16xf32> to vector<1x1x1x16xf32>
        tpu.vector_store %arg7[%parallel_loop3A_319, %parallel_loop3A_320, %parallel_loop3A_321, %parallel_loop3A_322], %parallel_loop3A_325 {strides = array<i32>} : memref<2x4x32x256xf32, #tpu.memory_space<vmem>>, vector<1x1x1x16xf32>,
        %parallel_loop3A_326 = arith.constant 4 : i32
        %parallel_loop3A_327 = arith.muli %and3A_79, %parallel_loop3A_326 : i32
        %parallel_loop3A_328 = arith.constant 1 : i32
        %parallel_loop3A_329 = arith.addi %parallel_loop3A_327, %parallel_loop3A_328 : i32
        %parallel_loop3A_330 = arith.constant 31 : i32
        %parallel_loop3A_331 = arith.addi %parallel_loop3A_330, %parallel_loop3A_329 : i32
        %parallel_loop3A_332 = arith.subi %parallel_loop3A_331, %parallel_loop3A_121 : i32
        %parallel_loop3A_333 = arith.index_cast %and3A_83 : i32 to index
        %parallel_loop3A_334 = arith.index_cast %parallel_loop3A_332 : i32 to index
        %parallel_loop3A_335 = arith.constant 32 : index
        %parallel_loop3A_336 = tpu.vector_load %arg6[%parallel_loop3A_333, %parallel_loop3A_334, %parallel_loop3A_335] {strides = array<i32>} : memref<2x48x256xf32, #tpu.memory_space<vmem>>, vector<1x1x16xf32>,
        %parallel_loop3A_337 = vector.shape_cast %parallel_loop3A_336 : vector<1x1x16xf32> to vector<16xf32>
        %parallel_loop3A_338 = arith.addf %parallel_loop3A_337, %parallel_loop3A_304 : vector<16xf32>
        %parallel_loop3A_339 = arith.constant 1 : i32
        %parallel_loop3A_340 = arith.index_cast %and3A_81 : i32 to index
        %parallel_loop3A_341 = arith.index_cast %parallel_loop3A_339 : i32 to index
        %parallel_loop3A_342 = arith.index_cast %parallel_loop3A_121 : i32 to index
        %parallel_loop3A_343 = arith.constant 32 : index
        %parallel_loop3A_344 = tpu.vector_load %arg7[%parallel_loop3A_340, %parallel_loop3A_341, %parallel_loop3A_342, %parallel_loop3A_343] {strides = array<i32>} : memref<2x4x32x256xf32, #tpu.memory_space<vmem>>, vector<1x1x1x16xf32>,
        %parallel_loop3A_345 = vector.shape_cast %parallel_loop3A_344 : vector<1x1x1x16xf32> to vector<16xf32>
        %parallel_loop3A_346 = vector.shape_cast %parallel_loop3A_338 : vector<16xf32> to vector<1x1x1x16xf32>
        tpu.vector_store %arg7[%parallel_loop3A_340, %parallel_loop3A_341, %parallel_loop3A_342, %parallel_loop3A_343], %parallel_loop3A_346 {strides = array<i32>} : memref<2x4x32x256xf32, #tpu.memory_space<vmem>>, vector<1x1x1x16xf32>,
        %parallel_loop3A_347 = arith.constant 4 : i32
        %parallel_loop3A_348 = arith.muli %and3A_79, %parallel_loop3A_347 : i32
        %parallel_loop3A_349 = arith.constant 2 : i32
        %parallel_loop3A_350 = arith.addi %parallel_loop3A_348, %parallel_loop3A_349 : i32
        %parallel_loop3A_351 = arith.constant 31 : i32
        %parallel_loop3A_352 = arith.addi %parallel_loop3A_351, %parallel_loop3A_350 : i32
        %parallel_loop3A_353 = arith.subi %parallel_loop3A_352, %parallel_loop3A_121 : i32
        %parallel_loop3A_354 = arith.index_cast %and3A_83 : i32 to index
        %parallel_loop3A_355 = arith.index_cast %parallel_loop3A_353 : i32 to index
        %parallel_loop3A_356 = arith.constant 32 : index
        %parallel_loop3A_357 = tpu.vector_load %arg6[%parallel_loop3A_354, %parallel_loop3A_355, %parallel_loop3A_356] {strides = array<i32>} : memref<2x48x256xf32, #tpu.memory_space<vmem>>, vector<1x1x16xf32>,
        %parallel_loop3A_358 = vector.shape_cast %parallel_loop3A_357 : vector<1x1x16xf32> to vector<16xf32>
        %parallel_loop3A_359 = arith.addf %parallel_loop3A_358, %parallel_loop3A_304 : vector<16xf32>
        %parallel_loop3A_360 = arith.constant 2 : i32
        %parallel_loop3A_361 = arith.index_cast %and3A_81 : i32 to index
        %parallel_loop3A_362 = arith.index_cast %parallel_loop3A_360 : i32 to index
        %parallel_loop3A_363 = arith.index_cast %parallel_loop3A_121 : i32 to index
        %parallel_loop3A_364 = arith.constant 32 : index
        %parallel_loop3A_365 = tpu.vector_load %arg7[%parallel_loop3A_361, %parallel_loop3A_362, %parallel_loop3A_363, %parallel_loop3A_364] {strides = array<i32>} : memref<2x4x32x256xf32, #tpu.memory_space<vmem>>, vector<1x1x1x16xf32>,
        %parallel_loop3A_366 = vector.shape_cast %parallel_loop3A_365 : vector<1x1x1x16xf32> to vector<16xf32>
        %parallel_loop3A_367 = vector.shape_cast %parallel_loop3A_359 : vector<16xf32> to vector<1x1x1x16xf32>
        tpu.vector_store %arg7[%parallel_loop3A_361, %parallel_loop3A_362, %parallel_loop3A_363, %parallel_loop3A_364], %parallel_loop3A_367 {strides = array<i32>} : memref<2x4x32x256xf32, #tpu.memory_space<vmem>>, vector<1x1x1x16xf32>,
        %parallel_loop3A_368 = arith.constant 4 : i32
        %parallel_loop3A_369 = arith.muli %and3A_79, %parallel_loop3A_368 : i32
        %parallel_loop3A_370 = arith.constant 3 : i32
        %parallel_loop3A_371 = arith.addi %parallel_loop3A_369, %parallel_loop3A_370 : i32
        %parallel_loop3A_372 = arith.constant 31 : i32
        %parallel_loop3A_373 = arith.addi %parallel_loop3A_372, %parallel_loop3A_371 : i32
        %parallel_loop3A_374 = arith.subi %parallel_loop3A_373, %parallel_loop3A_121 : i32
        %parallel_loop3A_375 = arith.index_cast %and3A_83 : i32 to index
        %parallel_loop3A_376 = arith.index_cast %parallel_loop3A_374 : i32 to index
        %parallel_loop3A_377 = arith.constant 32 : index
        %parallel_loop3A_378 = tpu.vector_load %arg6[%parallel_loop3A_375, %parallel_loop3A_376, %parallel_loop3A_377] {strides = array<i32>} : memref<2x48x256xf32, #tpu.memory_space<vmem>>, vector<1x1x16xf32>,
        %parallel_loop3A_379 = vector.shape_cast %parallel_loop3A_378 : vector<1x1x16xf32> to vector<16xf32>
        %parallel_loop3A_380 = arith.addf %parallel_loop3A_379, %parallel_loop3A_304 : vector<16xf32>
        %parallel_loop3A_381 = arith.constant 3 : i32
        %parallel_loop3A_382 = arith.index_cast %and3A_81 : i32 to index
        %parallel_loop3A_383 = arith.index_cast %parallel_loop3A_381 : i32 to index
        %parallel_loop3A_384 = arith.index_cast %parallel_loop3A_121 : i32 to index
        %parallel_loop3A_385 = arith.constant 32 : index
        %parallel_loop3A_386 = tpu.vector_load %arg7[%parallel_loop3A_382, %parallel_loop3A_383, %parallel_loop3A_384, %parallel_loop3A_385] {strides = array<i32>} : memref<2x4x32x256xf32, #tpu.memory_space<vmem>>, vector<1x1x1x16xf32>,
        %parallel_loop3A_387 = vector.shape_cast %parallel_loop3A_386 : vector<1x1x1x16xf32> to vector<16xf32>
        %parallel_loop3A_388 = vector.shape_cast %parallel_loop3A_380 : vector<16xf32> to vector<1x1x1x16xf32>
        tpu.vector_store %arg7[%parallel_loop3A_382, %parallel_loop3A_383, %parallel_loop3A_384, %parallel_loop3A_385], %parallel_loop3A_388 {strides = array<i32>} : memref<2x4x32x256xf32, #tpu.memory_space<vmem>>, vector<1x1x1x16xf32>,
        %parallel_loop3A_389 = arith.index_cast %and3A_83 : i32 to index
        %parallel_loop3A_390 = arith.index_cast %parallel_loop3A_121 : i32 to index
        %parallel_loop3A_391 = arith.constant 48 : index
        %parallel_loop3A_392 = tpu.vector_load %arg5[%parallel_loop3A_389, %parallel_loop3A_390, %parallel_loop3A_391] {strides = array<i32>} : memref<2x32x256xf32, #tpu.memory_space<vmem>>, vector<1x1x16xf32>,
        %parallel_loop3A_393 = vector.shape_cast %parallel_loop3A_392 : vector<1x1x16xf32> to vector<16xf32>
        %parallel_loop3A_394 = arith.constant 4 : i32
        %parallel_loop3A_395 = arith.muli %and3A_79, %parallel_loop3A_394 : i32
        %parallel_loop3A_396 = arith.constant 0 : i32
        %parallel_loop3A_397 = arith.addi %parallel_loop3A_395, %parallel_loop3A_396 : i32
        %parallel_loop3A_398 = arith.constant 31 : i32
        %parallel_loop3A_399 = arith.addi %parallel_loop3A_398, %parallel_loop3A_397 : i32
        %parallel_loop3A_400 = arith.subi %parallel_loop3A_399, %parallel_loop3A_121 : i32
        %parallel_loop3A_401 = arith.index_cast %and3A_83 : i32 to index
        %parallel_loop3A_402 = arith.index_cast %parallel_loop3A_400 : i32 to index
        %parallel_loop3A_403 = arith.constant 48 : index
        %parallel_loop3A_404 = tpu.vector_load %arg6[%parallel_loop3A_401, %parallel_loop3A_402, %parallel_loop3A_403] {strides = array<i32>} : memref<2x48x256xf32, #tpu.memory_space<vmem>>, vector<1x1x16xf32>,
        %parallel_loop3A_405 = vector.shape_cast %parallel_loop3A_404 : vector<1x1x16xf32> to vector<16xf32>
        %parallel_loop3A_406 = arith.addf %parallel_loop3A_405, %parallel_loop3A_393 : vector<16xf32>
        %parallel_loop3A_407 = arith.constant 0 : i32
        %parallel_loop3A_408 = arith.index_cast %and3A_81 : i32 to index
        %parallel_loop3A_409 = arith.index_cast %parallel_loop3A_407 : i32 to index
        %parallel_loop3A_410 = arith.index_cast %parallel_loop3A_121 : i32 to index
        %parallel_loop3A_411 = arith.constant 48 : index
        %parallel_loop3A_412 = tpu.vector_load %arg7[%parallel_loop3A_408, %parallel_loop3A_409, %parallel_loop3A_410, %parallel_loop3A_411] {strides = array<i32>} : memref<2x4x32x256xf32, #tpu.memory_space<vmem>>, vector<1x1x1x16xf32>,
        %parallel_loop3A_413 = vector.shape_cast %parallel_loop3A_412 : vector<1x1x1x16xf32> to vector<16xf32>
        %parallel_loop3A_414 = vector.shape_cast %parallel_loop3A_406 : vector<16xf32> to vector<1x1x1x16xf32>
        tpu.vector_store %arg7[%parallel_loop3A_408, %parallel_loop3A_409, %parallel_loop3A_410, %parallel_loop3A_411], %parallel_loop3A_414 {strides = array<i32>} : memref<2x4x32x256xf32, #tpu.memory_space<vmem>>, vector<1x1x1x16xf32>,
        %parallel_loop3A_415 = arith.constant 4 : i32
        %parallel_loop3A_416 = arith.muli %and3A_79, %parallel_loop3A_415 : i32
        %parallel_loop3A_417 = arith.constant 1 : i32
        %parallel_loop3A_418 = arith.addi %parallel_loop3A_416, %parallel_loop3A_417 : i32
        %parallel_loop3A_419 = arith.constant 31 : i32
        %parallel_loop3A_420 = arith.addi %parallel_loop3A_419, %parallel_loop3A_418 : i32
        %parallel_loop3A_421 = arith.subi %parallel_loop3A_420, %parallel_loop3A_121 : i32
        %parallel_loop3A_422 = arith.index_cast %and3A_83 : i32 to index
        %parallel_loop3A_423 = arith.index_cast %parallel_loop3A_421 : i32 to index
        %parallel_loop3A_424 = arith.constant 48 : index
        %parallel_loop3A_425 = tpu.vector_load %arg6[%parallel_loop3A_422, %parallel_loop3A_423, %parallel_loop3A_424] {strides = array<i32>} : memref<2x48x256xf32, #tpu.memory_space<vmem>>, vector<1x1x16xf32>,
        %parallel_loop3A_426 = vector.shape_cast %parallel_loop3A_425 : vector<1x1x16xf32> to vector<16xf32>
        %parallel_loop3A_427 = arith.addf %parallel_loop3A_426, %parallel_loop3A_393 : vector<16xf32>
        %parallel_loop3A_428 = arith.constant 1 : i32
        %parallel_loop3A_429 = arith.index_cast %and3A_81 : i32 to index
        %parallel_loop3A_430 = arith.index_cast %parallel_loop3A_428 : i32 to index
        %parallel_loop3A_431 = arith.index_cast %parallel_loop3A_121 : i32 to index
        %parallel_loop3A_432 = arith.constant 48 : index
        %parallel_loop3A_433 = tpu.vector_load %arg7[%parallel_loop3A_429, %parallel_loop3A_430, %parallel_loop3A_431, %parallel_loop3A_432] {strides = array<i32>} : memref<2x4x32x256xf32, #tpu.memory_space<vmem>>, vector<1x1x1x16xf32>,
        %parallel_loop3A_434 = vector.shape_cast %parallel_loop3A_433 : vector<1x1x1x16xf32> to vector<16xf32>
        %parallel_loop3A_435 = vector.shape_cast %parallel_loop3A_427 : vector<16xf32> to vector<1x1x1x16xf32>
        tpu.vector_store %arg7[%parallel_loop3A_429, %parallel_loop3A_430, %parallel_loop3A_431, %parallel_loop3A_432], %parallel_loop3A_435 {strides = array<i32>} : memref<2x4x32x256xf32, #tpu.memory_space<vmem>>, vector<1x1x1x16xf32>,
        %parallel_loop3A_436 = arith.constant 4 : i32
        %parallel_loop3A_437 = arith.muli %and3A_79, %parallel_loop3A_436 : i32
        %parallel_loop3A_438 = arith.constant 2 : i32
        %parallel_loop3A_439 = arith.addi %parallel_loop3A_437, %parallel_loop3A_438 : i32
        %parallel_loop3A_440 = arith.constant 31 : i32
        %parallel_loop3A_441 = arith.addi %parallel_loop3A_440, %parallel_loop3A_439 : i32
        %parallel_loop3A_442 = arith.subi %parallel_loop3A_441, %parallel_loop3A_121 : i32
        %parallel_loop3A_443 = arith.index_cast %and3A_83 : i32 to index
        %parallel_loop3A_444 = arith.index_cast %parallel_loop3A_442 : i32 to index
        %parallel_loop3A_445 = arith.constant 48 : index
        %parallel_loop3A_446 = tpu.vector_load %arg6[%parallel_loop3A_443, %parallel_loop3A_444, %parallel_loop3A_445] {strides = array<i32>} : memref<2x48x256xf32, #tpu.memory_space<vmem>>, vector<1x1x16xf32>,
        %parallel_loop3A_447 = vector.shape_cast %parallel_loop3A_446 : vector<1x1x16xf32> to vector<16xf32>
        %parallel_loop3A_448 = arith.addf %parallel_loop3A_447, %parallel_loop3A_393 : vector<16xf32>
        %parallel_loop3A_449 = arith.constant 2 : i32
        %parallel_loop3A_450 = arith.index_cast %and3A_81 : i32 to index
        %parallel_loop3A_451 = arith.index_cast %parallel_loop3A_449 : i32 to index
        %parallel_loop3A_452 = arith.index_cast %parallel_loop3A_121 : i32 to index
        %parallel_loop3A_453 = arith.constant 48 : index
        %parallel_loop3A_454 = tpu.vector_load %arg7[%parallel_loop3A_450, %parallel_loop3A_451, %parallel_loop3A_452, %parallel_loop3A_453] {strides = array<i32>} : memref<2x4x32x256xf32, #tpu.memory_space<vmem>>, vector<1x1x1x16xf32>,
        %parallel_loop3A_455 = vector.shape_cast %parallel_loop3A_454 : vector<1x1x1x16xf32> to vector<16xf32>
        %parallel_loop3A_456 = vector.shape_cast %parallel_loop3A_448 : vector<16xf32> to vector<1x1x1x16xf32>
        tpu.vector_store %arg7[%parallel_loop3A_450, %parallel_loop3A_451, %parallel_loop3A_452, %parallel_loop3A_453], %parallel_loop3A_456 {strides = array<i32>} : memref<2x4x32x256xf32, #tpu.memory_space<vmem>>, vector<1x1x1x16xf32>,
        %parallel_loop3A_457 = arith.constant 4 : i32
        %parallel_loop3A_458 = arith.muli %and3A_79, %parallel_loop3A_457 : i32
        %parallel_loop3A_459 = arith.constant 3 : i32
        %parallel_loop3A_460 = arith.addi %parallel_loop3A_458, %parallel_loop3A_459 : i32
        %parallel_loop3A_461 = arith.constant 31 : i32
        %parallel_loop3A_462 = arith.addi %parallel_loop3A_461, %parallel_loop3A_460 : i32
        %parallel_loop3A_463 = arith.subi %parallel_loop3A_462, %parallel_loop3A_121 : i32
        %parallel_loop3A_464 = arith.index_cast %and3A_83 : i32 to index
        %parallel_loop3A_465 = arith.index_cast %parallel_loop3A_463 : i32 to index
        %parallel_loop3A_466 = arith.constant 48 : index
        %parallel_loop3A_467 = tpu.vector_load %arg6[%parallel_loop3A_464, %parallel_loop3A_465, %parallel_loop3A_466] {strides = array<i32>} : memref<2x48x256xf32, #tpu.memory_space<vmem>>, vector<1x1x16xf32>,
        %parallel_loop3A_468 = vector.shape_cast %parallel_loop3A_467 : vector<1x1x16xf32> to vector<16xf32>
        %parallel_loop3A_469 = arith.addf %parallel_loop3A_468, %parallel_loop3A_393 : vector<16xf32>
        %parallel_loop3A_470 = arith.constant 3 : i32
        %parallel_loop3A_471 = arith.index_cast %and3A_81 : i32 to index
        %parallel_loop3A_472 = arith.index_cast %parallel_loop3A_470 : i32 to index
        %parallel_loop3A_473 = arith.index_cast %parallel_loop3A_121 : i32 to index
        %parallel_loop3A_474 = arith.constant 48 : index
        %parallel_loop3A_475 = tpu.vector_load %arg7[%parallel_loop3A_471, %parallel_loop3A_472, %parallel_loop3A_473, %parallel_loop3A_474] {strides = array<i32>} : memref<2x4x32x256xf32, #tpu.memory_space<vmem>>, vector<1x1x1x16xf32>,
        %parallel_loop3A_476 = vector.shape_cast %parallel_loop3A_475 : vector<1x1x1x16xf32> to vector<16xf32>
        %parallel_loop3A_477 = vector.shape_cast %parallel_loop3A_469 : vector<16xf32> to vector<1x1x1x16xf32>
        tpu.vector_store %arg7[%parallel_loop3A_471, %parallel_loop3A_472, %parallel_loop3A_473, %parallel_loop3A_474], %parallel_loop3A_477 {strides = array<i32>} : memref<2x4x32x256xf32, #tpu.memory_space<vmem>>, vector<1x1x1x16xf32>,
        %parallel_loop3A_478 = arith.index_cast %and3A_83 : i32 to index
        %parallel_loop3A_479 = arith.index_cast %parallel_loop3A_121 : i32 to index
        %parallel_loop3A_480 = arith.constant 64 : index
        %parallel_loop3A_481 = tpu.vector_load %arg5[%parallel_loop3A_478, %parallel_loop3A_479, %parallel_loop3A_480] {strides = array<i32>} : memref<2x32x256xf32, #tpu.memory_space<vmem>>, vector<1x1x16xf32>,
        %parallel_loop3A_482 = vector.shape_cast %parallel_loop3A_481 : vector<1x1x16xf32> to vector<16xf32>
        %parallel_loop3A_483 = arith.constant 4 : i32
        %parallel_loop3A_484 = arith.muli %and3A_79, %parallel_loop3A_483 : i32
        %parallel_loop3A_485 = arith.constant 0 : i32
        %parallel_loop3A_486 = arith.addi %parallel_loop3A_484, %parallel_loop3A_485 : i32
        %parallel_loop3A_487 = arith.constant 31 : i32
        %parallel_loop3A_488 = arith.addi %parallel_loop3A_487, %parallel_loop3A_486 : i32
        %parallel_loop3A_489 = arith.subi %parallel_loop3A_488, %parallel_loop3A_121 : i32
        %parallel_loop3A_490 = arith.index_cast %and3A_83 : i32 to index
        %parallel_loop3A_491 = arith.index_cast %parallel_loop3A_489 : i32 to index
        %parallel_loop3A_492 = arith.constant 64 : index
        %parallel_loop3A_493 = tpu.vector_load %arg6[%parallel_loop3A_490, %parallel_loop3A_491, %parallel_loop3A_492] {strides = array<i32>} : memref<2x48x256xf32, #tpu.memory_space<vmem>>, vector<1x1x16xf32>,
        %parallel_loop3A_494 = vector.shape_cast %parallel_loop3A_493 : vector<1x1x16xf32> to vector<16xf32>
        %parallel_loop3A_495 = arith.addf %parallel_loop3A_494, %parallel_loop3A_482 : vector<16xf32>
        %parallel_loop3A_496 = arith.constant 0 : i32
        %parallel_loop3A_497 = arith.index_cast %and3A_81 : i32 to index
        %parallel_loop3A_498 = arith.index_cast %parallel_loop3A_496 : i32 to index
        %parallel_loop3A_499 = arith.index_cast %parallel_loop3A_121 : i32 to index
        %parallel_loop3A_500 = arith.constant 64 : index
        %parallel_loop3A_501 = tpu.vector_load %arg7[%parallel_loop3A_497, %parallel_loop3A_498, %parallel_loop3A_499, %parallel_loop3A_500] {strides = array<i32>} : memref<2x4x32x256xf32, #tpu.memory_space<vmem>>, vector<1x1x1x16xf32>,
        %parallel_loop3A_502 = vector.shape_cast %parallel_loop3A_501 : vector<1x1x1x16xf32> to vector<16xf32>
        %parallel_loop3A_503 = vector.shape_cast %parallel_loop3A_495 : vector<16xf32> to vector<1x1x1x16xf32>
        tpu.vector_store %arg7[%parallel_loop3A_497, %parallel_loop3A_498, %parallel_loop3A_499, %parallel_loop3A_500], %parallel_loop3A_503 {strides = array<i32>} : memref<2x4x32x256xf32, #tpu.memory_space<vmem>>, vector<1x1x1x16xf32>,
        %parallel_loop3A_504 = arith.constant 4 : i32
        %parallel_loop3A_505 = arith.muli %and3A_79, %parallel_loop3A_504 : i32
        %parallel_loop3A_506 = arith.constant 1 : i32
        %parallel_loop3A_507 = arith.addi %parallel_loop3A_505, %parallel_loop3A_506 : i32
        %parallel_loop3A_508 = arith.constant 31 : i32
        %parallel_loop3A_509 = arith.addi %parallel_loop3A_508, %parallel_loop3A_507 : i32
        %parallel_loop3A_510 = arith.subi %parallel_loop3A_509, %parallel_loop3A_121 : i32
        %parallel_loop3A_511 = arith.index_cast %and3A_83 : i32 to index
        %parallel_loop3A_512 = arith.index_cast %parallel_loop3A_510 : i32 to index
        %parallel_loop3A_513 = arith.constant 64 : index
        %parallel_loop3A_514 = tpu.vector_load %arg6[%parallel_loop3A_511, %parallel_loop3A_512, %parallel_loop3A_513] {strides = array<i32>} : memref<2x48x256xf32, #tpu.memory_space<vmem>>, vector<1x1x16xf32>,
        %parallel_loop3A_515 = vector.shape_cast %parallel_loop3A_514 : vector<1x1x16xf32> to vector<16xf32>
        %parallel_loop3A_516 = arith.addf %parallel_loop3A_515, %parallel_loop3A_482 : vector<16xf32>
        %parallel_loop3A_517 = arith.constant 1 : i32
        %parallel_loop3A_518 = arith.index_cast %and3A_81 : i32 to index
        %parallel_loop3A_519 = arith.index_cast %parallel_loop3A_517 : i32 to index
        %parallel_loop3A_520 = arith.index_cast %parallel_loop3A_121 : i32 to index
        %parallel_loop3A_521 = arith.constant 64 : index
        %parallel_loop3A_522 = tpu.vector_load %arg7[%parallel_loop3A_518, %parallel_loop3A_519, %parallel_loop3A_520, %parallel_loop3A_521] {strides = array<i32>} : memref<2x4x32x256xf32, #tpu.memory_space<vmem>>, vector<1x1x1x16xf32>,
        %parallel_loop3A_523 = vector.shape_cast %parallel_loop3A_522 : vector<1x1x1x16xf32> to vector<16xf32>
        %parallel_loop3A_524 = vector.shape_cast %parallel_loop3A_516 : vector<16xf32> to vector<1x1x1x16xf32>
        tpu.vector_store %arg7[%parallel_loop3A_518, %parallel_loop3A_519, %parallel_loop3A_520, %parallel_loop3A_521], %parallel_loop3A_524 {strides = array<i32>} : memref<2x4x32x256xf32, #tpu.memory_space<vmem>>, vector<1x1x1x16xf32>,
        %parallel_loop3A_525 = arith.constant 4 : i32
        %parallel_loop3A_526 = arith.muli %and3A_79, %parallel_loop3A_525 : i32
        %parallel_loop3A_527 = arith.constant 2 : i32
        %parallel_loop3A_528 = arith.addi %parallel_loop3A_526, %parallel_loop3A_527 : i32
        %parallel_loop3A_529 = arith.constant 31 : i32
        %parallel_loop3A_530 = arith.addi %parallel_loop3A_529, %parallel_loop3A_528 : i32
        %parallel_loop3A_531 = arith.subi %parallel_loop3A_530, %parallel_loop3A_121 : i32
        %parallel_loop3A_532 = arith.index_cast %and3A_83 : i32 to index
        %parallel_loop3A_533 = arith.index_cast %parallel_loop3A_531 : i32 to index
        %parallel_loop3A_534 = arith.constant 64 : index
        %parallel_loop3A_535 = tpu.vector_load %arg6[%parallel_loop3A_532, %parallel_loop3A_533, %parallel_loop3A_534] {strides = array<i32>} : memref<2x48x256xf32, #tpu.memory_space<vmem>>, vector<1x1x16xf32>,
        %parallel_loop3A_536 = vector.shape_cast %parallel_loop3A_535 : vector<1x1x16xf32> to vector<16xf32>
        %parallel_loop3A_537 = arith.addf %parallel_loop3A_536, %parallel_loop3A_482 : vector<16xf32>
        %parallel_loop3A_538 = arith.constant 2 : i32
        %parallel_loop3A_539 = arith.index_cast %and3A_81 : i32 to index
        %parallel_loop3A_540 = arith.index_cast %parallel_loop3A_538 : i32 to index
        %parallel_loop3A_541 = arith.index_cast %parallel_loop3A_121 : i32 to index
        %parallel_loop3A_542 = arith.constant 64 : index
        %parallel_loop3A_543 = tpu.vector_load %arg7[%parallel_loop3A_539, %parallel_loop3A_540, %parallel_loop3A_541, %parallel_loop3A_542] {strides = array<i32>} : memref<2x4x32x256xf32, #tpu.memory_space<vmem>>, vector<1x1x1x16xf32>,
        %parallel_loop3A_544 = vector.shape_cast %parallel_loop3A_543 : vector<1x1x1x16xf32> to vector<16xf32>
        %parallel_loop3A_545 = vector.shape_cast %parallel_loop3A_537 : vector<16xf32> to vector<1x1x1x16xf32>
        tpu.vector_store %arg7[%parallel_loop3A_539, %parallel_loop3A_540, %parallel_loop3A_541, %parallel_loop3A_542], %parallel_loop3A_545 {strides = array<i32>} : memref<2x4x32x256xf32, #tpu.memory_space<vmem>>, vector<1x1x1x16xf32>,
        %parallel_loop3A_546 = arith.constant 4 : i32
        %parallel_loop3A_547 = arith.muli %and3A_79, %parallel_loop3A_546 : i32
        %parallel_loop3A_548 = arith.constant 3 : i32
        %parallel_loop3A_549 = arith.addi %parallel_loop3A_547, %parallel_loop3A_548 : i32
        %parallel_loop3A_550 = arith.constant 31 : i32
        %parallel_loop3A_551 = arith.addi %parallel_loop3A_550, %parallel_loop3A_549 : i32
        %parallel_loop3A_552 = arith.subi %parallel_loop3A_551, %parallel_loop3A_121 : i32
        %parallel_loop3A_553 = arith.index_cast %and3A_83 : i32 to index
        %parallel_loop3A_554 = arith.index_cast %parallel_loop3A_552 : i32 to index
        %parallel_loop3A_555 = arith.constant 64 : index
        %parallel_loop3A_556 = tpu.vector_load %arg6[%parallel_loop3A_553, %parallel_loop3A_554, %parallel_loop3A_555] {strides = array<i32>} : memref<2x48x256xf32, #tpu.memory_space<vmem>>, vector<1x1x16xf32>,
        %parallel_loop3A_557 = vector.shape_cast %parallel_loop3A_556 : vector<1x1x16xf32> to vector<16xf32>
        %parallel_loop3A_558 = arith.addf %parallel_loop3A_557, %parallel_loop3A_482 : vector<16xf32>
        %parallel_loop3A_559 = arith.constant 3 : i32
        %parallel_loop3A_560 = arith.index_cast %and3A_81 : i32 to index
        %parallel_loop3A_561 = arith.index_cast %parallel_loop3A_559 : i32 to index
        %parallel_loop3A_562 = arith.index_cast %parallel_loop3A_121 : i32 to index
        %parallel_loop3A_563 = arith.constant 64 : index
        %parallel_loop3A_564 = tpu.vector_load %arg7[%parallel_loop3A_560, %parallel_loop3A_561, %parallel_loop3A_562, %parallel_loop3A_563] {strides = array<i32>} : memref<2x4x32x256xf32, #tpu.memory_space<vmem>>, vector<1x1x1x16xf32>,
        %parallel_loop3A_565 = vector.shape_cast %parallel_loop3A_564 : vector<1x1x1x16xf32> to vector<16xf32>
        %parallel_loop3A_566 = vector.shape_cast %parallel_loop3A_558 : vector<16xf32> to vector<1x1x1x16xf32>
        tpu.vector_store %arg7[%parallel_loop3A_560, %parallel_loop3A_561, %parallel_loop3A_562, %parallel_loop3A_563], %parallel_loop3A_566 {strides = array<i32>} : memref<2x4x32x256xf32, #tpu.memory_space<vmem>>, vector<1x1x1x16xf32>,
        %parallel_loop3A_567 = arith.index_cast %and3A_83 : i32 to index
        %parallel_loop3A_568 = arith.index_cast %parallel_loop3A_121 : i32 to index
        %parallel_loop3A_569 = arith.constant 80 : index
        %parallel_loop3A_570 = tpu.vector_load %arg5[%parallel_loop3A_567, %parallel_loop3A_568, %parallel_loop3A_569] {strides = array<i32>} : memref<2x32x256xf32, #tpu.memory_space<vmem>>, vector<1x1x16xf32>,
        %parallel_loop3A_571 = vector.shape_cast %parallel_loop3A_570 : vector<1x1x16xf32> to vector<16xf32>
        %parallel_loop3A_572 = arith.constant 4 : i32
        %parallel_loop3A_573 = arith.muli %and3A_79, %parallel_loop3A_572 : i32
        %parallel_loop3A_574 = arith.constant 0 : i32
        %parallel_loop3A_575 = arith.addi %parallel_loop3A_573, %parallel_loop3A_574 : i32
        %parallel_loop3A_576 = arith.constant 31 : i32
        %parallel_loop3A_577 = arith.addi %parallel_loop3A_576, %parallel_loop3A_575 : i32
        %parallel_loop3A_578 = arith.subi %parallel_loop3A_577, %parallel_loop3A_121 : i32
        %parallel_loop3A_579 = arith.index_cast %and3A_83 : i32 to index
        %parallel_loop3A_580 = arith.index_cast %parallel_loop3A_578 : i32 to index
        %parallel_loop3A_581 = arith.constant 80 : index
        %parallel_loop3A_582 = tpu.vector_load %arg6[%parallel_loop3A_579, %parallel_loop3A_580, %parallel_loop3A_581] {strides = array<i32>} : memref<2x48x256xf32, #tpu.memory_space<vmem>>, vector<1x1x16xf32>,
        %parallel_loop3A_583 = vector.shape_cast %parallel_loop3A_582 : vector<1x1x16xf32> to vector<16xf32>
        %parallel_loop3A_584 = arith.addf %parallel_loop3A_583, %parallel_loop3A_571 : vector<16xf32>
        %parallel_loop3A_585 = arith.constant 0 : i32
        %parallel_loop3A_586 = arith.index_cast %and3A_81 : i32 to index
        %parallel_loop3A_587 = arith.index_cast %parallel_loop3A_585 : i32 to index
        %parallel_loop3A_588 = arith.index_cast %parallel_loop3A_121 : i32 to index
        %parallel_loop3A_589 = arith.constant 80 : index
        %parallel_loop3A_590 = tpu.vector_load %arg7[%parallel_loop3A_586, %parallel_loop3A_587, %parallel_loop3A_588, %parallel_loop3A_589] {strides = array<i32>} : memref<2x4x32x256xf32, #tpu.memory_space<vmem>>, vector<1x1x1x16xf32>,
        %parallel_loop3A_591 = vector.shape_cast %parallel_loop3A_590 : vector<1x1x1x16xf32> to vector<16xf32>
        %parallel_loop3A_592 = vector.shape_cast %parallel_loop3A_584 : vector<16xf32> to vector<1x1x1x16xf32>
        tpu.vector_store %arg7[%parallel_loop3A_586, %parallel_loop3A_587, %parallel_loop3A_588, %parallel_loop3A_589], %parallel_loop3A_592 {strides = array<i32>} : memref<2x4x32x256xf32, #tpu.memory_space<vmem>>, vector<1x1x1x16xf32>,
        %parallel_loop3A_593 = arith.constant 4 : i32
        %parallel_loop3A_594 = arith.muli %and3A_79, %parallel_loop3A_593 : i32
        %parallel_loop3A_595 = arith.constant 1 : i32
        %parallel_loop3A_596 = arith.addi %parallel_loop3A_594, %parallel_loop3A_595 : i32
        %parallel_loop3A_597 = arith.constant 31 : i32
        %parallel_loop3A_598 = arith.addi %parallel_loop3A_597, %parallel_loop3A_596 : i32
        %parallel_loop3A_599 = arith.subi %parallel_loop3A_598, %parallel_loop3A_121 : i32
        %parallel_loop3A_600 = arith.index_cast %and3A_83 : i32 to index
        %parallel_loop3A_601 = arith.index_cast %parallel_loop3A_599 : i32 to index
        %parallel_loop3A_602 = arith.constant 80 : index
        %parallel_loop3A_603 = tpu.vector_load %arg6[%parallel_loop3A_600, %parallel_loop3A_601, %parallel_loop3A_602] {strides = array<i32>} : memref<2x48x256xf32, #tpu.memory_space<vmem>>, vector<1x1x16xf32>,
        %parallel_loop3A_604 = vector.shape_cast %parallel_loop3A_603 : vector<1x1x16xf32> to vector<16xf32>
        %parallel_loop3A_605 = arith.addf %parallel_loop3A_604, %parallel_loop3A_571 : vector<16xf32>
        %parallel_loop3A_606 = arith.constant 1 : i32
        %parallel_loop3A_607 = arith.index_cast %and3A_81 : i32 to index
        %parallel_loop3A_608 = arith.index_cast %parallel_loop3A_606 : i32 to index
        %parallel_loop3A_609 = arith.index_cast %parallel_loop3A_121 : i32 to index
        %parallel_loop3A_610 = arith.constant 80 : index
        %parallel_loop3A_611 = tpu.vector_load %arg7[%parallel_loop3A_607, %parallel_loop3A_608, %parallel_loop3A_609, %parallel_loop3A_610] {strides = array<i32>} : memref<2x4x32x256xf32, #tpu.memory_space<vmem>>, vector<1x1x1x16xf32>,
        %parallel_loop3A_612 = vector.shape_cast %parallel_loop3A_611 : vector<1x1x1x16xf32> to vector<16xf32>
        %parallel_loop3A_613 = vector.shape_cast %parallel_loop3A_605 : vector<16xf32> to vector<1x1x1x16xf32>
        tpu.vector_store %arg7[%parallel_loop3A_607, %parallel_loop3A_608, %parallel_loop3A_609, %parallel_loop3A_610], %parallel_loop3A_613 {strides = array<i32>} : memref<2x4x32x256xf32, #tpu.memory_space<vmem>>, vector<1x1x1x16xf32>,
        %parallel_loop3A_614 = arith.constant 4 : i32
        %parallel_loop3A_615 = arith.muli %and3A_79, %parallel_loop3A_614 : i32
        %parallel_loop3A_616 = arith.constant 2 : i32
        %parallel_loop3A_617 = arith.addi %parallel_loop3A_615, %parallel_loop3A_616 : i32
        %parallel_loop3A_618 = arith.constant 31 : i32
        %parallel_loop3A_619 = arith.addi %parallel_loop3A_618, %parallel_loop3A_617 : i32
        %parallel_loop3A_620 = arith.subi %parallel_loop3A_619, %parallel_loop3A_121 : i32
        %parallel_loop3A_621 = arith.index_cast %and3A_83 : i32 to index
        %parallel_loop3A_622 = arith.index_cast %parallel_loop3A_620 : i32 to index
        %parallel_loop3A_623 = arith.constant 80 : index
        %parallel_loop3A_624 = tpu.vector_load %arg6[%parallel_loop3A_621, %parallel_loop3A_622, %parallel_loop3A_623] {strides = array<i32>} : memref<2x48x256xf32, #tpu.memory_space<vmem>>, vector<1x1x16xf32>,
        %parallel_loop3A_625 = vector.shape_cast %parallel_loop3A_624 : vector<1x1x16xf32> to vector<16xf32>
        %parallel_loop3A_626 = arith.addf %parallel_loop3A_625, %parallel_loop3A_571 : vector<16xf32>
        %parallel_loop3A_627 = arith.constant 2 : i32
        %parallel_loop3A_628 = arith.index_cast %and3A_81 : i32 to index
        %parallel_loop3A_629 = arith.index_cast %parallel_loop3A_627 : i32 to index
        %parallel_loop3A_630 = arith.index_cast %parallel_loop3A_121 : i32 to index
        %parallel_loop3A_631 = arith.constant 80 : index
        %parallel_loop3A_632 = tpu.vector_load %arg7[%parallel_loop3A_628, %parallel_loop3A_629, %parallel_loop3A_630, %parallel_loop3A_631] {strides = array<i32>} : memref<2x4x32x256xf32, #tpu.memory_space<vmem>>, vector<1x1x1x16xf32>,
        %parallel_loop3A_633 = vector.shape_cast %parallel_loop3A_632 : vector<1x1x1x16xf32> to vector<16xf32>
        %parallel_loop3A_634 = vector.shape_cast %parallel_loop3A_626 : vector<16xf32> to vector<1x1x1x16xf32>
        tpu.vector_store %arg7[%parallel_loop3A_628, %parallel_loop3A_629, %parallel_loop3A_630, %parallel_loop3A_631], %parallel_loop3A_634 {strides = array<i32>} : memref<2x4x32x256xf32, #tpu.memory_space<vmem>>, vector<1x1x1x16xf32>,
        %parallel_loop3A_635 = arith.constant 4 : i32
        %parallel_loop3A_636 = arith.muli %and3A_79, %parallel_loop3A_635 : i32
        %parallel_loop3A_637 = arith.constant 3 : i32
        %parallel_loop3A_638 = arith.addi %parallel_loop3A_636, %parallel_loop3A_637 : i32
        %parallel_loop3A_639 = arith.constant 31 : i32
        %parallel_loop3A_640 = arith.addi %parallel_loop3A_639, %parallel_loop3A_638 : i32
        %parallel_loop3A_641 = arith.subi %parallel_loop3A_640, %parallel_loop3A_121 : i32
        %parallel_loop3A_642 = arith.index_cast %and3A_83 : i32 to index
        %parallel_loop3A_643 = arith.index_cast %parallel_loop3A_641 : i32 to index
        %parallel_loop3A_644 = arith.constant 80 : index
        %parallel_loop3A_645 = tpu.vector_load %arg6[%parallel_loop3A_642, %parallel_loop3A_643, %parallel_loop3A_644] {strides = array<i32>} : memref<2x48x256xf32, #tpu.memory_space<vmem>>, vector<1x1x16xf32>,
        %parallel_loop3A_646 = vector.shape_cast %parallel_loop3A_645 : vector<1x1x16xf32> to vector<16xf32>
        %parallel_loop3A_647 = arith.addf %parallel_loop3A_646, %parallel_loop3A_571 : vector<16xf32>
        %parallel_loop3A_648 = arith.constant 3 : i32
        %parallel_loop3A_649 = arith.index_cast %and3A_81 : i32 to index
        %parallel_loop3A_650 = arith.index_cast %parallel_loop3A_648 : i32 to index
        %parallel_loop3A_651 = arith.index_cast %parallel_loop3A_121 : i32 to index
        %parallel_loop3A_652 = arith.constant 80 : index
        %parallel_loop3A_653 = tpu.vector_load %arg7[%parallel_loop3A_649, %parallel_loop3A_650, %parallel_loop3A_651, %parallel_loop3A_652] {strides = array<i32>} : memref<2x4x32x256xf32, #tpu.memory_space<vmem>>, vector<1x1x1x16xf32>,
        %parallel_loop3A_654 = vector.shape_cast %parallel_loop3A_653 : vector<1x1x1x16xf32> to vector<16xf32>
        %parallel_loop3A_655 = vector.shape_cast %parallel_loop3A_647 : vector<16xf32> to vector<1x1x1x16xf32>
        tpu.vector_store %arg7[%parallel_loop3A_649, %parallel_loop3A_650, %parallel_loop3A_651, %parallel_loop3A_652], %parallel_loop3A_655 {strides = array<i32>} : memref<2x4x32x256xf32, #tpu.memory_space<vmem>>, vector<1x1x1x16xf32>,
        %parallel_loop3A_656 = arith.index_cast %and3A_83 : i32 to index
        %parallel_loop3A_657 = arith.index_cast %parallel_loop3A_121 : i32 to index
        %parallel_loop3A_658 = arith.constant 96 : index
        %parallel_loop3A_659 = tpu.vector_load %arg5[%parallel_loop3A_656, %parallel_loop3A_657, %parallel_loop3A_658] {strides = array<i32>} : memref<2x32x256xf32, #tpu.memory_space<vmem>>, vector<1x1x16xf32>,
        %parallel_loop3A_660 = vector.shape_cast %parallel_loop3A_659 : vector<1x1x16xf32> to vector<16xf32>
        %parallel_loop3A_661 = arith.constant 4 : i32
        %parallel_loop3A_662 = arith.muli %and3A_79, %parallel_loop3A_661 : i32
        %parallel_loop3A_663 = arith.constant 0 : i32
        %parallel_loop3A_664 = arith.addi %parallel_loop3A_662, %parallel_loop3A_663 : i32
        %parallel_loop3A_665 = arith.constant 31 : i32
        %parallel_loop3A_666 = arith.addi %parallel_loop3A_665, %parallel_loop3A_664 : i32
        %parallel_loop3A_667 = arith.subi %parallel_loop3A_666, %parallel_loop3A_121 : i32
        %parallel_loop3A_668 = arith.index_cast %and3A_83 : i32 to index
        %parallel_loop3A_669 = arith.index_cast %parallel_loop3A_667 : i32 to index
        %parallel_loop3A_670 = arith.constant 96 : index
        %parallel_loop3A_671 = tpu.vector_load %arg6[%parallel_loop3A_668, %parallel_loop3A_669, %parallel_loop3A_670] {strides = array<i32>} : memref<2x48x256xf32, #tpu.memory_space<vmem>>, vector<1x1x16xf32>,
        %parallel_loop3A_672 = vector.shape_cast %parallel_loop3A_671 : vector<1x1x16xf32> to vector<16xf32>
        %parallel_loop3A_673 = arith.addf %parallel_loop3A_672, %parallel_loop3A_660 : vector<16xf32>
        %parallel_loop3A_674 = arith.constant 0 : i32
        %parallel_loop3A_675 = arith.index_cast %and3A_81 : i32 to index
        %parallel_loop3A_676 = arith.index_cast %parallel_loop3A_674 : i32 to index
        %parallel_loop3A_677 = arith.index_cast %parallel_loop3A_121 : i32 to index
        %parallel_loop3A_678 = arith.constant 96 : index
        %parallel_loop3A_679 = tpu.vector_load %arg7[%parallel_loop3A_675, %parallel_loop3A_676, %parallel_loop3A_677, %parallel_loop3A_678] {strides = array<i32>} : memref<2x4x32x256xf32, #tpu.memory_space<vmem>>, vector<1x1x1x16xf32>,
        %parallel_loop3A_680 = vector.shape_cast %parallel_loop3A_679 : vector<1x1x1x16xf32> to vector<16xf32>
        %parallel_loop3A_681 = vector.shape_cast %parallel_loop3A_673 : vector<16xf32> to vector<1x1x1x16xf32>
        tpu.vector_store %arg7[%parallel_loop3A_675, %parallel_loop3A_676, %parallel_loop3A_677, %parallel_loop3A_678], %parallel_loop3A_681 {strides = array<i32>} : memref<2x4x32x256xf32, #tpu.memory_space<vmem>>, vector<1x1x1x16xf32>,
        %parallel_loop3A_682 = arith.constant 4 : i32
        %parallel_loop3A_683 = arith.muli %and3A_79, %parallel_loop3A_682 : i32
        %parallel_loop3A_684 = arith.constant 1 : i32
        %parallel_loop3A_685 = arith.addi %parallel_loop3A_683, %parallel_loop3A_684 : i32
        %parallel_loop3A_686 = arith.constant 31 : i32
        %parallel_loop3A_687 = arith.addi %parallel_loop3A_686, %parallel_loop3A_685 : i32
        %parallel_loop3A_688 = arith.subi %parallel_loop3A_687, %parallel_loop3A_121 : i32
        %parallel_loop3A_689 = arith.index_cast %and3A_83 : i32 to index
        %parallel_loop3A_690 = arith.index_cast %parallel_loop3A_688 : i32 to index
        %parallel_loop3A_691 = arith.constant 96 : index
        %parallel_loop3A_692 = tpu.vector_load %arg6[%parallel_loop3A_689, %parallel_loop3A_690, %parallel_loop3A_691] {strides = array<i32>} : memref<2x48x256xf32, #tpu.memory_space<vmem>>, vector<1x1x16xf32>,
        %parallel_loop3A_693 = vector.shape_cast %parallel_loop3A_692 : vector<1x1x16xf32> to vector<16xf32>
        %parallel_loop3A_694 = arith.addf %parallel_loop3A_693, %parallel_loop3A_660 : vector<16xf32>
        %parallel_loop3A_695 = arith.constant 1 : i32
        %parallel_loop3A_696 = arith.index_cast %and3A_81 : i32 to index
        %parallel_loop3A_697 = arith.index_cast %parallel_loop3A_695 : i32 to index
        %parallel_loop3A_698 = arith.index_cast %parallel_loop3A_121 : i32 to index
        %parallel_loop3A_699 = arith.constant 96 : index
        %parallel_loop3A_700 = tpu.vector_load %arg7[%parallel_loop3A_696, %parallel_loop3A_697, %parallel_loop3A_698, %parallel_loop3A_699] {strides = array<i32>} : memref<2x4x32x256xf32, #tpu.memory_space<vmem>>, vector<1x1x1x16xf32>,
        %parallel_loop3A_701 = vector.shape_cast %parallel_loop3A_700 : vector<1x1x1x16xf32> to vector<16xf32>
        %parallel_loop3A_702 = vector.shape_cast %parallel_loop3A_694 : vector<16xf32> to vector<1x1x1x16xf32>
        tpu.vector_store %arg7[%parallel_loop3A_696, %parallel_loop3A_697, %parallel_loop3A_698, %parallel_loop3A_699], %parallel_loop3A_702 {strides = array<i32>} : memref<2x4x32x256xf32, #tpu.memory_space<vmem>>, vector<1x1x1x16xf32>,
        %parallel_loop3A_703 = arith.constant 4 : i32
        %parallel_loop3A_704 = arith.muli %and3A_79, %parallel_loop3A_703 : i32
        %parallel_loop3A_705 = arith.constant 2 : i32
        %parallel_loop3A_706 = arith.addi %parallel_loop3A_704, %parallel_loop3A_705 : i32
        %parallel_loop3A_707 = arith.constant 31 : i32
        %parallel_loop3A_708 = arith.addi %parallel_loop3A_707, %parallel_loop3A_706 : i32
        %parallel_loop3A_709 = arith.subi %parallel_loop3A_708, %parallel_loop3A_121 : i32
        %parallel_loop3A_710 = arith.index_cast %and3A_83 : i32 to index
        %parallel_loop3A_711 = arith.index_cast %parallel_loop3A_709 : i32 to index
        %parallel_loop3A_712 = arith.constant 96 : index
        %parallel_loop3A_713 = tpu.vector_load %arg6[%parallel_loop3A_710, %parallel_loop3A_711, %parallel_loop3A_712] {strides = array<i32>} : memref<2x48x256xf32, #tpu.memory_space<vmem>>, vector<1x1x16xf32>,
        %parallel_loop3A_714 = vector.shape_cast %parallel_loop3A_713 : vector<1x1x16xf32> to vector<16xf32>
        %parallel_loop3A_715 = arith.addf %parallel_loop3A_714, %parallel_loop3A_660 : vector<16xf32>
        %parallel_loop3A_716 = arith.constant 2 : i32
        %parallel_loop3A_717 = arith.index_cast %and3A_81 : i32 to index
        %parallel_loop3A_718 = arith.index_cast %parallel_loop3A_716 : i32 to index
        %parallel_loop3A_719 = arith.index_cast %parallel_loop3A_121 : i32 to index
        %parallel_loop3A_720 = arith.constant 96 : index
        %parallel_loop3A_721 = tpu.vector_load %arg7[%parallel_loop3A_717, %parallel_loop3A_718, %parallel_loop3A_719, %parallel_loop3A_720] {strides = array<i32>} : memref<2x4x32x256xf32, #tpu.memory_space<vmem>>, vector<1x1x1x16xf32>,
        %parallel_loop3A_722 = vector.shape_cast %parallel_loop3A_721 : vector<1x1x1x16xf32> to vector<16xf32>
        %parallel_loop3A_723 = vector.shape_cast %parallel_loop3A_715 : vector<16xf32> to vector<1x1x1x16xf32>
        tpu.vector_store %arg7[%parallel_loop3A_717, %parallel_loop3A_718, %parallel_loop3A_719, %parallel_loop3A_720], %parallel_loop3A_723 {strides = array<i32>} : memref<2x4x32x256xf32, #tpu.memory_space<vmem>>, vector<1x1x1x16xf32>,
        %parallel_loop3A_724 = arith.constant 4 : i32
        %parallel_loop3A_725 = arith.muli %and3A_79, %parallel_loop3A_724 : i32
        %parallel_loop3A_726 = arith.constant 3 : i32
        %parallel_loop3A_727 = arith.addi %parallel_loop3A_725, %parallel_loop3A_726 : i32
        %parallel_loop3A_728 = arith.constant 31 : i32
        %parallel_loop3A_729 = arith.addi %parallel_loop3A_728, %parallel_loop3A_727 : i32
        %parallel_loop3A_730 = arith.subi %parallel_loop3A_729, %parallel_loop3A_121 : i32
        %parallel_loop3A_731 = arith.index_cast %and3A_83 : i32 to index
        %parallel_loop3A_732 = arith.index_cast %parallel_loop3A_730 : i32 to index
        %parallel_loop3A_733 = arith.constant 96 : index
        %parallel_loop3A_734 = tpu.vector_load %arg6[%parallel_loop3A_731, %parallel_loop3A_732, %parallel_loop3A_733] {strides = array<i32>} : memref<2x48x256xf32, #tpu.memory_space<vmem>>, vector<1x1x16xf32>,
        %parallel_loop3A_735 = vector.shape_cast %parallel_loop3A_734 : vector<1x1x16xf32> to vector<16xf32>
        %parallel_loop3A_736 = arith.addf %parallel_loop3A_735, %parallel_loop3A_660 : vector<16xf32>
        %parallel_loop3A_737 = arith.constant 3 : i32
        %parallel_loop3A_738 = arith.index_cast %and3A_81 : i32 to index
        %parallel_loop3A_739 = arith.index_cast %parallel_loop3A_737 : i32 to index
        %parallel_loop3A_740 = arith.index_cast %parallel_loop3A_121 : i32 to index
        %parallel_loop3A_741 = arith.constant 96 : index
        %parallel_loop3A_742 = tpu.vector_load %arg7[%parallel_loop3A_738, %parallel_loop3A_739, %parallel_loop3A_740, %parallel_loop3A_741] {strides = array<i32>} : memref<2x4x32x256xf32, #tpu.memory_space<vmem>>, vector<1x1x1x16xf32>,
        %parallel_loop3A_743 = vector.shape_cast %parallel_loop3A_742 : vector<1x1x1x16xf32> to vector<16xf32>
        %parallel_loop3A_744 = vector.shape_cast %parallel_loop3A_736 : vector<16xf32> to vector<1x1x1x16xf32>
        tpu.vector_store %arg7[%parallel_loop3A_738, %parallel_loop3A_739, %parallel_loop3A_740, %parallel_loop3A_741], %parallel_loop3A_744 {strides = array<i32>} : memref<2x4x32x256xf32, #tpu.memory_space<vmem>>, vector<1x1x1x16xf32>,
        %parallel_loop3A_745 = arith.index_cast %and3A_83 : i32 to index
        %parallel_loop3A_746 = arith.index_cast %parallel_loop3A_121 : i32 to index
        %parallel_loop3A_747 = arith.constant 112 : index
        %parallel_loop3A_748 = tpu.vector_load %arg5[%parallel_loop3A_745, %parallel_loop3A_746, %parallel_loop3A_747] {strides = array<i32>} : memref<2x32x256xf32, #tpu.memory_space<vmem>>, vector<1x1x16xf32>,
        %parallel_loop3A_749 = vector.shape_cast %parallel_loop3A_748 : vector<1x1x16xf32> to vector<16xf32>
        %parallel_loop3A_750 = arith.constant 4 : i32
        %parallel_loop3A_751 = arith.muli %and3A_79, %parallel_loop3A_750 : i32
        %parallel_loop3A_752 = arith.constant 0 : i32
        %parallel_loop3A_753 = arith.addi %parallel_loop3A_751, %parallel_loop3A_752 : i32
        %parallel_loop3A_754 = arith.constant 31 : i32
        %parallel_loop3A_755 = arith.addi %parallel_loop3A_754, %parallel_loop3A_753 : i32
        %parallel_loop3A_756 = arith.subi %parallel_loop3A_755, %parallel_loop3A_121 : i32
        %parallel_loop3A_757 = arith.index_cast %and3A_83 : i32 to index
        %parallel_loop3A_758 = arith.index_cast %parallel_loop3A_756 : i32 to index
        %parallel_loop3A_759 = arith.constant 112 : index
        %parallel_loop3A_760 = tpu.vector_load %arg6[%parallel_loop3A_757, %parallel_loop3A_758, %parallel_loop3A_759] {strides = array<i32>} : memref<2x48x256xf32, #tpu.memory_space<vmem>>, vector<1x1x16xf32>,
        %parallel_loop3A_761 = vector.shape_cast %parallel_loop3A_760 : vector<1x1x16xf32> to vector<16xf32>
        %parallel_loop3A_762 = arith.addf %parallel_loop3A_761, %parallel_loop3A_749 : vector<16xf32>
        %parallel_loop3A_763 = arith.constant 0 : i32
        %parallel_loop3A_764 = arith.index_cast %and3A_81 : i32 to index
        %parallel_loop3A_765 = arith.index_cast %parallel_loop3A_763 : i32 to index
        %parallel_loop3A_766 = arith.index_cast %parallel_loop3A_121 : i32 to index
        %parallel_loop3A_767 = arith.constant 112 : index
        %parallel_loop3A_768 = tpu.vector_load %arg7[%parallel_loop3A_764, %parallel_loop3A_765, %parallel_loop3A_766, %parallel_loop3A_767] {strides = array<i32>} : memref<2x4x32x256xf32, #tpu.memory_space<vmem>>, vector<1x1x1x16xf32>,
        %parallel_loop3A_769 = vector.shape_cast %parallel_loop3A_768 : vector<1x1x1x16xf32> to vector<16xf32>
        %parallel_loop3A_770 = vector.shape_cast %parallel_loop3A_762 : vector<16xf32> to vector<1x1x1x16xf32>
        tpu.vector_store %arg7[%parallel_loop3A_764, %parallel_loop3A_765, %parallel_loop3A_766, %parallel_loop3A_767], %parallel_loop3A_770 {strides = array<i32>} : memref<2x4x32x256xf32, #tpu.memory_space<vmem>>, vector<1x1x1x16xf32>,
        %parallel_loop3A_771 = arith.constant 4 : i32
        %parallel_loop3A_772 = arith.muli %and3A_79, %parallel_loop3A_771 : i32
        %parallel_loop3A_773 = arith.constant 1 : i32
        %parallel_loop3A_774 = arith.addi %parallel_loop3A_772, %parallel_loop3A_773 : i32
        %parallel_loop3A_775 = arith.constant 31 : i32
        %parallel_loop3A_776 = arith.addi %parallel_loop3A_775, %parallel_loop3A_774 : i32
        %parallel_loop3A_777 = arith.subi %parallel_loop3A_776, %parallel_loop3A_121 : i32
        %parallel_loop3A_778 = arith.index_cast %and3A_83 : i32 to index
        %parallel_loop3A_779 = arith.index_cast %parallel_loop3A_777 : i32 to index
        %parallel_loop3A_780 = arith.constant 112 : index
        %parallel_loop3A_781 = tpu.vector_load %arg6[%parallel_loop3A_778, %parallel_loop3A_779, %parallel_loop3A_780] {strides = array<i32>} : memref<2x48x256xf32, #tpu.memory_space<vmem>>, vector<1x1x16xf32>,
        %parallel_loop3A_782 = vector.shape_cast %parallel_loop3A_781 : vector<1x1x16xf32> to vector<16xf32>
        %parallel_loop3A_783 = arith.addf %parallel_loop3A_782, %parallel_loop3A_749 : vector<16xf32>
        %parallel_loop3A_784 = arith.constant 1 : i32
        %parallel_loop3A_785 = arith.index_cast %and3A_81 : i32 to index
        %parallel_loop3A_786 = arith.index_cast %parallel_loop3A_784 : i32 to index
        %parallel_loop3A_787 = arith.index_cast %parallel_loop3A_121 : i32 to index
        %parallel_loop3A_788 = arith.constant 112 : index
        %parallel_loop3A_789 = tpu.vector_load %arg7[%parallel_loop3A_785, %parallel_loop3A_786, %parallel_loop3A_787, %parallel_loop3A_788] {strides = array<i32>} : memref<2x4x32x256xf32, #tpu.memory_space<vmem>>, vector<1x1x1x16xf32>,
        %parallel_loop3A_790 = vector.shape_cast %parallel_loop3A_789 : vector<1x1x1x16xf32> to vector<16xf32>
        %parallel_loop3A_791 = vector.shape_cast %parallel_loop3A_783 : vector<16xf32> to vector<1x1x1x16xf32>
        tpu.vector_store %arg7[%parallel_loop3A_785, %parallel_loop3A_786, %parallel_loop3A_787, %parallel_loop3A_788], %parallel_loop3A_791 {strides = array<i32>} : memref<2x4x32x256xf32, #tpu.memory_space<vmem>>, vector<1x1x1x16xf32>,
        %parallel_loop3A_792 = arith.constant 4 : i32
        %parallel_loop3A_793 = arith.muli %and3A_79, %parallel_loop3A_792 : i32
        %parallel_loop3A_794 = arith.constant 2 : i32
        %parallel_loop3A_795 = arith.addi %parallel_loop3A_793, %parallel_loop3A_794 : i32
        %parallel_loop3A_796 = arith.constant 31 : i32
        %parallel_loop3A_797 = arith.addi %parallel_loop3A_796, %parallel_loop3A_795 : i32
        %parallel_loop3A_798 = arith.subi %parallel_loop3A_797, %parallel_loop3A_121 : i32
        %parallel_loop3A_799 = arith.index_cast %and3A_83 : i32 to index
        %parallel_loop3A_800 = arith.index_cast %parallel_loop3A_798 : i32 to index
        %parallel_loop3A_801 = arith.constant 112 : index
        %parallel_loop3A_802 = tpu.vector_load %arg6[%parallel_loop3A_799, %parallel_loop3A_800, %parallel_loop3A_801] {strides = array<i32>} : memref<2x48x256xf32, #tpu.memory_space<vmem>>, vector<1x1x16xf32>,
        %parallel_loop3A_803 = vector.shape_cast %parallel_loop3A_802 : vector<1x1x16xf32> to vector<16xf32>
        %parallel_loop3A_804 = arith.addf %parallel_loop3A_803, %parallel_loop3A_749 : vector<16xf32>
        %parallel_loop3A_805 = arith.constant 2 : i32
        %parallel_loop3A_806 = arith.index_cast %and3A_81 : i32 to index
        %parallel_loop3A_807 = arith.index_cast %parallel_loop3A_805 : i32 to index
        %parallel_loop3A_808 = arith.index_cast %parallel_loop3A_121 : i32 to index
        %parallel_loop3A_809 = arith.constant 112 : index
        %parallel_loop3A_810 = tpu.vector_load %arg7[%parallel_loop3A_806, %parallel_loop3A_807, %parallel_loop3A_808, %parallel_loop3A_809] {strides = array<i32>} : memref<2x4x32x256xf32, #tpu.memory_space<vmem>>, vector<1x1x1x16xf32>,
        %parallel_loop3A_811 = vector.shape_cast %parallel_loop3A_810 : vector<1x1x1x16xf32> to vector<16xf32>
        %parallel_loop3A_812 = vector.shape_cast %parallel_loop3A_804 : vector<16xf32> to vector<1x1x1x16xf32>
        tpu.vector_store %arg7[%parallel_loop3A_806, %parallel_loop3A_807, %parallel_loop3A_808, %parallel_loop3A_809], %parallel_loop3A_812 {strides = array<i32>} : memref<2x4x32x256xf32, #tpu.memory_space<vmem>>, vector<1x1x1x16xf32>,
        %parallel_loop3A_813 = arith.constant 4 : i32
        %parallel_loop3A_814 = arith.muli %and3A_79, %parallel_loop3A_813 : i32
        %parallel_loop3A_815 = arith.constant 3 : i32
        %parallel_loop3A_816 = arith.addi %parallel_loop3A_814, %parallel_loop3A_815 : i32
        %parallel_loop3A_817 = arith.constant 31 : i32
        %parallel_loop3A_818 = arith.addi %parallel_loop3A_817, %parallel_loop3A_816 : i32
        %parallel_loop3A_819 = arith.subi %parallel_loop3A_818, %parallel_loop3A_121 : i32
        %parallel_loop3A_820 = arith.index_cast %and3A_83 : i32 to index
        %parallel_loop3A_821 = arith.index_cast %parallel_loop3A_819 : i32 to index
        %parallel_loop3A_822 = arith.constant 112 : index
        %parallel_loop3A_823 = tpu.vector_load %arg6[%parallel_loop3A_820, %parallel_loop3A_821, %parallel_loop3A_822] {strides = array<i32>} : memref<2x48x256xf32, #tpu.memory_space<vmem>>, vector<1x1x16xf32>,
        %parallel_loop3A_824 = vector.shape_cast %parallel_loop3A_823 : vector<1x1x16xf32> to vector<16xf32>
        %parallel_loop3A_825 = arith.addf %parallel_loop3A_824, %parallel_loop3A_749 : vector<16xf32>
        %parallel_loop3A_826 = arith.constant 3 : i32
        %parallel_loop3A_827 = arith.index_cast %and3A_81 : i32 to index
        %parallel_loop3A_828 = arith.index_cast %parallel_loop3A_826 : i32 to index
        %parallel_loop3A_829 = arith.index_cast %parallel_loop3A_121 : i32 to index
        %parallel_loop3A_830 = arith.constant 112 : index
        %parallel_loop3A_831 = tpu.vector_load %arg7[%parallel_loop3A_827, %parallel_loop3A_828, %parallel_loop3A_829, %parallel_loop3A_830] {strides = array<i32>} : memref<2x4x32x256xf32, #tpu.memory_space<vmem>>, vector<1x1x1x16xf32>,
        %parallel_loop3A_832 = vector.shape_cast %parallel_loop3A_831 : vector<1x1x1x16xf32> to vector<16xf32>
        %parallel_loop3A_833 = vector.shape_cast %parallel_loop3A_825 : vector<16xf32> to vector<1x1x1x16xf32>
        tpu.vector_store %arg7[%parallel_loop3A_827, %parallel_loop3A_828, %parallel_loop3A_829, %parallel_loop3A_830], %parallel_loop3A_833 {strides = array<i32>} : memref<2x4x32x256xf32, #tpu.memory_space<vmem>>, vector<1x1x1x16xf32>,
        %parallel_loop3A_834 = arith.index_cast %and3A_83 : i32 to index
        %parallel_loop3A_835 = arith.index_cast %parallel_loop3A_121 : i32 to index
        %parallel_loop3A_836 = arith.constant 128 : index
        %parallel_loop3A_837 = tpu.vector_load %arg5[%parallel_loop3A_834, %parallel_loop3A_835, %parallel_loop3A_836] {strides = array<i32>} : memref<2x32x256xf32, #tpu.memory_space<vmem>>, vector<1x1x16xf32>,
        %parallel_loop3A_838 = vector.shape_cast %parallel_loop3A_837 : vector<1x1x16xf32> to vector<16xf32>
        %parallel_loop3A_839 = arith.constant 4 : i32
        %parallel_loop3A_840 = arith.muli %and3A_79, %parallel_loop3A_839 : i32
        %parallel_loop3A_841 = arith.constant 0 : i32
        %parallel_loop3A_842 = arith.addi %parallel_loop3A_840, %parallel_loop3A_841 : i32
        %parallel_loop3A_843 = arith.constant 31 : i32
        %parallel_loop3A_844 = arith.addi %parallel_loop3A_843, %parallel_loop3A_842 : i32
        %parallel_loop3A_845 = arith.subi %parallel_loop3A_844, %parallel_loop3A_121 : i32
        %parallel_loop3A_846 = arith.index_cast %and3A_83 : i32 to index
        %parallel_loop3A_847 = arith.index_cast %parallel_loop3A_845 : i32 to index
        %parallel_loop3A_848 = arith.constant 128 : index
        %parallel_loop3A_849 = tpu.vector_load %arg6[%parallel_loop3A_846, %parallel_loop3A_847, %parallel_loop3A_848] {strides = array<i32>} : memref<2x48x256xf32, #tpu.memory_space<vmem>>, vector<1x1x16xf32>,
        %parallel_loop3A_850 = vector.shape_cast %parallel_loop3A_849 : vector<1x1x16xf32> to vector<16xf32>
        %parallel_loop3A_851 = arith.addf %parallel_loop3A_850, %parallel_loop3A_838 : vector<16xf32>
        %parallel_loop3A_852 = arith.constant 0 : i32
        %parallel_loop3A_853 = arith.index_cast %and3A_81 : i32 to index
        %parallel_loop3A_854 = arith.index_cast %parallel_loop3A_852 : i32 to index
        %parallel_loop3A_855 = arith.index_cast %parallel_loop3A_121 : i32 to index
        %parallel_loop3A_856 = arith.constant 128 : index
        %parallel_loop3A_857 = tpu.vector_load %arg7[%parallel_loop3A_853, %parallel_loop3A_854, %parallel_loop3A_855, %parallel_loop3A_856] {strides = array<i32>} : memref<2x4x32x256xf32, #tpu.memory_space<vmem>>, vector<1x1x1x16xf32>,
        %parallel_loop3A_858 = vector.shape_cast %parallel_loop3A_857 : vector<1x1x1x16xf32> to vector<16xf32>
        %parallel_loop3A_859 = vector.shape_cast %parallel_loop3A_851 : vector<16xf32> to vector<1x1x1x16xf32>
        tpu.vector_store %arg7[%parallel_loop3A_853, %parallel_loop3A_854, %parallel_loop3A_855, %parallel_loop3A_856], %parallel_loop3A_859 {strides = array<i32>} : memref<2x4x32x256xf32, #tpu.memory_space<vmem>>, vector<1x1x1x16xf32>,
        %parallel_loop3A_860 = arith.constant 4 : i32
        %parallel_loop3A_861 = arith.muli %and3A_79, %parallel_loop3A_860 : i32
        %parallel_loop3A_862 = arith.constant 1 : i32
        %parallel_loop3A_863 = arith.addi %parallel_loop3A_861, %parallel_loop3A_862 : i32
        %parallel_loop3A_864 = arith.constant 31 : i32
        %parallel_loop3A_865 = arith.addi %parallel_loop3A_864, %parallel_loop3A_863 : i32
        %parallel_loop3A_866 = arith.subi %parallel_loop3A_865, %parallel_loop3A_121 : i32
        %parallel_loop3A_867 = arith.index_cast %and3A_83 : i32 to index
        %parallel_loop3A_868 = arith.index_cast %parallel_loop3A_866 : i32 to index
        %parallel_loop3A_869 = arith.constant 128 : index
        %parallel_loop3A_870 = tpu.vector_load %arg6[%parallel_loop3A_867, %parallel_loop3A_868, %parallel_loop3A_869] {strides = array<i32>} : memref<2x48x256xf32, #tpu.memory_space<vmem>>, vector<1x1x16xf32>,
        %parallel_loop3A_871 = vector.shape_cast %parallel_loop3A_870 : vector<1x1x16xf32> to vector<16xf32>
        %parallel_loop3A_872 = arith.addf %parallel_loop3A_871, %parallel_loop3A_838 : vector<16xf32>
        %parallel_loop3A_873 = arith.constant 1 : i32
        %parallel_loop3A_874 = arith.index_cast %and3A_81 : i32 to index
        %parallel_loop3A_875 = arith.index_cast %parallel_loop3A_873 : i32 to index
        %parallel_loop3A_876 = arith.index_cast %parallel_loop3A_121 : i32 to index
        %parallel_loop3A_877 = arith.constant 128 : index
        %parallel_loop3A_878 = tpu.vector_load %arg7[%parallel_loop3A_874, %parallel_loop3A_875, %parallel_loop3A_876, %parallel_loop3A_877] {strides = array<i32>} : memref<2x4x32x256xf32, #tpu.memory_space<vmem>>, vector<1x1x1x16xf32>,
        %parallel_loop3A_879 = vector.shape_cast %parallel_loop3A_878 : vector<1x1x1x16xf32> to vector<16xf32>
        %parallel_loop3A_880 = vector.shape_cast %parallel_loop3A_872 : vector<16xf32> to vector<1x1x1x16xf32>
        tpu.vector_store %arg7[%parallel_loop3A_874, %parallel_loop3A_875, %parallel_loop3A_876, %parallel_loop3A_877], %parallel_loop3A_880 {strides = array<i32>} : memref<2x4x32x256xf32, #tpu.memory_space<vmem>>, vector<1x1x1x16xf32>,
        %parallel_loop3A_881 = arith.constant 4 : i32
        %parallel_loop3A_882 = arith.muli %and3A_79, %parallel_loop3A_881 : i32
        %parallel_loop3A_883 = arith.constant 2 : i32
        %parallel_loop3A_884 = arith.addi %parallel_loop3A_882, %parallel_loop3A_883 : i32
        %parallel_loop3A_885 = arith.constant 31 : i32
        %parallel_loop3A_886 = arith.addi %parallel_loop3A_885, %parallel_loop3A_884 : i32
        %parallel_loop3A_887 = arith.subi %parallel_loop3A_886, %parallel_loop3A_121 : i32
        %parallel_loop3A_888 = arith.index_cast %and3A_83 : i32 to index
        %parallel_loop3A_889 = arith.index_cast %parallel_loop3A_887 : i32 to index
        %parallel_loop3A_890 = arith.constant 128 : index
        %parallel_loop3A_891 = tpu.vector_load %arg6[%parallel_loop3A_888, %parallel_loop3A_889, %parallel_loop3A_890] {strides = array<i32>} : memref<2x48x256xf32, #tpu.memory_space<vmem>>, vector<1x1x16xf32>,
        %parallel_loop3A_892 = vector.shape_cast %parallel_loop3A_891 : vector<1x1x16xf32> to vector<16xf32>
        %parallel_loop3A_893 = arith.addf %parallel_loop3A_892, %parallel_loop3A_838 : vector<16xf32>
        %parallel_loop3A_894 = arith.constant 2 : i32
        %parallel_loop3A_895 = arith.index_cast %and3A_81 : i32 to index
        %parallel_loop3A_896 = arith.index_cast %parallel_loop3A_894 : i32 to index
        %parallel_loop3A_897 = arith.index_cast %parallel_loop3A_121 : i32 to index
        %parallel_loop3A_898 = arith.constant 128 : index
        %parallel_loop3A_899 = tpu.vector_load %arg7[%parallel_loop3A_895, %parallel_loop3A_896, %parallel_loop3A_897, %parallel_loop3A_898] {strides = array<i32>} : memref<2x4x32x256xf32, #tpu.memory_space<vmem>>, vector<1x1x1x16xf32>,
        %parallel_loop3A_900 = vector.shape_cast %parallel_loop3A_899 : vector<1x1x1x16xf32> to vector<16xf32>
        %parallel_loop3A_901 = vector.shape_cast %parallel_loop3A_893 : vector<16xf32> to vector<1x1x1x16xf32>
        tpu.vector_store %arg7[%parallel_loop3A_895, %parallel_loop3A_896, %parallel_loop3A_897, %parallel_loop3A_898], %parallel_loop3A_901 {strides = array<i32>} : memref<2x4x32x256xf32, #tpu.memory_space<vmem>>, vector<1x1x1x16xf32>,
        %parallel_loop3A_902 = arith.constant 4 : i32
        %parallel_loop3A_903 = arith.muli %and3A_79, %parallel_loop3A_902 : i32
        %parallel_loop3A_904 = arith.constant 3 : i32
        %parallel_loop3A_905 = arith.addi %parallel_loop3A_903, %parallel_loop3A_904 : i32
        %parallel_loop3A_906 = arith.constant 31 : i32
        %parallel_loop3A_907 = arith.addi %parallel_loop3A_906, %parallel_loop3A_905 : i32
        %parallel_loop3A_908 = arith.subi %parallel_loop3A_907, %parallel_loop3A_121 : i32
        %parallel_loop3A_909 = arith.index_cast %and3A_83 : i32 to index
        %parallel_loop3A_910 = arith.index_cast %parallel_loop3A_908 : i32 to index
        %parallel_loop3A_911 = arith.constant 128 : index
        %parallel_loop3A_912 = tpu.vector_load %arg6[%parallel_loop3A_909, %parallel_loop3A_910, %parallel_loop3A_911] {strides = array<i32>} : memref<2x48x256xf32, #tpu.memory_space<vmem>>, vector<1x1x16xf32>,
        %parallel_loop3A_913 = vector.shape_cast %parallel_loop3A_912 : vector<1x1x16xf32> to vector<16xf32>
        %parallel_loop3A_914 = arith.addf %parallel_loop3A_913, %parallel_loop3A_838 : vector<16xf32>
        %parallel_loop3A_915 = arith.constant 3 : i32
        %parallel_loop3A_916 = arith.index_cast %and3A_81 : i32 to index
        %parallel_loop3A_917 = arith.index_cast %parallel_loop3A_915 : i32 to index
        %parallel_loop3A_918 = arith.index_cast %parallel_loop3A_121 : i32 to index
        %parallel_loop3A_919 = arith.constant 128 : index
        %parallel_loop3A_920 = tpu.vector_load %arg7[%parallel_loop3A_916, %parallel_loop3A_917, %parallel_loop3A_918, %parallel_loop3A_919] {strides = array<i32>} : memref<2x4x32x256xf32, #tpu.memory_space<vmem>>, vector<1x1x1x16xf32>,
        %parallel_loop3A_921 = vector.shape_cast %parallel_loop3A_920 : vector<1x1x1x16xf32> to vector<16xf32>
        %parallel_loop3A_922 = vector.shape_cast %parallel_loop3A_914 : vector<16xf32> to vector<1x1x1x16xf32>
        tpu.vector_store %arg7[%parallel_loop3A_916, %parallel_loop3A_917, %parallel_loop3A_918, %parallel_loop3A_919], %parallel_loop3A_922 {strides = array<i32>} : memref<2x4x32x256xf32, #tpu.memory_space<vmem>>, vector<1x1x1x16xf32>,
        %parallel_loop3A_923 = arith.index_cast %and3A_83 : i32 to index
        %parallel_loop3A_924 = arith.index_cast %parallel_loop3A_121 : i32 to index
        %parallel_loop3A_925 = arith.constant 144 : index
        %parallel_loop3A_926 = tpu.vector_load %arg5[%parallel_loop3A_923, %parallel_loop3A_924, %parallel_loop3A_925] {strides = array<i32>} : memref<2x32x256xf32, #tpu.memory_space<vmem>>, vector<1x1x16xf32>,
        %parallel_loop3A_927 = vector.shape_cast %parallel_loop3A_926 : vector<1x1x16xf32> to vector<16xf32>
        %parallel_loop3A_928 = arith.constant 4 : i32
        %parallel_loop3A_929 = arith.muli %and3A_79, %parallel_loop3A_928 : i32
        %parallel_loop3A_930 = arith.constant 0 : i32
        %parallel_loop3A_931 = arith.addi %parallel_loop3A_929, %parallel_loop3A_930 : i32
        %parallel_loop3A_932 = arith.constant 31 : i32
        %parallel_loop3A_933 = arith.addi %parallel_loop3A_932, %parallel_loop3A_931 : i32
        %parallel_loop3A_934 = arith.subi %parallel_loop3A_933, %parallel_loop3A_121 : i32
        %parallel_loop3A_935 = arith.index_cast %and3A_83 : i32 to index
        %parallel_loop3A_936 = arith.index_cast %parallel_loop3A_934 : i32 to index
        %parallel_loop3A_937 = arith.constant 144 : index
        %parallel_loop3A_938 = tpu.vector_load %arg6[%parallel_loop3A_935, %parallel_loop3A_936, %parallel_loop3A_937] {strides = array<i32>} : memref<2x48x256xf32, #tpu.memory_space<vmem>>, vector<1x1x16xf32>,
        %parallel_loop3A_939 = vector.shape_cast %parallel_loop3A_938 : vector<1x1x16xf32> to vector<16xf32>
        %parallel_loop3A_940 = arith.addf %parallel_loop3A_939, %parallel_loop3A_927 : vector<16xf32>
        %parallel_loop3A_941 = arith.constant 0 : i32
        %parallel_loop3A_942 = arith.index_cast %and3A_81 : i32 to index
        %parallel_loop3A_943 = arith.index_cast %parallel_loop3A_941 : i32 to index
        %parallel_loop3A_944 = arith.index_cast %parallel_loop3A_121 : i32 to index
        %parallel_loop3A_945 = arith.constant 144 : index
        %parallel_loop3A_946 = tpu.vector_load %arg7[%parallel_loop3A_942, %parallel_loop3A_943, %parallel_loop3A_944, %parallel_loop3A_945] {strides = array<i32>} : memref<2x4x32x256xf32, #tpu.memory_space<vmem>>, vector<1x1x1x16xf32>,
        %parallel_loop3A_947 = vector.shape_cast %parallel_loop3A_946 : vector<1x1x1x16xf32> to vector<16xf32>
        %parallel_loop3A_948 = vector.shape_cast %parallel_loop3A_940 : vector<16xf32> to vector<1x1x1x16xf32>
        tpu.vector_store %arg7[%parallel_loop3A_942, %parallel_loop3A_943, %parallel_loop3A_944, %parallel_loop3A_945], %parallel_loop3A_948 {strides = array<i32>} : memref<2x4x32x256xf32, #tpu.memory_space<vmem>>, vector<1x1x1x16xf32>,
        %parallel_loop3A_949 = arith.constant 4 : i32
        %parallel_loop3A_950 = arith.muli %and3A_79, %parallel_loop3A_949 : i32
        %parallel_loop3A_951 = arith.constant 1 : i32
        %parallel_loop3A_952 = arith.addi %parallel_loop3A_950, %parallel_loop3A_951 : i32
        %parallel_loop3A_953 = arith.constant 31 : i32
        %parallel_loop3A_954 = arith.addi %parallel_loop3A_953, %parallel_loop3A_952 : i32
        %parallel_loop3A_955 = arith.subi %parallel_loop3A_954, %parallel_loop3A_121 : i32
        %parallel_loop3A_956 = arith.index_cast %and3A_83 : i32 to index
        %parallel_loop3A_957 = arith.index_cast %parallel_loop3A_955 : i32 to index
        %parallel_loop3A_958 = arith.constant 144 : index
        %parallel_loop3A_959 = tpu.vector_load %arg6[%parallel_loop3A_956, %parallel_loop3A_957, %parallel_loop3A_958] {strides = array<i32>} : memref<2x48x256xf32, #tpu.memory_space<vmem>>, vector<1x1x16xf32>,
        %parallel_loop3A_960 = vector.shape_cast %parallel_loop3A_959 : vector<1x1x16xf32> to vector<16xf32>
        %parallel_loop3A_961 = arith.addf %parallel_loop3A_960, %parallel_loop3A_927 : vector<16xf32>
        %parallel_loop3A_962 = arith.constant 1 : i32
        %parallel_loop3A_963 = arith.index_cast %and3A_81 : i32 to index
        %parallel_loop3A_964 = arith.index_cast %parallel_loop3A_962 : i32 to index
        %parallel_loop3A_965 = arith.index_cast %parallel_loop3A_121 : i32 to index
        %parallel_loop3A_966 = arith.constant 144 : index
        %parallel_loop3A_967 = tpu.vector_load %arg7[%parallel_loop3A_963, %parallel_loop3A_964, %parallel_loop3A_965, %parallel_loop3A_966] {strides = array<i32>} : memref<2x4x32x256xf32, #tpu.memory_space<vmem>>, vector<1x1x1x16xf32>,
        %parallel_loop3A_968 = vector.shape_cast %parallel_loop3A_967 : vector<1x1x1x16xf32> to vector<16xf32>
        %parallel_loop3A_969 = vector.shape_cast %parallel_loop3A_961 : vector<16xf32> to vector<1x1x1x16xf32>
        tpu.vector_store %arg7[%parallel_loop3A_963, %parallel_loop3A_964, %parallel_loop3A_965, %parallel_loop3A_966], %parallel_loop3A_969 {strides = array<i32>} : memref<2x4x32x256xf32, #tpu.memory_space<vmem>>, vector<1x1x1x16xf32>,
        %parallel_loop3A_970 = arith.constant 4 : i32
        %parallel_loop3A_971 = arith.muli %and3A_79, %parallel_loop3A_970 : i32
        %parallel_loop3A_972 = arith.constant 2 : i32
        %parallel_loop3A_973 = arith.addi %parallel_loop3A_971, %parallel_loop3A_972 : i32
        %parallel_loop3A_974 = arith.constant 31 : i32
        %parallel_loop3A_975 = arith.addi %parallel_loop3A_974, %parallel_loop3A_973 : i32
        %parallel_loop3A_976 = arith.subi %parallel_loop3A_975, %parallel_loop3A_121 : i32
        %parallel_loop3A_977 = arith.index_cast %and3A_83 : i32 to index
        %parallel_loop3A_978 = arith.index_cast %parallel_loop3A_976 : i32 to index
        %parallel_loop3A_979 = arith.constant 144 : index
        %parallel_loop3A_980 = tpu.vector_load %arg6[%parallel_loop3A_977, %parallel_loop3A_978, %parallel_loop3A_979] {strides = array<i32>} : memref<2x48x256xf32, #tpu.memory_space<vmem>>, vector<1x1x16xf32>,
        %parallel_loop3A_981 = vector.shape_cast %parallel_loop3A_980 : vector<1x1x16xf32> to vector<16xf32>
        %parallel_loop3A_982 = arith.addf %parallel_loop3A_981, %parallel_loop3A_927 : vector<16xf32>
        %parallel_loop3A_983 = arith.constant 2 : i32
        %parallel_loop3A_984 = arith.index_cast %and3A_81 : i32 to index
        %parallel_loop3A_985 = arith.index_cast %parallel_loop3A_983 : i32 to index
        %parallel_loop3A_986 = arith.index_cast %parallel_loop3A_121 : i32 to index
        %parallel_loop3A_987 = arith.constant 144 : index
        %parallel_loop3A_988 = tpu.vector_load %arg7[%parallel_loop3A_984, %parallel_loop3A_985, %parallel_loop3A_986, %parallel_loop3A_987] {strides = array<i32>} : memref<2x4x32x256xf32, #tpu.memory_space<vmem>>, vector<1x1x1x16xf32>,
        %parallel_loop3A_989 = vector.shape_cast %parallel_loop3A_988 : vector<1x1x1x16xf32> to vector<16xf32>
        %parallel_loop3A_990 = vector.shape_cast %parallel_loop3A_982 : vector<16xf32> to vector<1x1x1x16xf32>
        tpu.vector_store %arg7[%parallel_loop3A_984, %parallel_loop3A_985, %parallel_loop3A_986, %parallel_loop3A_987], %parallel_loop3A_990 {strides = array<i32>} : memref<2x4x32x256xf32, #tpu.memory_space<vmem>>, vector<1x1x1x16xf32>,
        %parallel_loop3A_991 = arith.constant 4 : i32
        %parallel_loop3A_992 = arith.muli %and3A_79, %parallel_loop3A_991 : i32
        %parallel_loop3A_993 = arith.constant 3 : i32
        %parallel_loop3A_994 = arith.addi %parallel_loop3A_992, %parallel_loop3A_993 : i32
        %parallel_loop3A_995 = arith.constant 31 : i32
        %parallel_loop3A_996 = arith.addi %parallel_loop3A_995, %parallel_loop3A_994 : i32
        %parallel_loop3A_997 = arith.subi %parallel_loop3A_996, %parallel_loop3A_121 : i32
        %parallel_loop3A_998 = arith.index_cast %and3A_83 : i32 to index
        %parallel_loop3A_999 = arith.index_cast %parallel_loop3A_997 : i32 to index
        %parallel_loop3A_1000 = arith.constant 144 : index
        %parallel_loop3A_1001 = tpu.vector_load %arg6[%parallel_loop3A_998, %parallel_loop3A_999, %parallel_loop3A_1000] {strides = array<i32>} : memref<2x48x256xf32, #tpu.memory_space<vmem>>, vector<1x1x16xf32>,
        %parallel_loop3A_1002 = vector.shape_cast %parallel_loop3A_1001 : vector<1x1x16xf32> to vector<16xf32>
        %parallel_loop3A_1003 = arith.addf %parallel_loop3A_1002, %parallel_loop3A_927 : vector<16xf32>
        %parallel_loop3A_1004 = arith.constant 3 : i32
        %parallel_loop3A_1005 = arith.index_cast %and3A_81 : i32 to index
        %parallel_loop3A_1006 = arith.index_cast %parallel_loop3A_1004 : i32 to index
        %parallel_loop3A_1007 = arith.index_cast %parallel_loop3A_121 : i32 to index
        %parallel_loop3A_1008 = arith.constant 144 : index
        %parallel_loop3A_1009 = tpu.vector_load %arg7[%parallel_loop3A_1005, %parallel_loop3A_1006, %parallel_loop3A_1007, %parallel_loop3A_1008] {strides = array<i32>} : memref<2x4x32x256xf32, #tpu.memory_space<vmem>>, vector<1x1x1x16xf32>,
        %parallel_loop3A_1010 = vector.shape_cast %parallel_loop3A_1009 : vector<1x1x1x16xf32> to vector<16xf32>
        %parallel_loop3A_1011 = vector.shape_cast %parallel_loop3A_1003 : vector<16xf32> to vector<1x1x1x16xf32>
        tpu.vector_store %arg7[%parallel_loop3A_1005, %parallel_loop3A_1006, %parallel_loop3A_1007, %parallel_loop3A_1008], %parallel_loop3A_1011 {strides = array<i32>} : memref<2x4x32x256xf32, #tpu.memory_space<vmem>>, vector<1x1x1x16xf32>,
        %parallel_loop3A_1012 = arith.index_cast %and3A_83 : i32 to index
        %parallel_loop3A_1013 = arith.index_cast %parallel_loop3A_121 : i32 to index
        %parallel_loop3A_1014 = arith.constant 160 : index
        %parallel_loop3A_1015 = tpu.vector_load %arg5[%parallel_loop3A_1012, %parallel_loop3A_1013, %parallel_loop3A_1014] {strides = array<i32>} : memref<2x32x256xf32, #tpu.memory_space<vmem>>, vector<1x1x16xf32>,
        %parallel_loop3A_1016 = vector.shape_cast %parallel_loop3A_1015 : vector<1x1x16xf32> to vector<16xf32>
        %parallel_loop3A_1017 = arith.constant 4 : i32
        %parallel_loop3A_1018 = arith.muli %and3A_79, %parallel_loop3A_1017 : i32
        %parallel_loop3A_1019 = arith.constant 0 : i32
        %parallel_loop3A_1020 = arith.addi %parallel_loop3A_1018, %parallel_loop3A_1019 : i32
        %parallel_loop3A_1021 = arith.constant 31 : i32
        %parallel_loop3A_1022 = arith.addi %parallel_loop3A_1021, %parallel_loop3A_1020 : i32
        %parallel_loop3A_1023 = arith.subi %parallel_loop3A_1022, %parallel_loop3A_121 : i32
        %parallel_loop3A_1024 = arith.index_cast %and3A_83 : i32 to index
        %parallel_loop3A_1025 = arith.index_cast %parallel_loop3A_1023 : i32 to index
        %parallel_loop3A_1026 = arith.constant 160 : index
        %parallel_loop3A_1027 = tpu.vector_load %arg6[%parallel_loop3A_1024, %parallel_loop3A_1025, %parallel_loop3A_1026] {strides = array<i32>} : memref<2x48x256xf32, #tpu.memory_space<vmem>>, vector<1x1x16xf32>,
        %parallel_loop3A_1028 = vector.shape_cast %parallel_loop3A_1027 : vector<1x1x16xf32> to vector<16xf32>
        %parallel_loop3A_1029 = arith.addf %parallel_loop3A_1028, %parallel_loop3A_1016 : vector<16xf32>
        %parallel_loop3A_1030 = arith.constant 0 : i32
        %parallel_loop3A_1031 = arith.index_cast %and3A_81 : i32 to index
        %parallel_loop3A_1032 = arith.index_cast %parallel_loop3A_1030 : i32 to index
        %parallel_loop3A_1033 = arith.index_cast %parallel_loop3A_121 : i32 to index
        %parallel_loop3A_1034 = arith.constant 160 : index
        %parallel_loop3A_1035 = tpu.vector_load %arg7[%parallel_loop3A_1031, %parallel_loop3A_1032, %parallel_loop3A_1033, %parallel_loop3A_1034] {strides = array<i32>} : memref<2x4x32x256xf32, #tpu.memory_space<vmem>>, vector<1x1x1x16xf32>,
        %parallel_loop3A_1036 = vector.shape_cast %parallel_loop3A_1035 : vector<1x1x1x16xf32> to vector<16xf32>
        %parallel_loop3A_1037 = vector.shape_cast %parallel_loop3A_1029 : vector<16xf32> to vector<1x1x1x16xf32>
        tpu.vector_store %arg7[%parallel_loop3A_1031, %parallel_loop3A_1032, %parallel_loop3A_1033, %parallel_loop3A_1034], %parallel_loop3A_1037 {strides = array<i32>} : memref<2x4x32x256xf32, #tpu.memory_space<vmem>>, vector<1x1x1x16xf32>,
        %parallel_loop3A_1038 = arith.constant 4 : i32
        %parallel_loop3A_1039 = arith.muli %and3A_79, %parallel_loop3A_1038 : i32
        %parallel_loop3A_1040 = arith.constant 1 : i32
        %parallel_loop3A_1041 = arith.addi %parallel_loop3A_1039, %parallel_loop3A_1040 : i32
        %parallel_loop3A_1042 = arith.constant 31 : i32
        %parallel_loop3A_1043 = arith.addi %parallel_loop3A_1042, %parallel_loop3A_1041 : i32
        %parallel_loop3A_1044 = arith.subi %parallel_loop3A_1043, %parallel_loop3A_121 : i32
        %parallel_loop3A_1045 = arith.index_cast %and3A_83 : i32 to index
        %parallel_loop3A_1046 = arith.index_cast %parallel_loop3A_1044 : i32 to index
        %parallel_loop3A_1047 = arith.constant 160 : index
        %parallel_loop3A_1048 = tpu.vector_load %arg6[%parallel_loop3A_1045, %parallel_loop3A_1046, %parallel_loop3A_1047] {strides = array<i32>} : memref<2x48x256xf32, #tpu.memory_space<vmem>>, vector<1x1x16xf32>,
        %parallel_loop3A_1049 = vector.shape_cast %parallel_loop3A_1048 : vector<1x1x16xf32> to vector<16xf32>
        %parallel_loop3A_1050 = arith.addf %parallel_loop3A_1049, %parallel_loop3A_1016 : vector<16xf32>
        %parallel_loop3A_1051 = arith.constant 1 : i32
        %parallel_loop3A_1052 = arith.index_cast %and3A_81 : i32 to index
        %parallel_loop3A_1053 = arith.index_cast %parallel_loop3A_1051 : i32 to index
        %parallel_loop3A_1054 = arith.index_cast %parallel_loop3A_121 : i32 to index
        %parallel_loop3A_1055 = arith.constant 160 : index
        %parallel_loop3A_1056 = tpu.vector_load %arg7[%parallel_loop3A_1052, %parallel_loop3A_1053, %parallel_loop3A_1054, %parallel_loop3A_1055] {strides = array<i32>} : memref<2x4x32x256xf32, #tpu.memory_space<vmem>>, vector<1x1x1x16xf32>,
        %parallel_loop3A_1057 = vector.shape_cast %parallel_loop3A_1056 : vector<1x1x1x16xf32> to vector<16xf32>
        %parallel_loop3A_1058 = vector.shape_cast %parallel_loop3A_1050 : vector<16xf32> to vector<1x1x1x16xf32>
        tpu.vector_store %arg7[%parallel_loop3A_1052, %parallel_loop3A_1053, %parallel_loop3A_1054, %parallel_loop3A_1055], %parallel_loop3A_1058 {strides = array<i32>} : memref<2x4x32x256xf32, #tpu.memory_space<vmem>>, vector<1x1x1x16xf32>,
        %parallel_loop3A_1059 = arith.constant 4 : i32
        %parallel_loop3A_1060 = arith.muli %and3A_79, %parallel_loop3A_1059 : i32
        %parallel_loop3A_1061 = arith.constant 2 : i32
        %parallel_loop3A_1062 = arith.addi %parallel_loop3A_1060, %parallel_loop3A_1061 : i32
        %parallel_loop3A_1063 = arith.constant 31 : i32
        %parallel_loop3A_1064 = arith.addi %parallel_loop3A_1063, %parallel_loop3A_1062 : i32
        %parallel_loop3A_1065 = arith.subi %parallel_loop3A_1064, %parallel_loop3A_121 : i32
        %parallel_loop3A_1066 = arith.index_cast %and3A_83 : i32 to index
        %parallel_loop3A_1067 = arith.index_cast %parallel_loop3A_1065 : i32 to index
        %parallel_loop3A_1068 = arith.constant 160 : index
        %parallel_loop3A_1069 = tpu.vector_load %arg6[%parallel_loop3A_1066, %parallel_loop3A_1067, %parallel_loop3A_1068] {strides = array<i32>} : memref<2x48x256xf32, #tpu.memory_space<vmem>>, vector<1x1x16xf32>,
        %parallel_loop3A_1070 = vector.shape_cast %parallel_loop3A_1069 : vector<1x1x16xf32> to vector<16xf32>
        %parallel_loop3A_1071 = arith.addf %parallel_loop3A_1070, %parallel_loop3A_1016 : vector<16xf32>
        %parallel_loop3A_1072 = arith.constant 2 : i32
        %parallel_loop3A_1073 = arith.index_cast %and3A_81 : i32 to index
        %parallel_loop3A_1074 = arith.index_cast %parallel_loop3A_1072 : i32 to index
        %parallel_loop3A_1075 = arith.index_cast %parallel_loop3A_121 : i32 to index
        %parallel_loop3A_1076 = arith.constant 160 : index
        %parallel_loop3A_1077 = tpu.vector_load %arg7[%parallel_loop3A_1073, %parallel_loop3A_1074, %parallel_loop3A_1075, %parallel_loop3A_1076] {strides = array<i32>} : memref<2x4x32x256xf32, #tpu.memory_space<vmem>>, vector<1x1x1x16xf32>,
        %parallel_loop3A_1078 = vector.shape_cast %parallel_loop3A_1077 : vector<1x1x1x16xf32> to vector<16xf32>
        %parallel_loop3A_1079 = vector.shape_cast %parallel_loop3A_1071 : vector<16xf32> to vector<1x1x1x16xf32>
        tpu.vector_store %arg7[%parallel_loop3A_1073, %parallel_loop3A_1074, %parallel_loop3A_1075, %parallel_loop3A_1076], %parallel_loop3A_1079 {strides = array<i32>} : memref<2x4x32x256xf32, #tpu.memory_space<vmem>>, vector<1x1x1x16xf32>,
        %parallel_loop3A_1080 = arith.constant 4 : i32
        %parallel_loop3A_1081 = arith.muli %and3A_79, %parallel_loop3A_1080 : i32
        %parallel_loop3A_1082 = arith.constant 3 : i32
        %parallel_loop3A_1083 = arith.addi %parallel_loop3A_1081, %parallel_loop3A_1082 : i32
        %parallel_loop3A_1084 = arith.constant 31 : i32
        %parallel_loop3A_1085 = arith.addi %parallel_loop3A_1084, %parallel_loop3A_1083 : i32
        %parallel_loop3A_1086 = arith.subi %parallel_loop3A_1085, %parallel_loop3A_121 : i32
        %parallel_loop3A_1087 = arith.index_cast %and3A_83 : i32 to index
        %parallel_loop3A_1088 = arith.index_cast %parallel_loop3A_1086 : i32 to index
        %parallel_loop3A_1089 = arith.constant 160 : index
        %parallel_loop3A_1090 = tpu.vector_load %arg6[%parallel_loop3A_1087, %parallel_loop3A_1088, %parallel_loop3A_1089] {strides = array<i32>} : memref<2x48x256xf32, #tpu.memory_space<vmem>>, vector<1x1x16xf32>,
        %parallel_loop3A_1091 = vector.shape_cast %parallel_loop3A_1090 : vector<1x1x16xf32> to vector<16xf32>
        %parallel_loop3A_1092 = arith.addf %parallel_loop3A_1091, %parallel_loop3A_1016 : vector<16xf32>
        %parallel_loop3A_1093 = arith.constant 3 : i32
        %parallel_loop3A_1094 = arith.index_cast %and3A_81 : i32 to index
        %parallel_loop3A_1095 = arith.index_cast %parallel_loop3A_1093 : i32 to index
        %parallel_loop3A_1096 = arith.index_cast %parallel_loop3A_121 : i32 to index
        %parallel_loop3A_1097 = arith.constant 160 : index
        %parallel_loop3A_1098 = tpu.vector_load %arg7[%parallel_loop3A_1094, %parallel_loop3A_1095, %parallel_loop3A_1096, %parallel_loop3A_1097] {strides = array<i32>} : memref<2x4x32x256xf32, #tpu.memory_space<vmem>>, vector<1x1x1x16xf32>,
        %parallel_loop3A_1099 = vector.shape_cast %parallel_loop3A_1098 : vector<1x1x1x16xf32> to vector<16xf32>
        %parallel_loop3A_1100 = vector.shape_cast %parallel_loop3A_1092 : vector<16xf32> to vector<1x1x1x16xf32>
        tpu.vector_store %arg7[%parallel_loop3A_1094, %parallel_loop3A_1095, %parallel_loop3A_1096, %parallel_loop3A_1097], %parallel_loop3A_1100 {strides = array<i32>} : memref<2x4x32x256xf32, #tpu.memory_space<vmem>>, vector<1x1x1x16xf32>,
        %parallel_loop3A_1101 = arith.index_cast %and3A_83 : i32 to index
        %parallel_loop3A_1102 = arith.index_cast %parallel_loop3A_121 : i32 to index
        %parallel_loop3A_1103 = arith.constant 176 : index
        %parallel_loop3A_1104 = tpu.vector_load %arg5[%parallel_loop3A_1101, %parallel_loop3A_1102, %parallel_loop3A_1103] {strides = array<i32>} : memref<2x32x256xf32, #tpu.memory_space<vmem>>, vector<1x1x16xf32>,
        %parallel_loop3A_1105 = vector.shape_cast %parallel_loop3A_1104 : vector<1x1x16xf32> to vector<16xf32>
        %parallel_loop3A_1106 = arith.constant 4 : i32
        %parallel_loop3A_1107 = arith.muli %and3A_79, %parallel_loop3A_1106 : i32
        %parallel_loop3A_1108 = arith.constant 0 : i32
        %parallel_loop3A_1109 = arith.addi %parallel_loop3A_1107, %parallel_loop3A_1108 : i32
        %parallel_loop3A_1110 = arith.constant 31 : i32
        %parallel_loop3A_1111 = arith.addi %parallel_loop3A_1110, %parallel_loop3A_1109 : i32
        %parallel_loop3A_1112 = arith.subi %parallel_loop3A_1111, %parallel_loop3A_121 : i32
        %parallel_loop3A_1113 = arith.index_cast %and3A_83 : i32 to index
        %parallel_loop3A_1114 = arith.index_cast %parallel_loop3A_1112 : i32 to index
        %parallel_loop3A_1115 = arith.constant 176 : index
        %parallel_loop3A_1116 = tpu.vector_load %arg6[%parallel_loop3A_1113, %parallel_loop3A_1114, %parallel_loop3A_1115] {strides = array<i32>} : memref<2x48x256xf32, #tpu.memory_space<vmem>>, vector<1x1x16xf32>,
        %parallel_loop3A_1117 = vector.shape_cast %parallel_loop3A_1116 : vector<1x1x16xf32> to vector<16xf32>
        %parallel_loop3A_1118 = arith.addf %parallel_loop3A_1117, %parallel_loop3A_1105 : vector<16xf32>
        %parallel_loop3A_1119 = arith.constant 0 : i32
        %parallel_loop3A_1120 = arith.index_cast %and3A_81 : i32 to index
        %parallel_loop3A_1121 = arith.index_cast %parallel_loop3A_1119 : i32 to index
        %parallel_loop3A_1122 = arith.index_cast %parallel_loop3A_121 : i32 to index
        %parallel_loop3A_1123 = arith.constant 176 : index
        %parallel_loop3A_1124 = tpu.vector_load %arg7[%parallel_loop3A_1120, %parallel_loop3A_1121, %parallel_loop3A_1122, %parallel_loop3A_1123] {strides = array<i32>} : memref<2x4x32x256xf32, #tpu.memory_space<vmem>>, vector<1x1x1x16xf32>,
        %parallel_loop3A_1125 = vector.shape_cast %parallel_loop3A_1124 : vector<1x1x1x16xf32> to vector<16xf32>
        %parallel_loop3A_1126 = vector.shape_cast %parallel_loop3A_1118 : vector<16xf32> to vector<1x1x1x16xf32>
        tpu.vector_store %arg7[%parallel_loop3A_1120, %parallel_loop3A_1121, %parallel_loop3A_1122, %parallel_loop3A_1123], %parallel_loop3A_1126 {strides = array<i32>} : memref<2x4x32x256xf32, #tpu.memory_space<vmem>>, vector<1x1x1x16xf32>,
        %parallel_loop3A_1127 = arith.constant 4 : i32
        %parallel_loop3A_1128 = arith.muli %and3A_79, %parallel_loop3A_1127 : i32
        %parallel_loop3A_1129 = arith.constant 1 : i32
        %parallel_loop3A_1130 = arith.addi %parallel_loop3A_1128, %parallel_loop3A_1129 : i32
        %parallel_loop3A_1131 = arith.constant 31 : i32
        %parallel_loop3A_1132 = arith.addi %parallel_loop3A_1131, %parallel_loop3A_1130 : i32
        %parallel_loop3A_1133 = arith.subi %parallel_loop3A_1132, %parallel_loop3A_121 : i32
        %parallel_loop3A_1134 = arith.index_cast %and3A_83 : i32 to index
        %parallel_loop3A_1135 = arith.index_cast %parallel_loop3A_1133 : i32 to index
        %parallel_loop3A_1136 = arith.constant 176 : index
        %parallel_loop3A_1137 = tpu.vector_load %arg6[%parallel_loop3A_1134, %parallel_loop3A_1135, %parallel_loop3A_1136] {strides = array<i32>} : memref<2x48x256xf32, #tpu.memory_space<vmem>>, vector<1x1x16xf32>,
        %parallel_loop3A_1138 = vector.shape_cast %parallel_loop3A_1137 : vector<1x1x16xf32> to vector<16xf32>
        %parallel_loop3A_1139 = arith.addf %parallel_loop3A_1138, %parallel_loop3A_1105 : vector<16xf32>
        %parallel_loop3A_1140 = arith.constant 1 : i32
        %parallel_loop3A_1141 = arith.index_cast %and3A_81 : i32 to index
        %parallel_loop3A_1142 = arith.index_cast %parallel_loop3A_1140 : i32 to index
        %parallel_loop3A_1143 = arith.index_cast %parallel_loop3A_121 : i32 to index
        %parallel_loop3A_1144 = arith.constant 176 : index
        %parallel_loop3A_1145 = tpu.vector_load %arg7[%parallel_loop3A_1141, %parallel_loop3A_1142, %parallel_loop3A_1143, %parallel_loop3A_1144] {strides = array<i32>} : memref<2x4x32x256xf32, #tpu.memory_space<vmem>>, vector<1x1x1x16xf32>,
        %parallel_loop3A_1146 = vector.shape_cast %parallel_loop3A_1145 : vector<1x1x1x16xf32> to vector<16xf32>
        %parallel_loop3A_1147 = vector.shape_cast %parallel_loop3A_1139 : vector<16xf32> to vector<1x1x1x16xf32>
        tpu.vector_store %arg7[%parallel_loop3A_1141, %parallel_loop3A_1142, %parallel_loop3A_1143, %parallel_loop3A_1144], %parallel_loop3A_1147 {strides = array<i32>} : memref<2x4x32x256xf32, #tpu.memory_space<vmem>>, vector<1x1x1x16xf32>,
        %parallel_loop3A_1148 = arith.constant 4 : i32
        %parallel_loop3A_1149 = arith.muli %and3A_79, %parallel_loop3A_1148 : i32
        %parallel_loop3A_1150 = arith.constant 2 : i32
        %parallel_loop3A_1151 = arith.addi %parallel_loop3A_1149, %parallel_loop3A_1150 : i32
        %parallel_loop3A_1152 = arith.constant 31 : i32
        %parallel_loop3A_1153 = arith.addi %parallel_loop3A_1152, %parallel_loop3A_1151 : i32
        %parallel_loop3A_1154 = arith.subi %parallel_loop3A_1153, %parallel_loop3A_121 : i32
        %parallel_loop3A_1155 = arith.index_cast %and3A_83 : i32 to index
        %parallel_loop3A_1156 = arith.index_cast %parallel_loop3A_1154 : i32 to index
        %parallel_loop3A_1157 = arith.constant 176 : index
        %parallel_loop3A_1158 = tpu.vector_load %arg6[%parallel_loop3A_1155, %parallel_loop3A_1156, %parallel_loop3A_1157] {strides = array<i32>} : memref<2x48x256xf32, #tpu.memory_space<vmem>>, vector<1x1x16xf32>,
        %parallel_loop3A_1159 = vector.shape_cast %parallel_loop3A_1158 : vector<1x1x16xf32> to vector<16xf32>
        %parallel_loop3A_1160 = arith.addf %parallel_loop3A_1159, %parallel_loop3A_1105 : vector<16xf32>
        %parallel_loop3A_1161 = arith.constant 2 : i32
        %parallel_loop3A_1162 = arith.index_cast %and3A_81 : i32 to index
        %parallel_loop3A_1163 = arith.index_cast %parallel_loop3A_1161 : i32 to index
        %parallel_loop3A_1164 = arith.index_cast %parallel_loop3A_121 : i32 to index
        %parallel_loop3A_1165 = arith.constant 176 : index
        %parallel_loop3A_1166 = tpu.vector_load %arg7[%parallel_loop3A_1162, %parallel_loop3A_1163, %parallel_loop3A_1164, %parallel_loop3A_1165] {strides = array<i32>} : memref<2x4x32x256xf32, #tpu.memory_space<vmem>>, vector<1x1x1x16xf32>,
        %parallel_loop3A_1167 = vector.shape_cast %parallel_loop3A_1166 : vector<1x1x1x16xf32> to vector<16xf32>
        %parallel_loop3A_1168 = vector.shape_cast %parallel_loop3A_1160 : vector<16xf32> to vector<1x1x1x16xf32>
        tpu.vector_store %arg7[%parallel_loop3A_1162, %parallel_loop3A_1163, %parallel_loop3A_1164, %parallel_loop3A_1165], %parallel_loop3A_1168 {strides = array<i32>} : memref<2x4x32x256xf32, #tpu.memory_space<vmem>>, vector<1x1x1x16xf32>,
        %parallel_loop3A_1169 = arith.constant 4 : i32
        %parallel_loop3A_1170 = arith.muli %and3A_79, %parallel_loop3A_1169 : i32
        %parallel_loop3A_1171 = arith.constant 3 : i32
        %parallel_loop3A_1172 = arith.addi %parallel_loop3A_1170, %parallel_loop3A_1171 : i32
        %parallel_loop3A_1173 = arith.constant 31 : i32
        %parallel_loop3A_1174 = arith.addi %parallel_loop3A_1173, %parallel_loop3A_1172 : i32
        %parallel_loop3A_1175 = arith.subi %parallel_loop3A_1174, %parallel_loop3A_121 : i32
        %parallel_loop3A_1176 = arith.index_cast %and3A_83 : i32 to index
        %parallel_loop3A_1177 = arith.index_cast %parallel_loop3A_1175 : i32 to index
        %parallel_loop3A_1178 = arith.constant 176 : index
        %parallel_loop3A_1179 = tpu.vector_load %arg6[%parallel_loop3A_1176, %parallel_loop3A_1177, %parallel_loop3A_1178] {strides = array<i32>} : memref<2x48x256xf32, #tpu.memory_space<vmem>>, vector<1x1x16xf32>,
        %parallel_loop3A_1180 = vector.shape_cast %parallel_loop3A_1179 : vector<1x1x16xf32> to vector<16xf32>
        %parallel_loop3A_1181 = arith.addf %parallel_loop3A_1180, %parallel_loop3A_1105 : vector<16xf32>
        %parallel_loop3A_1182 = arith.constant 3 : i32
        %parallel_loop3A_1183 = arith.index_cast %and3A_81 : i32 to index
        %parallel_loop3A_1184 = arith.index_cast %parallel_loop3A_1182 : i32 to index
        %parallel_loop3A_1185 = arith.index_cast %parallel_loop3A_121 : i32 to index
        %parallel_loop3A_1186 = arith.constant 176 : index
        %parallel_loop3A_1187 = tpu.vector_load %arg7[%parallel_loop3A_1183, %parallel_loop3A_1184, %parallel_loop3A_1185, %parallel_loop3A_1186] {strides = array<i32>} : memref<2x4x32x256xf32, #tpu.memory_space<vmem>>, vector<1x1x1x16xf32>,
        %parallel_loop3A_1188 = vector.shape_cast %parallel_loop3A_1187 : vector<1x1x1x16xf32> to vector<16xf32>
        %parallel_loop3A_1189 = vector.shape_cast %parallel_loop3A_1181 : vector<16xf32> to vector<1x1x1x16xf32>
        tpu.vector_store %arg7[%parallel_loop3A_1183, %parallel_loop3A_1184, %parallel_loop3A_1185, %parallel_loop3A_1186], %parallel_loop3A_1189 {strides = array<i32>} : memref<2x4x32x256xf32, #tpu.memory_space<vmem>>, vector<1x1x1x16xf32>,
        %parallel_loop3A_1190 = arith.index_cast %and3A_83 : i32 to index
        %parallel_loop3A_1191 = arith.index_cast %parallel_loop3A_121 : i32 to index
        %parallel_loop3A_1192 = arith.constant 192 : index
        %parallel_loop3A_1193 = tpu.vector_load %arg5[%parallel_loop3A_1190, %parallel_loop3A_1191, %parallel_loop3A_1192] {strides = array<i32>} : memref<2x32x256xf32, #tpu.memory_space<vmem>>, vector<1x1x16xf32>,
        %parallel_loop3A_1194 = vector.shape_cast %parallel_loop3A_1193 : vector<1x1x16xf32> to vector<16xf32>
        %parallel_loop3A_1195 = arith.constant 4 : i32
        %parallel_loop3A_1196 = arith.muli %and3A_79, %parallel_loop3A_1195 : i32
        %parallel_loop3A_1197 = arith.constant 0 : i32
        %parallel_loop3A_1198 = arith.addi %parallel_loop3A_1196, %parallel_loop3A_1197 : i32
        %parallel_loop3A_1199 = arith.constant 31 : i32
        %parallel_loop3A_1200 = arith.addi %parallel_loop3A_1199, %parallel_loop3A_1198 : i32
        %parallel_loop3A_1201 = arith.subi %parallel_loop3A_1200, %parallel_loop3A_121 : i32
        %parallel_loop3A_1202 = arith.index_cast %and3A_83 : i32 to index
        %parallel_loop3A_1203 = arith.index_cast %parallel_loop3A_1201 : i32 to index
        %parallel_loop3A_1204 = arith.constant 192 : index
        %parallel_loop3A_1205 = tpu.vector_load %arg6[%parallel_loop3A_1202, %parallel_loop3A_1203, %parallel_loop3A_1204] {strides = array<i32>} : memref<2x48x256xf32, #tpu.memory_space<vmem>>, vector<1x1x16xf32>,
        %parallel_loop3A_1206 = vector.shape_cast %parallel_loop3A_1205 : vector<1x1x16xf32> to vector<16xf32>
        %parallel_loop3A_1207 = arith.addf %parallel_loop3A_1206, %parallel_loop3A_1194 : vector<16xf32>
        %parallel_loop3A_1208 = arith.constant 0 : i32
        %parallel_loop3A_1209 = arith.index_cast %and3A_81 : i32 to index
        %parallel_loop3A_1210 = arith.index_cast %parallel_loop3A_1208 : i32 to index
        %parallel_loop3A_1211 = arith.index_cast %parallel_loop3A_121 : i32 to index
        %parallel_loop3A_1212 = arith.constant 192 : index
        %parallel_loop3A_1213 = tpu.vector_load %arg7[%parallel_loop3A_1209, %parallel_loop3A_1210, %parallel_loop3A_1211, %parallel_loop3A_1212] {strides = array<i32>} : memref<2x4x32x256xf32, #tpu.memory_space<vmem>>, vector<1x1x1x16xf32>,
        %parallel_loop3A_1214 = vector.shape_cast %parallel_loop3A_1213 : vector<1x1x1x16xf32> to vector<16xf32>
        %parallel_loop3A_1215 = vector.shape_cast %parallel_loop3A_1207 : vector<16xf32> to vector<1x1x1x16xf32>
        tpu.vector_store %arg7[%parallel_loop3A_1209, %parallel_loop3A_1210, %parallel_loop3A_1211, %parallel_loop3A_1212], %parallel_loop3A_1215 {strides = array<i32>} : memref<2x4x32x256xf32, #tpu.memory_space<vmem>>, vector<1x1x1x16xf32>,
        %parallel_loop3A_1216 = arith.constant 4 : i32
        %parallel_loop3A_1217 = arith.muli %and3A_79, %parallel_loop3A_1216 : i32
        %parallel_loop3A_1218 = arith.constant 1 : i32
        %parallel_loop3A_1219 = arith.addi %parallel_loop3A_1217, %parallel_loop3A_1218 : i32
        %parallel_loop3A_1220 = arith.constant 31 : i32
        %parallel_loop3A_1221 = arith.addi %parallel_loop3A_1220, %parallel_loop3A_1219 : i32
        %parallel_loop3A_1222 = arith.subi %parallel_loop3A_1221, %parallel_loop3A_121 : i32
        %parallel_loop3A_1223 = arith.index_cast %and3A_83 : i32 to index
        %parallel_loop3A_1224 = arith.index_cast %parallel_loop3A_1222 : i32 to index
        %parallel_loop3A_1225 = arith.constant 192 : index
        %parallel_loop3A_1226 = tpu.vector_load %arg6[%parallel_loop3A_1223, %parallel_loop3A_1224, %parallel_loop3A_1225] {strides = array<i32>} : memref<2x48x256xf32, #tpu.memory_space<vmem>>, vector<1x1x16xf32>,
        %parallel_loop3A_1227 = vector.shape_cast %parallel_loop3A_1226 : vector<1x1x16xf32> to vector<16xf32>
        %parallel_loop3A_1228 = arith.addf %parallel_loop3A_1227, %parallel_loop3A_1194 : vector<16xf32>
        %parallel_loop3A_1229 = arith.constant 1 : i32
        %parallel_loop3A_1230 = arith.index_cast %and3A_81 : i32 to index
        %parallel_loop3A_1231 = arith.index_cast %parallel_loop3A_1229 : i32 to index
        %parallel_loop3A_1232 = arith.index_cast %parallel_loop3A_121 : i32 to index
        %parallel_loop3A_1233 = arith.constant 192 : index
        %parallel_loop3A_1234 = tpu.vector_load %arg7[%parallel_loop3A_1230, %parallel_loop3A_1231, %parallel_loop3A_1232, %parallel_loop3A_1233] {strides = array<i32>} : memref<2x4x32x256xf32, #tpu.memory_space<vmem>>, vector<1x1x1x16xf32>,
        %parallel_loop3A_1235 = vector.shape_cast %parallel_loop3A_1234 : vector<1x1x1x16xf32> to vector<16xf32>
        %parallel_loop3A_1236 = vector.shape_cast %parallel_loop3A_1228 : vector<16xf32> to vector<1x1x1x16xf32>
        tpu.vector_store %arg7[%parallel_loop3A_1230, %parallel_loop3A_1231, %parallel_loop3A_1232, %parallel_loop3A_1233], %parallel_loop3A_1236 {strides = array<i32>} : memref<2x4x32x256xf32, #tpu.memory_space<vmem>>, vector<1x1x1x16xf32>,
        %parallel_loop3A_1237 = arith.constant 4 : i32
        %parallel_loop3A_1238 = arith.muli %and3A_79, %parallel_loop3A_1237 : i32
        %parallel_loop3A_1239 = arith.constant 2 : i32
        %parallel_loop3A_1240 = arith.addi %parallel_loop3A_1238, %parallel_loop3A_1239 : i32
        %parallel_loop3A_1241 = arith.constant 31 : i32
        %parallel_loop3A_1242 = arith.addi %parallel_loop3A_1241, %parallel_loop3A_1240 : i32
        %parallel_loop3A_1243 = arith.subi %parallel_loop3A_1242, %parallel_loop3A_121 : i32
        %parallel_loop3A_1244 = arith.index_cast %and3A_83 : i32 to index
        %parallel_loop3A_1245 = arith.index_cast %parallel_loop3A_1243 : i32 to index
        %parallel_loop3A_1246 = arith.constant 192 : index
        %parallel_loop3A_1247 = tpu.vector_load %arg6[%parallel_loop3A_1244, %parallel_loop3A_1245, %parallel_loop3A_1246] {strides = array<i32>} : memref<2x48x256xf32, #tpu.memory_space<vmem>>, vector<1x1x16xf32>,
        %parallel_loop3A_1248 = vector.shape_cast %parallel_loop3A_1247 : vector<1x1x16xf32> to vector<16xf32>
        %parallel_loop3A_1249 = arith.addf %parallel_loop3A_1248, %parallel_loop3A_1194 : vector<16xf32>
        %parallel_loop3A_1250 = arith.constant 2 : i32
        %parallel_loop3A_1251 = arith.index_cast %and3A_81 : i32 to index
        %parallel_loop3A_1252 = arith.index_cast %parallel_loop3A_1250 : i32 to index
        %parallel_loop3A_1253 = arith.index_cast %parallel_loop3A_121 : i32 to index
        %parallel_loop3A_1254 = arith.constant 192 : index
        %parallel_loop3A_1255 = tpu.vector_load %arg7[%parallel_loop3A_1251, %parallel_loop3A_1252, %parallel_loop3A_1253, %parallel_loop3A_1254] {strides = array<i32>} : memref<2x4x32x256xf32, #tpu.memory_space<vmem>>, vector<1x1x1x16xf32>,
        %parallel_loop3A_1256 = vector.shape_cast %parallel_loop3A_1255 : vector<1x1x1x16xf32> to vector<16xf32>
        %parallel_loop3A_1257 = vector.shape_cast %parallel_loop3A_1249 : vector<16xf32> to vector<1x1x1x16xf32>
        tpu.vector_store %arg7[%parallel_loop3A_1251, %parallel_loop3A_1252, %parallel_loop3A_1253, %parallel_loop3A_1254], %parallel_loop3A_1257 {strides = array<i32>} : memref<2x4x32x256xf32, #tpu.memory_space<vmem>>, vector<1x1x1x16xf32>,
        %parallel_loop3A_1258 = arith.constant 4 : i32
        %parallel_loop3A_1259 = arith.muli %and3A_79, %parallel_loop3A_1258 : i32
        %parallel_loop3A_1260 = arith.constant 3 : i32
        %parallel_loop3A_1261 = arith.addi %parallel_loop3A_1259, %parallel_loop3A_1260 : i32
        %parallel_loop3A_1262 = arith.constant 31 : i32
        %parallel_loop3A_1263 = arith.addi %parallel_loop3A_1262, %parallel_loop3A_1261 : i32
        %parallel_loop3A_1264 = arith.subi %parallel_loop3A_1263, %parallel_loop3A_121 : i32
        %parallel_loop3A_1265 = arith.index_cast %and3A_83 : i32 to index
        %parallel_loop3A_1266 = arith.index_cast %parallel_loop3A_1264 : i32 to index
        %parallel_loop3A_1267 = arith.constant 192 : index
        %parallel_loop3A_1268 = tpu.vector_load %arg6[%parallel_loop3A_1265, %parallel_loop3A_1266, %parallel_loop3A_1267] {strides = array<i32>} : memref<2x48x256xf32, #tpu.memory_space<vmem>>, vector<1x1x16xf32>,
        %parallel_loop3A_1269 = vector.shape_cast %parallel_loop3A_1268 : vector<1x1x16xf32> to vector<16xf32>
        %parallel_loop3A_1270 = arith.addf %parallel_loop3A_1269, %parallel_loop3A_1194 : vector<16xf32>
        %parallel_loop3A_1271 = arith.constant 3 : i32
        %parallel_loop3A_1272 = arith.index_cast %and3A_81 : i32 to index
        %parallel_loop3A_1273 = arith.index_cast %parallel_loop3A_1271 : i32 to index
        %parallel_loop3A_1274 = arith.index_cast %parallel_loop3A_121 : i32 to index
        %parallel_loop3A_1275 = arith.constant 192 : index
        %parallel_loop3A_1276 = tpu.vector_load %arg7[%parallel_loop3A_1272, %parallel_loop3A_1273, %parallel_loop3A_1274, %parallel_loop3A_1275] {strides = array<i32>} : memref<2x4x32x256xf32, #tpu.memory_space<vmem>>, vector<1x1x1x16xf32>,
        %parallel_loop3A_1277 = vector.shape_cast %parallel_loop3A_1276 : vector<1x1x1x16xf32> to vector<16xf32>
        %parallel_loop3A_1278 = vector.shape_cast %parallel_loop3A_1270 : vector<16xf32> to vector<1x1x1x16xf32>
        tpu.vector_store %arg7[%parallel_loop3A_1272, %parallel_loop3A_1273, %parallel_loop3A_1274, %parallel_loop3A_1275], %parallel_loop3A_1278 {strides = array<i32>} : memref<2x4x32x256xf32, #tpu.memory_space<vmem>>, vector<1x1x1x16xf32>,
        %parallel_loop3A_1279 = arith.index_cast %and3A_83 : i32 to index
        %parallel_loop3A_1280 = arith.index_cast %parallel_loop3A_121 : i32 to index
        %parallel_loop3A_1281 = arith.constant 208 : index
        %parallel_loop3A_1282 = tpu.vector_load %arg5[%parallel_loop3A_1279, %parallel_loop3A_1280, %parallel_loop3A_1281] {strides = array<i32>} : memref<2x32x256xf32, #tpu.memory_space<vmem>>, vector<1x1x16xf32>,
        %parallel_loop3A_1283 = vector.shape_cast %parallel_loop3A_1282 : vector<1x1x16xf32> to vector<16xf32>
        %parallel_loop3A_1284 = arith.constant 4 : i32
        %parallel_loop3A_1285 = arith.muli %and3A_79, %parallel_loop3A_1284 : i32
        %parallel_loop3A_1286 = arith.constant 0 : i32
        %parallel_loop3A_1287 = arith.addi %parallel_loop3A_1285, %parallel_loop3A_1286 : i32
        %parallel_loop3A_1288 = arith.constant 31 : i32
        %parallel_loop3A_1289 = arith.addi %parallel_loop3A_1288, %parallel_loop3A_1287 : i32
        %parallel_loop3A_1290 = arith.subi %parallel_loop3A_1289, %parallel_loop3A_121 : i32
        %parallel_loop3A_1291 = arith.index_cast %and3A_83 : i32 to index
        %parallel_loop3A_1292 = arith.index_cast %parallel_loop3A_1290 : i32 to index
        %parallel_loop3A_1293 = arith.constant 208 : index
        %parallel_loop3A_1294 = tpu.vector_load %arg6[%parallel_loop3A_1291, %parallel_loop3A_1292, %parallel_loop3A_1293] {strides = array<i32>} : memref<2x48x256xf32, #tpu.memory_space<vmem>>, vector<1x1x16xf32>,
        %parallel_loop3A_1295 = vector.shape_cast %parallel_loop3A_1294 : vector<1x1x16xf32> to vector<16xf32>
        %parallel_loop3A_1296 = arith.addf %parallel_loop3A_1295, %parallel_loop3A_1283 : vector<16xf32>
        %parallel_loop3A_1297 = arith.constant 0 : i32
        %parallel_loop3A_1298 = arith.index_cast %and3A_81 : i32 to index
        %parallel_loop3A_1299 = arith.index_cast %parallel_loop3A_1297 : i32 to index
        %parallel_loop3A_1300 = arith.index_cast %parallel_loop3A_121 : i32 to index
        %parallel_loop3A_1301 = arith.constant 208 : index
        %parallel_loop3A_1302 = tpu.vector_load %arg7[%parallel_loop3A_1298, %parallel_loop3A_1299, %parallel_loop3A_1300, %parallel_loop3A_1301] {strides = array<i32>} : memref<2x4x32x256xf32, #tpu.memory_space<vmem>>, vector<1x1x1x16xf32>,
        %parallel_loop3A_1303 = vector.shape_cast %parallel_loop3A_1302 : vector<1x1x1x16xf32> to vector<16xf32>
        %parallel_loop3A_1304 = vector.shape_cast %parallel_loop3A_1296 : vector<16xf32> to vector<1x1x1x16xf32>
        tpu.vector_store %arg7[%parallel_loop3A_1298, %parallel_loop3A_1299, %parallel_loop3A_1300, %parallel_loop3A_1301], %parallel_loop3A_1304 {strides = array<i32>} : memref<2x4x32x256xf32, #tpu.memory_space<vmem>>, vector<1x1x1x16xf32>,
        %parallel_loop3A_1305 = arith.constant 4 : i32
        %parallel_loop3A_1306 = arith.muli %and3A_79, %parallel_loop3A_1305 : i32
        %parallel_loop3A_1307 = arith.constant 1 : i32
        %parallel_loop3A_1308 = arith.addi %parallel_loop3A_1306, %parallel_loop3A_1307 : i32
        %parallel_loop3A_1309 = arith.constant 31 : i32
        %parallel_loop3A_1310 = arith.addi %parallel_loop3A_1309, %parallel_loop3A_1308 : i32
        %parallel_loop3A_1311 = arith.subi %parallel_loop3A_1310, %parallel_loop3A_121 : i32
        %parallel_loop3A_1312 = arith.index_cast %and3A_83 : i32 to index
        %parallel_loop3A_1313 = arith.index_cast %parallel_loop3A_1311 : i32 to index
        %parallel_loop3A_1314 = arith.constant 208 : index
        %parallel_loop3A_1315 = tpu.vector_load %arg6[%parallel_loop3A_1312, %parallel_loop3A_1313, %parallel_loop3A_1314] {strides = array<i32>} : memref<2x48x256xf32, #tpu.memory_space<vmem>>, vector<1x1x16xf32>,
        %parallel_loop3A_1316 = vector.shape_cast %parallel_loop3A_1315 : vector<1x1x16xf32> to vector<16xf32>
        %parallel_loop3A_1317 = arith.addf %parallel_loop3A_1316, %parallel_loop3A_1283 : vector<16xf32>
        %parallel_loop3A_1318 = arith.constant 1 : i32
        %parallel_loop3A_1319 = arith.index_cast %and3A_81 : i32 to index
        %parallel_loop3A_1320 = arith.index_cast %parallel_loop3A_1318 : i32 to index
        %parallel_loop3A_1321 = arith.index_cast %parallel_loop3A_121 : i32 to index
        %parallel_loop3A_1322 = arith.constant 208 : index
        %parallel_loop3A_1323 = tpu.vector_load %arg7[%parallel_loop3A_1319, %parallel_loop3A_1320, %parallel_loop3A_1321, %parallel_loop3A_1322] {strides = array<i32>} : memref<2x4x32x256xf32, #tpu.memory_space<vmem>>, vector<1x1x1x16xf32>,
        %parallel_loop3A_1324 = vector.shape_cast %parallel_loop3A_1323 : vector<1x1x1x16xf32> to vector<16xf32>
        %parallel_loop3A_1325 = vector.shape_cast %parallel_loop3A_1317 : vector<16xf32> to vector<1x1x1x16xf32>
        tpu.vector_store %arg7[%parallel_loop3A_1319, %parallel_loop3A_1320, %parallel_loop3A_1321, %parallel_loop3A_1322], %parallel_loop3A_1325 {strides = array<i32>} : memref<2x4x32x256xf32, #tpu.memory_space<vmem>>, vector<1x1x1x16xf32>,
        %parallel_loop3A_1326 = arith.constant 4 : i32
        %parallel_loop3A_1327 = arith.muli %and3A_79, %parallel_loop3A_1326 : i32
        %parallel_loop3A_1328 = arith.constant 2 : i32
        %parallel_loop3A_1329 = arith.addi %parallel_loop3A_1327, %parallel_loop3A_1328 : i32
        %parallel_loop3A_1330 = arith.constant 31 : i32
        %parallel_loop3A_1331 = arith.addi %parallel_loop3A_1330, %parallel_loop3A_1329 : i32
        %parallel_loop3A_1332 = arith.subi %parallel_loop3A_1331, %parallel_loop3A_121 : i32
        %parallel_loop3A_1333 = arith.index_cast %and3A_83 : i32 to index
        %parallel_loop3A_1334 = arith.index_cast %parallel_loop3A_1332 : i32 to index
        %parallel_loop3A_1335 = arith.constant 208 : index
        %parallel_loop3A_1336 = tpu.vector_load %arg6[%parallel_loop3A_1333, %parallel_loop3A_1334, %parallel_loop3A_1335] {strides = array<i32>} : memref<2x48x256xf32, #tpu.memory_space<vmem>>, vector<1x1x16xf32>,
        %parallel_loop3A_1337 = vector.shape_cast %parallel_loop3A_1336 : vector<1x1x16xf32> to vector<16xf32>
        %parallel_loop3A_1338 = arith.addf %parallel_loop3A_1337, %parallel_loop3A_1283 : vector<16xf32>
        %parallel_loop3A_1339 = arith.constant 2 : i32
        %parallel_loop3A_1340 = arith.index_cast %and3A_81 : i32 to index
        %parallel_loop3A_1341 = arith.index_cast %parallel_loop3A_1339 : i32 to index
        %parallel_loop3A_1342 = arith.index_cast %parallel_loop3A_121 : i32 to index
        %parallel_loop3A_1343 = arith.constant 208 : index
        %parallel_loop3A_1344 = tpu.vector_load %arg7[%parallel_loop3A_1340, %parallel_loop3A_1341, %parallel_loop3A_1342, %parallel_loop3A_1343] {strides = array<i32>} : memref<2x4x32x256xf32, #tpu.memory_space<vmem>>, vector<1x1x1x16xf32>,
        %parallel_loop3A_1345 = vector.shape_cast %parallel_loop3A_1344 : vector<1x1x1x16xf32> to vector<16xf32>
        %parallel_loop3A_1346 = vector.shape_cast %parallel_loop3A_1338 : vector<16xf32> to vector<1x1x1x16xf32>
        tpu.vector_store %arg7[%parallel_loop3A_1340, %parallel_loop3A_1341, %parallel_loop3A_1342, %parallel_loop3A_1343], %parallel_loop3A_1346 {strides = array<i32>} : memref<2x4x32x256xf32, #tpu.memory_space<vmem>>, vector<1x1x1x16xf32>,
        %parallel_loop3A_1347 = arith.constant 4 : i32
        %parallel_loop3A_1348 = arith.muli %and3A_79, %parallel_loop3A_1347 : i32
        %parallel_loop3A_1349 = arith.constant 3 : i32
        %parallel_loop3A_1350 = arith.addi %parallel_loop3A_1348, %parallel_loop3A_1349 : i32
        %parallel_loop3A_1351 = arith.constant 31 : i32
        %parallel_loop3A_1352 = arith.addi %parallel_loop3A_1351, %parallel_loop3A_1350 : i32
        %parallel_loop3A_1353 = arith.subi %parallel_loop3A_1352, %parallel_loop3A_121 : i32
        %parallel_loop3A_1354 = arith.index_cast %and3A_83 : i32 to index
        %parallel_loop3A_1355 = arith.index_cast %parallel_loop3A_1353 : i32 to index
        %parallel_loop3A_1356 = arith.constant 208 : index
        %parallel_loop3A_1357 = tpu.vector_load %arg6[%parallel_loop3A_1354, %parallel_loop3A_1355, %parallel_loop3A_1356] {strides = array<i32>} : memref<2x48x256xf32, #tpu.memory_space<vmem>>, vector<1x1x16xf32>,
        %parallel_loop3A_1358 = vector.shape_cast %parallel_loop3A_1357 : vector<1x1x16xf32> to vector<16xf32>
        %parallel_loop3A_1359 = arith.addf %parallel_loop3A_1358, %parallel_loop3A_1283 : vector<16xf32>
        %parallel_loop3A_1360 = arith.constant 3 : i32
        %parallel_loop3A_1361 = arith.index_cast %and3A_81 : i32 to index
        %parallel_loop3A_1362 = arith.index_cast %parallel_loop3A_1360 : i32 to index
        %parallel_loop3A_1363 = arith.index_cast %parallel_loop3A_121 : i32 to index
        %parallel_loop3A_1364 = arith.constant 208 : index
        %parallel_loop3A_1365 = tpu.vector_load %arg7[%parallel_loop3A_1361, %parallel_loop3A_1362, %parallel_loop3A_1363, %parallel_loop3A_1364] {strides = array<i32>} : memref<2x4x32x256xf32, #tpu.memory_space<vmem>>, vector<1x1x1x16xf32>,
        %parallel_loop3A_1366 = vector.shape_cast %parallel_loop3A_1365 : vector<1x1x1x16xf32> to vector<16xf32>
        %parallel_loop3A_1367 = vector.shape_cast %parallel_loop3A_1359 : vector<16xf32> to vector<1x1x1x16xf32>
        tpu.vector_store %arg7[%parallel_loop3A_1361, %parallel_loop3A_1362, %parallel_loop3A_1363, %parallel_loop3A_1364], %parallel_loop3A_1367 {strides = array<i32>} : memref<2x4x32x256xf32, #tpu.memory_space<vmem>>, vector<1x1x1x16xf32>,
        %parallel_loop3A_1368 = arith.index_cast %and3A_83 : i32 to index
        %parallel_loop3A_1369 = arith.index_cast %parallel_loop3A_121 : i32 to index
        %parallel_loop3A_1370 = arith.constant 224 : index
        %parallel_loop3A_1371 = tpu.vector_load %arg5[%parallel_loop3A_1368, %parallel_loop3A_1369, %parallel_loop3A_1370] {strides = array<i32>} : memref<2x32x256xf32, #tpu.memory_space<vmem>>, vector<1x1x16xf32>,
        %parallel_loop3A_1372 = vector.shape_cast %parallel_loop3A_1371 : vector<1x1x16xf32> to vector<16xf32>
        %parallel_loop3A_1373 = arith.constant 4 : i32
        %parallel_loop3A_1374 = arith.muli %and3A_79, %parallel_loop3A_1373 : i32
        %parallel_loop3A_1375 = arith.constant 0 : i32
        %parallel_loop3A_1376 = arith.addi %parallel_loop3A_1374, %parallel_loop3A_1375 : i32
        %parallel_loop3A_1377 = arith.constant 31 : i32
        %parallel_loop3A_1378 = arith.addi %parallel_loop3A_1377, %parallel_loop3A_1376 : i32
        %parallel_loop3A_1379 = arith.subi %parallel_loop3A_1378, %parallel_loop3A_121 : i32
        %parallel_loop3A_1380 = arith.index_cast %and3A_83 : i32 to index
        %parallel_loop3A_1381 = arith.index_cast %parallel_loop3A_1379 : i32 to index
        %parallel_loop3A_1382 = arith.constant 224 : index
        %parallel_loop3A_1383 = tpu.vector_load %arg6[%parallel_loop3A_1380, %parallel_loop3A_1381, %parallel_loop3A_1382] {strides = array<i32>} : memref<2x48x256xf32, #tpu.memory_space<vmem>>, vector<1x1x16xf32>,
        %parallel_loop3A_1384 = vector.shape_cast %parallel_loop3A_1383 : vector<1x1x16xf32> to vector<16xf32>
        %parallel_loop3A_1385 = arith.addf %parallel_loop3A_1384, %parallel_loop3A_1372 : vector<16xf32>
        %parallel_loop3A_1386 = arith.constant 0 : i32
        %parallel_loop3A_1387 = arith.index_cast %and3A_81 : i32 to index
        %parallel_loop3A_1388 = arith.index_cast %parallel_loop3A_1386 : i32 to index
        %parallel_loop3A_1389 = arith.index_cast %parallel_loop3A_121 : i32 to index
        %parallel_loop3A_1390 = arith.constant 224 : index
        %parallel_loop3A_1391 = tpu.vector_load %arg7[%parallel_loop3A_1387, %parallel_loop3A_1388, %parallel_loop3A_1389, %parallel_loop3A_1390] {strides = array<i32>} : memref<2x4x32x256xf32, #tpu.memory_space<vmem>>, vector<1x1x1x16xf32>,
        %parallel_loop3A_1392 = vector.shape_cast %parallel_loop3A_1391 : vector<1x1x1x16xf32> to vector<16xf32>
        %parallel_loop3A_1393 = vector.shape_cast %parallel_loop3A_1385 : vector<16xf32> to vector<1x1x1x16xf32>
        tpu.vector_store %arg7[%parallel_loop3A_1387, %parallel_loop3A_1388, %parallel_loop3A_1389, %parallel_loop3A_1390], %parallel_loop3A_1393 {strides = array<i32>} : memref<2x4x32x256xf32, #tpu.memory_space<vmem>>, vector<1x1x1x16xf32>,
        %parallel_loop3A_1394 = arith.constant 4 : i32
        %parallel_loop3A_1395 = arith.muli %and3A_79, %parallel_loop3A_1394 : i32
        %parallel_loop3A_1396 = arith.constant 1 : i32
        %parallel_loop3A_1397 = arith.addi %parallel_loop3A_1395, %parallel_loop3A_1396 : i32
        %parallel_loop3A_1398 = arith.constant 31 : i32
        %parallel_loop3A_1399 = arith.addi %parallel_loop3A_1398, %parallel_loop3A_1397 : i32
        %parallel_loop3A_1400 = arith.subi %parallel_loop3A_1399, %parallel_loop3A_121 : i32
        %parallel_loop3A_1401 = arith.index_cast %and3A_83 : i32 to index
        %parallel_loop3A_1402 = arith.index_cast %parallel_loop3A_1400 : i32 to index
        %parallel_loop3A_1403 = arith.constant 224 : index
        %parallel_loop3A_1404 = tpu.vector_load %arg6[%parallel_loop3A_1401, %parallel_loop3A_1402, %parallel_loop3A_1403] {strides = array<i32>} : memref<2x48x256xf32, #tpu.memory_space<vmem>>, vector<1x1x16xf32>,
        %parallel_loop3A_1405 = vector.shape_cast %parallel_loop3A_1404 : vector<1x1x16xf32> to vector<16xf32>
        %parallel_loop3A_1406 = arith.addf %parallel_loop3A_1405, %parallel_loop3A_1372 : vector<16xf32>
        %parallel_loop3A_1407 = arith.constant 1 : i32
        %parallel_loop3A_1408 = arith.index_cast %and3A_81 : i32 to index
        %parallel_loop3A_1409 = arith.index_cast %parallel_loop3A_1407 : i32 to index
        %parallel_loop3A_1410 = arith.index_cast %parallel_loop3A_121 : i32 to index
        %parallel_loop3A_1411 = arith.constant 224 : index
        %parallel_loop3A_1412 = tpu.vector_load %arg7[%parallel_loop3A_1408, %parallel_loop3A_1409, %parallel_loop3A_1410, %parallel_loop3A_1411] {strides = array<i32>} : memref<2x4x32x256xf32, #tpu.memory_space<vmem>>, vector<1x1x1x16xf32>,
        %parallel_loop3A_1413 = vector.shape_cast %parallel_loop3A_1412 : vector<1x1x1x16xf32> to vector<16xf32>
        %parallel_loop3A_1414 = vector.shape_cast %parallel_loop3A_1406 : vector<16xf32> to vector<1x1x1x16xf32>
        tpu.vector_store %arg7[%parallel_loop3A_1408, %parallel_loop3A_1409, %parallel_loop3A_1410, %parallel_loop3A_1411], %parallel_loop3A_1414 {strides = array<i32>} : memref<2x4x32x256xf32, #tpu.memory_space<vmem>>, vector<1x1x1x16xf32>,
        %parallel_loop3A_1415 = arith.constant 4 : i32
        %parallel_loop3A_1416 = arith.muli %and3A_79, %parallel_loop3A_1415 : i32
        %parallel_loop3A_1417 = arith.constant 2 : i32
        %parallel_loop3A_1418 = arith.addi %parallel_loop3A_1416, %parallel_loop3A_1417 : i32
        %parallel_loop3A_1419 = arith.constant 31 : i32
        %parallel_loop3A_1420 = arith.addi %parallel_loop3A_1419, %parallel_loop3A_1418 : i32
        %parallel_loop3A_1421 = arith.subi %parallel_loop3A_1420, %parallel_loop3A_121 : i32
        %parallel_loop3A_1422 = arith.index_cast %and3A_83 : i32 to index
        %parallel_loop3A_1423 = arith.index_cast %parallel_loop3A_1421 : i32 to index
        %parallel_loop3A_1424 = arith.constant 224 : index
        %parallel_loop3A_1425 = tpu.vector_load %arg6[%parallel_loop3A_1422, %parallel_loop3A_1423, %parallel_loop3A_1424] {strides = array<i32>} : memref<2x48x256xf32, #tpu.memory_space<vmem>>, vector<1x1x16xf32>,
        %parallel_loop3A_1426 = vector.shape_cast %parallel_loop3A_1425 : vector<1x1x16xf32> to vector<16xf32>
        %parallel_loop3A_1427 = arith.addf %parallel_loop3A_1426, %parallel_loop3A_1372 : vector<16xf32>
        %parallel_loop3A_1428 = arith.constant 2 : i32
        %parallel_loop3A_1429 = arith.index_cast %and3A_81 : i32 to index
        %parallel_loop3A_1430 = arith.index_cast %parallel_loop3A_1428 : i32 to index
        %parallel_loop3A_1431 = arith.index_cast %parallel_loop3A_121 : i32 to index
        %parallel_loop3A_1432 = arith.constant 224 : index
        %parallel_loop3A_1433 = tpu.vector_load %arg7[%parallel_loop3A_1429, %parallel_loop3A_1430, %parallel_loop3A_1431, %parallel_loop3A_1432] {strides = array<i32>} : memref<2x4x32x256xf32, #tpu.memory_space<vmem>>, vector<1x1x1x16xf32>,
        %parallel_loop3A_1434 = vector.shape_cast %parallel_loop3A_1433 : vector<1x1x1x16xf32> to vector<16xf32>
        %parallel_loop3A_1435 = vector.shape_cast %parallel_loop3A_1427 : vector<16xf32> to vector<1x1x1x16xf32>
        tpu.vector_store %arg7[%parallel_loop3A_1429, %parallel_loop3A_1430, %parallel_loop3A_1431, %parallel_loop3A_1432], %parallel_loop3A_1435 {strides = array<i32>} : memref<2x4x32x256xf32, #tpu.memory_space<vmem>>, vector<1x1x1x16xf32>,
        %parallel_loop3A_1436 = arith.constant 4 : i32
        %parallel_loop3A_1437 = arith.muli %and3A_79, %parallel_loop3A_1436 : i32
        %parallel_loop3A_1438 = arith.constant 3 : i32
        %parallel_loop3A_1439 = arith.addi %parallel_loop3A_1437, %parallel_loop3A_1438 : i32
        %parallel_loop3A_1440 = arith.constant 31 : i32
        %parallel_loop3A_1441 = arith.addi %parallel_loop3A_1440, %parallel_loop3A_1439 : i32
        %parallel_loop3A_1442 = arith.subi %parallel_loop3A_1441, %parallel_loop3A_121 : i32
        %parallel_loop3A_1443 = arith.index_cast %and3A_83 : i32 to index
        %parallel_loop3A_1444 = arith.index_cast %parallel_loop3A_1442 : i32 to index
        %parallel_loop3A_1445 = arith.constant 224 : index
        %parallel_loop3A_1446 = tpu.vector_load %arg6[%parallel_loop3A_1443, %parallel_loop3A_1444, %parallel_loop3A_1445] {strides = array<i32>} : memref<2x48x256xf32, #tpu.memory_space<vmem>>, vector<1x1x16xf32>,
        %parallel_loop3A_1447 = vector.shape_cast %parallel_loop3A_1446 : vector<1x1x16xf32> to vector<16xf32>
        %parallel_loop3A_1448 = arith.addf %parallel_loop3A_1447, %parallel_loop3A_1372 : vector<16xf32>
        %parallel_loop3A_1449 = arith.constant 3 : i32
        %parallel_loop3A_1450 = arith.index_cast %and3A_81 : i32 to index
        %parallel_loop3A_1451 = arith.index_cast %parallel_loop3A_1449 : i32 to index
        %parallel_loop3A_1452 = arith.index_cast %parallel_loop3A_121 : i32 to index
        %parallel_loop3A_1453 = arith.constant 224 : index
        %parallel_loop3A_1454 = tpu.vector_load %arg7[%parallel_loop3A_1450, %parallel_loop3A_1451, %parallel_loop3A_1452, %parallel_loop3A_1453] {strides = array<i32>} : memref<2x4x32x256xf32, #tpu.memory_space<vmem>>, vector<1x1x1x16xf32>,
        %parallel_loop3A_1455 = vector.shape_cast %parallel_loop3A_1454 : vector<1x1x1x16xf32> to vector<16xf32>
        %parallel_loop3A_1456 = vector.shape_cast %parallel_loop3A_1448 : vector<16xf32> to vector<1x1x1x16xf32>
        tpu.vector_store %arg7[%parallel_loop3A_1450, %parallel_loop3A_1451, %parallel_loop3A_1452, %parallel_loop3A_1453], %parallel_loop3A_1456 {strides = array<i32>} : memref<2x4x32x256xf32, #tpu.memory_space<vmem>>, vector<1x1x1x16xf32>,
        %parallel_loop3A_1457 = arith.index_cast %and3A_83 : i32 to index
        %parallel_loop3A_1458 = arith.index_cast %parallel_loop3A_121 : i32 to index
        %parallel_loop3A_1459 = arith.constant 240 : index
        %parallel_loop3A_1460 = tpu.vector_load %arg5[%parallel_loop3A_1457, %parallel_loop3A_1458, %parallel_loop3A_1459] {strides = array<i32>} : memref<2x32x256xf32, #tpu.memory_space<vmem>>, vector<1x1x16xf32>,
        %parallel_loop3A_1461 = vector.shape_cast %parallel_loop3A_1460 : vector<1x1x16xf32> to vector<16xf32>
        %parallel_loop3A_1462 = arith.constant 4 : i32
        %parallel_loop3A_1463 = arith.muli %and3A_79, %parallel_loop3A_1462 : i32
        %parallel_loop3A_1464 = arith.constant 0 : i32
        %parallel_loop3A_1465 = arith.addi %parallel_loop3A_1463, %parallel_loop3A_1464 : i32
        %parallel_loop3A_1466 = arith.constant 31 : i32
        %parallel_loop3A_1467 = arith.addi %parallel_loop3A_1466, %parallel_loop3A_1465 : i32
        %parallel_loop3A_1468 = arith.subi %parallel_loop3A_1467, %parallel_loop3A_121 : i32
        %parallel_loop3A_1469 = arith.index_cast %and3A_83 : i32 to index
        %parallel_loop3A_1470 = arith.index_cast %parallel_loop3A_1468 : i32 to index
        %parallel_loop3A_1471 = arith.constant 240 : index
        %parallel_loop3A_1472 = tpu.vector_load %arg6[%parallel_loop3A_1469, %parallel_loop3A_1470, %parallel_loop3A_1471] {strides = array<i32>} : memref<2x48x256xf32, #tpu.memory_space<vmem>>, vector<1x1x16xf32>,
        %parallel_loop3A_1473 = vector.shape_cast %parallel_loop3A_1472 : vector<1x1x16xf32> to vector<16xf32>
        %parallel_loop3A_1474 = arith.addf %parallel_loop3A_1473, %parallel_loop3A_1461 : vector<16xf32>
        %parallel_loop3A_1475 = arith.constant 0 : i32
        %parallel_loop3A_1476 = arith.index_cast %and3A_81 : i32 to index
        %parallel_loop3A_1477 = arith.index_cast %parallel_loop3A_1475 : i32 to index
        %parallel_loop3A_1478 = arith.index_cast %parallel_loop3A_121 : i32 to index
        %parallel_loop3A_1479 = arith.constant 240 : index
        %parallel_loop3A_1480 = tpu.vector_load %arg7[%parallel_loop3A_1476, %parallel_loop3A_1477, %parallel_loop3A_1478, %parallel_loop3A_1479] {strides = array<i32>} : memref<2x4x32x256xf32, #tpu.memory_space<vmem>>, vector<1x1x1x16xf32>,
        %parallel_loop3A_1481 = vector.shape_cast %parallel_loop3A_1480 : vector<1x1x1x16xf32> to vector<16xf32>
        %parallel_loop3A_1482 = vector.shape_cast %parallel_loop3A_1474 : vector<16xf32> to vector<1x1x1x16xf32>
        tpu.vector_store %arg7[%parallel_loop3A_1476, %parallel_loop3A_1477, %parallel_loop3A_1478, %parallel_loop3A_1479], %parallel_loop3A_1482 {strides = array<i32>} : memref<2x4x32x256xf32, #tpu.memory_space<vmem>>, vector<1x1x1x16xf32>,
        %parallel_loop3A_1483 = arith.constant 4 : i32
        %parallel_loop3A_1484 = arith.muli %and3A_79, %parallel_loop3A_1483 : i32
        %parallel_loop3A_1485 = arith.constant 1 : i32
        %parallel_loop3A_1486 = arith.addi %parallel_loop3A_1484, %parallel_loop3A_1485 : i32
        %parallel_loop3A_1487 = arith.constant 31 : i32
        %parallel_loop3A_1488 = arith.addi %parallel_loop3A_1487, %parallel_loop3A_1486 : i32
        %parallel_loop3A_1489 = arith.subi %parallel_loop3A_1488, %parallel_loop3A_121 : i32
        %parallel_loop3A_1490 = arith.index_cast %and3A_83 : i32 to index
        %parallel_loop3A_1491 = arith.index_cast %parallel_loop3A_1489 : i32 to index
        %parallel_loop3A_1492 = arith.constant 240 : index
        %parallel_loop3A_1493 = tpu.vector_load %arg6[%parallel_loop3A_1490, %parallel_loop3A_1491, %parallel_loop3A_1492] {strides = array<i32>} : memref<2x48x256xf32, #tpu.memory_space<vmem>>, vector<1x1x16xf32>,
        %parallel_loop3A_1494 = vector.shape_cast %parallel_loop3A_1493 : vector<1x1x16xf32> to vector<16xf32>
        %parallel_loop3A_1495 = arith.addf %parallel_loop3A_1494, %parallel_loop3A_1461 : vector<16xf32>
        %parallel_loop3A_1496 = arith.constant 1 : i32
        %parallel_loop3A_1497 = arith.index_cast %and3A_81 : i32 to index
        %parallel_loop3A_1498 = arith.index_cast %parallel_loop3A_1496 : i32 to index
        %parallel_loop3A_1499 = arith.index_cast %parallel_loop3A_121 : i32 to index
        %parallel_loop3A_1500 = arith.constant 240 : index
        %parallel_loop3A_1501 = tpu.vector_load %arg7[%parallel_loop3A_1497, %parallel_loop3A_1498, %parallel_loop3A_1499, %parallel_loop3A_1500] {strides = array<i32>} : memref<2x4x32x256xf32, #tpu.memory_space<vmem>>, vector<1x1x1x16xf32>,
        %parallel_loop3A_1502 = vector.shape_cast %parallel_loop3A_1501 : vector<1x1x1x16xf32> to vector<16xf32>
        %parallel_loop3A_1503 = vector.shape_cast %parallel_loop3A_1495 : vector<16xf32> to vector<1x1x1x16xf32>
        tpu.vector_store %arg7[%parallel_loop3A_1497, %parallel_loop3A_1498, %parallel_loop3A_1499, %parallel_loop3A_1500], %parallel_loop3A_1503 {strides = array<i32>} : memref<2x4x32x256xf32, #tpu.memory_space<vmem>>, vector<1x1x1x16xf32>,
        %parallel_loop3A_1504 = arith.constant 4 : i32
        %parallel_loop3A_1505 = arith.muli %and3A_79, %parallel_loop3A_1504 : i32
        %parallel_loop3A_1506 = arith.constant 2 : i32
        %parallel_loop3A_1507 = arith.addi %parallel_loop3A_1505, %parallel_loop3A_1506 : i32
        %parallel_loop3A_1508 = arith.constant 31 : i32
        %parallel_loop3A_1509 = arith.addi %parallel_loop3A_1508, %parallel_loop3A_1507 : i32
        %parallel_loop3A_1510 = arith.subi %parallel_loop3A_1509, %parallel_loop3A_121 : i32
        %parallel_loop3A_1511 = arith.index_cast %and3A_83 : i32 to index
        %parallel_loop3A_1512 = arith.index_cast %parallel_loop3A_1510 : i32 to index
        %parallel_loop3A_1513 = arith.constant 240 : index
        %parallel_loop3A_1514 = tpu.vector_load %arg6[%parallel_loop3A_1511, %parallel_loop3A_1512, %parallel_loop3A_1513] {strides = array<i32>} : memref<2x48x256xf32, #tpu.memory_space<vmem>>, vector<1x1x16xf32>,
        %parallel_loop3A_1515 = vector.shape_cast %parallel_loop3A_1514 : vector<1x1x16xf32> to vector<16xf32>
        %parallel_loop3A_1516 = arith.addf %parallel_loop3A_1515, %parallel_loop3A_1461 : vector<16xf32>
        %parallel_loop3A_1517 = arith.constant 2 : i32
        %parallel_loop3A_1518 = arith.index_cast %and3A_81 : i32 to index
        %parallel_loop3A_1519 = arith.index_cast %parallel_loop3A_1517 : i32 to index
        %parallel_loop3A_1520 = arith.index_cast %parallel_loop3A_121 : i32 to index
        %parallel_loop3A_1521 = arith.constant 240 : index
        %parallel_loop3A_1522 = tpu.vector_load %arg7[%parallel_loop3A_1518, %parallel_loop3A_1519, %parallel_loop3A_1520, %parallel_loop3A_1521] {strides = array<i32>} : memref<2x4x32x256xf32, #tpu.memory_space<vmem>>, vector<1x1x1x16xf32>,
        %parallel_loop3A_1523 = vector.shape_cast %parallel_loop3A_1522 : vector<1x1x1x16xf32> to vector<16xf32>
        %parallel_loop3A_1524 = vector.shape_cast %parallel_loop3A_1516 : vector<16xf32> to vector<1x1x1x16xf32>
        tpu.vector_store %arg7[%parallel_loop3A_1518, %parallel_loop3A_1519, %parallel_loop3A_1520, %parallel_loop3A_1521], %parallel_loop3A_1524 {strides = array<i32>} : memref<2x4x32x256xf32, #tpu.memory_space<vmem>>, vector<1x1x1x16xf32>,
        %parallel_loop3A_1525 = arith.constant 4 : i32
        %parallel_loop3A_1526 = arith.muli %and3A_79, %parallel_loop3A_1525 : i32
        %parallel_loop3A_1527 = arith.constant 3 : i32
        %parallel_loop3A_1528 = arith.addi %parallel_loop3A_1526, %parallel_loop3A_1527 : i32
        %parallel_loop3A_1529 = arith.constant 31 : i32
        %parallel_loop3A_1530 = arith.addi %parallel_loop3A_1529, %parallel_loop3A_1528 : i32
        %parallel_loop3A_1531 = arith.subi %parallel_loop3A_1530, %parallel_loop3A_121 : i32
        %parallel_loop3A_1532 = arith.index_cast %and3A_83 : i32 to index
        %parallel_loop3A_1533 = arith.index_cast %parallel_loop3A_1531 : i32 to index
        %parallel_loop3A_1534 = arith.constant 240 : index
        %parallel_loop3A_1535 = tpu.vector_load %arg6[%parallel_loop3A_1532, %parallel_loop3A_1533, %parallel_loop3A_1534] {strides = array<i32>} : memref<2x48x256xf32, #tpu.memory_space<vmem>>, vector<1x1x16xf32>,
        %parallel_loop3A_1536 = vector.shape_cast %parallel_loop3A_1535 : vector<1x1x16xf32> to vector<16xf32>
        %parallel_loop3A_1537 = arith.addf %parallel_loop3A_1536, %parallel_loop3A_1461 : vector<16xf32>
        %parallel_loop3A_1538 = arith.constant 3 : i32
        %parallel_loop3A_1539 = arith.index_cast %and3A_81 : i32 to index
        %parallel_loop3A_1540 = arith.index_cast %parallel_loop3A_1538 : i32 to index
        %parallel_loop3A_1541 = arith.index_cast %parallel_loop3A_121 : i32 to index
        %parallel_loop3A_1542 = arith.constant 240 : index
        %parallel_loop3A_1543 = tpu.vector_load %arg7[%parallel_loop3A_1539, %parallel_loop3A_1540, %parallel_loop3A_1541, %parallel_loop3A_1542] {strides = array<i32>} : memref<2x4x32x256xf32, #tpu.memory_space<vmem>>, vector<1x1x1x16xf32>,
        %parallel_loop3A_1544 = vector.shape_cast %parallel_loop3A_1543 : vector<1x1x1x16xf32> to vector<16xf32>
        %parallel_loop3A_1545 = vector.shape_cast %parallel_loop3A_1537 : vector<16xf32> to vector<1x1x1x16xf32>
        tpu.vector_store %arg7[%parallel_loop3A_1539, %parallel_loop3A_1540, %parallel_loop3A_1541, %parallel_loop3A_1542], %parallel_loop3A_1545 {strides = array<i32>} : memref<2x4x32x256xf32, #tpu.memory_space<vmem>>, vector<1x1x1x16xf32>,
      } {sc.loop_unroll_factor = 1 : i64, sc.parallel_access}
      %mul3A_103 = arith.constant 4 : i32
      %mul3A_104 = arith.muli %and3A_79, %mul3A_103 : i32
      %add3A_105 = arith.addi %mul3A_2, %mul3A_104 : i32
      %dma_start3A_106 = arith.constant 0 : i32
      %dma_start3A_107 = arith.constant 0 : i32
      %dma_start3A_108 = arith.constant 0 : i32
      %dma_start3A_109 = tpu.memref_slice %arg7[%and3A_81, %dma_start3A_106, %dma_start3A_107, %dma_start3A_108] : memref<2x4x32x256xf32, #tpu.memory_space<vmem>> -> memref<1x4x32x256xf32, #tpu.memory_space<vmem>>
      %dma_start3A_110 = tpu.memref_squeeze %dma_start3A_109 : memref<1x4x32x256xf32, #tpu.memory_space<vmem>> -> memref<4x32x256xf32, #tpu.memory_space<vmem>>
      %dma_start3A_111 = arith.constant 0 : i32
      %dma_start3A_112 = tpu.memref_slice %arg4[%add3A_105, %mul3A_85, %dma_start3A_111] : memref<512x512x256xf32, #tpu.memory_space<hbm>> -> memref<4x32x256xf32, #tpu.memory_space<hbm>>
      %dma_start3A_113 = arith.constant 0 : i32
      %dma_start3A_114 = tpu.memref_slice %arg4[%add3A_105, %mul3A_85, %dma_start3A_113] : memref<512x512x256xf32, #tpu.memory_space<hbm>> -> memref<4x32x256xf32, #tpu.memory_space<hbm>>
      %dma_start3A_115 = arith.constant 0 : i32
      %dma_start3A_116 = arith.constant 0 : i32
      %dma_start3A_117 = arith.constant 0 : i32
      %dma_start3A_118 = tpu.memref_slice %arg7[%and3A_81, %dma_start3A_115, %dma_start3A_116, %dma_start3A_117] : memref<2x4x32x256xf32, #tpu.memory_space<vmem>> -> memref<1x4x32x256xf32, #tpu.memory_space<vmem>>
      %dma_start3A_119 = tpu.memref_squeeze %dma_start3A_118 : memref<1x4x32x256xf32, #tpu.memory_space<vmem>> -> memref<4x32x256xf32, #tpu.memory_space<vmem>>
      tpu.enqueue_dma source(%dma_start3A_119 : memref<4x32x256xf32, #tpu.memory_space<vmem>>) target(%dma_start3A_114 : memref<4x32x256xf32, #tpu.memory_space<hbm>>) target_semaphore(%arg9 : memref<!tpu.dma_semaphore, #tpu.memory_space<semaphore_mem>>)
      %scan3A_120 = arith.constant 0 : i32
      scf.yield %scan3A_120 : i32
    }
    %scan3A_38 = arith.constant 64 : i32
    %dma_wait3A = arith.constant 0 : i32
    %dma_wait3A_39 = arith.constant 0 : i32
    %dma_wait3A_40 = arith.constant 0 : i32
    %dma_wait3A_41 = arith.constant 0 : i32
    %dma_wait3A_42 = tpu.memref_slice %arg7[%dma_wait3A, %dma_wait3A_39, %dma_wait3A_40, %dma_wait3A_41] : memref<2x4x32x256xf32, #tpu.memory_space<vmem>> -> memref<1x4x32x256xf32, #tpu.memory_space<vmem>>
    %dma_wait3A_43 = tpu.memref_squeeze %dma_wait3A_42 : memref<1x4x32x256xf32, #tpu.memory_space<vmem>> -> memref<4x32x256xf32, #tpu.memory_space<vmem>>
    %dma_wait3A_44 = arith.constant 0 : i32
    %dma_wait3A_45 = arith.constant 0 : i32
    %dma_wait3A_46 = arith.constant 0 : i32
    %dma_wait3A_47 = tpu.memref_slice %arg4[%dma_wait3A_44, %dma_wait3A_45, %dma_wait3A_46] : memref<512x512x256xf32, #tpu.memory_space<hbm>> -> memref<4x32x256xf32, #tpu.memory_space<hbm>>
    %dma_wait3A_48 = arith.constant 0 : i32
    %dma_wait3A_49 = arith.constant 0 : i32
    %dma_wait3A_50 = arith.constant 0 : i32
    %dma_wait3A_51 = tpu.memref_slice %arg4[%dma_wait3A_48, %dma_wait3A_49, %dma_wait3A_50] : memref<512x512x256xf32, #tpu.memory_space<hbm>> -> memref<4x32x256xf32, #tpu.memory_space<hbm>>
    %dma_wait3A_52 = arith.constant 0 : i32
    %dma_wait3A_53 = arith.constant 0 : i32
    %dma_wait3A_54 = arith.constant 0 : i32
    %dma_wait3A_55 = tpu.memref_slice %arg7[%dma_wait3A, %dma_wait3A_52, %dma_wait3A_53, %dma_wait3A_54] : memref<2x4x32x256xf32, #tpu.memory_space<vmem>> -> memref<1x4x32x256xf32, #tpu.memory_space<vmem>>
    %dma_wait3A_56 = tpu.memref_squeeze %dma_wait3A_55 : memref<1x4x32x256xf32, #tpu.memory_space<vmem>> -> memref<4x32x256xf32, #tpu.memory_space<vmem>>
    tpu.wait_dma2 semaphore(%arg9 : memref<!tpu.dma_semaphore, #tpu.memory_space<semaphore_mem>>) src(%dma_wait3A_56 : memref<4x32x256xf32, #tpu.memory_space<vmem>>) dst(%dma_wait3A_51 : memref<4x32x256xf32, #tpu.memory_space<hbm>>)
    %dma_wait3A_57 = arith.constant 0 : i32
    %dma_wait3A_58 = arith.constant 0 : i32
    %dma_wait3A_59 = arith.constant 0 : i32
    %dma_wait3A_60 = arith.constant 0 : i32
    %dma_wait3A_61 = tpu.memref_slice %arg7[%dma_wait3A_57, %dma_wait3A_58, %dma_wait3A_59, %dma_wait3A_60] : memref<2x4x32x256xf32, #tpu.memory_space<vmem>> -> memref<1x4x32x256xf32, #tpu.memory_space<vmem>>
    %dma_wait3A_62 = tpu.memref_squeeze %dma_wait3A_61 : memref<1x4x32x256xf32, #tpu.memory_space<vmem>> -> memref<4x32x256xf32, #tpu.memory_space<vmem>>
    %dma_wait3A_63 = arith.constant 0 : i32
    %dma_wait3A_64 = arith.constant 0 : i32
    %dma_wait3A_65 = arith.constant 0 : i32
    %dma_wait3A_66 = tpu.memref_slice %arg4[%dma_wait3A_63, %dma_wait3A_64, %dma_wait3A_65] : memref<512x512x256xf32, #tpu.memory_space<hbm>> -> memref<4x32x256xf32, #tpu.memory_space<hbm>>
    %dma_wait3A_67 = arith.constant 0 : i32
    %dma_wait3A_68 = arith.constant 0 : i32
    %dma_wait3A_69 = arith.constant 0 : i32
    %dma_wait3A_70 = tpu.memref_slice %arg4[%dma_wait3A_67, %dma_wait3A_68, %dma_wait3A_69] : memref<512x512x256xf32, #tpu.memory_space<hbm>> -> memref<4x32x256xf32, #tpu.memory_space<hbm>>
    %dma_wait3A_71 = arith.constant 0 : i32
    %dma_wait3A_72 = arith.constant 0 : i32
    %dma_wait3A_73 = arith.constant 0 : i32
    %dma_wait3A_74 = tpu.memref_slice %arg7[%dma_wait3A_57, %dma_wait3A_71, %dma_wait3A_72, %dma_wait3A_73] : memref<2x4x32x256xf32, #tpu.memory_space<vmem>> -> memref<1x4x32x256xf32, #tpu.memory_space<vmem>>
    %dma_wait3A_75 = tpu.memref_squeeze %dma_wait3A_74 : memref<1x4x32x256xf32, #tpu.memory_space<vmem>> -> memref<4x32x256xf32, #tpu.memory_space<vmem>>
    tpu.wait_dma2 semaphore(%arg9 : memref<!tpu.dma_semaphore, #tpu.memory_space<semaphore_mem>>) src(%dma_wait3A_75 : memref<4x32x256xf32, #tpu.memory_space<vmem>>) dst(%dma_wait3A_70 : memref<4x32x256xf32, #tpu.memory_space<hbm>>)
    return
  }
}

</mosaic_0001>

<sc_bundles>
// kernel: kernel.3.cloned.1.call-start
scs
__scs_entry_jumppad:
0x0: {  	(pc) =	sbr.rel $0x88, $3  }
0x1: {  	(tag) =	ssettag $0x0;
	lr =	simm.s32 $0x1  }
0x2: {  	[smem:$0x3F9F] =	sst lr;
	_ =	strace $0xD0000000  }
0x3: {  	_ = 	snop  }
0x4: {  	_ = 	snop  }
0x5: {  	_ = 	snop  }
0x6: {  	_ = 	snop  }
0x7: {  	_ = 	snop  }
__scs_overlays_trampoline_lowered:
0x8: {  	[smem:$0x3FAE] =	sst s0  }
0x9: {  	[smem:$0x3FAF] =	sst s1  }
0xa: {  	[smem:$0x3FB0] =	sst s2  }
0xb: {  	[smem:$0x3FB1] =	sst s3  }
0xc: {  	[smem:$0x3FB2] =	sst s4  }
0xd: {  	[smem:$0x3FB3] =	sst s5  }
0xe: {  	[smem:$0x3FB4] =	sst s6  }
0xf: {  	[smem:$0x3FB5] =	sst s7  }
0x10: {  	[smem:$0x3FB6] =	sst s8  }
0x11: {  	[smem:$0x3FB7] =	sst s9;
	s0 =	simm.s32 @!p0 $0x0  }
0x12: {  	s1 =	sld [smem:$0x3F9D];
	s0 =	simm.s32 @p0 $0x1  }
0x13: {  	[smem:$0x3FB8] =	sst s0;
	s0 =	simm.s32 @!p1 $0x0  }
0x14: {  	s2 =	sld [smem:$0x3F9C];
	s0 =	simm.s32 @p1 $0x1  }
0x15: {  	[smem:$0x3FB9] =	sst s0;
	s0 =	simm.s32 @!p2 $0x0  }
0x16: {  	s3 =	sld [smem:$0x3FDB];
	s0 =	simm.s32 @p2 $0x1  }
0x17: {  	s4 =	simm.s32 $0x1BF5;
	[smem:$0x3FBB] =	sst s0  }
0x18: {  	s0 =	sld [smem:$0x3F9E];
	_ =	swait.ge [sflag:s4], $0x0  }
0x19: {  	s7 =	sld [smem:$0x3F9F]  }
0x1a: {  	s8 =	sadd.s32 $0xFFFFE003, lr  }
0x1b: {  	s9 =	sadd.s32 $0xFFFFFEF7, lr;
	s5 =	simm.s32 $0xFFFFFFFF;
	p2 =	slt.u32 s8, $0xFFFFF086  }
0x1c: {  	p1 =	slt.u32 s9, $0xF7A;
	s5 =	simm.s32 @!p2 $0x0  }
0x1d: {  	s5 =	simm.s32 @p1 $0x1;
	p0 =	seq.s32 s7, s2  }
0x1e: {  	s7 =	smul.u32 @!p0 $0xF7A, s2;
	p2 =	seq.s32 @!p0 s5, $0x0  }
0x1f: {  	s9 =	smul.u32 $0xF7A, s1;
	s8 =	simm.s32 @!p0 $0x1BF5;
	p2 =	por !p2, p0  }
0x20: {  	[sflag:s8] =	ssyncset.s32 @!p0 $0xFFFFF086;
	s6 =	sadd.s32 @!p0 s3, s7;
	s7 =	simm.s32 @!p0 $0x108  }
0x21: {  	s3 =	sadd.s32 s3, s9;
	s6 =	sadd.s32 @!p0 $0x88, s6;
	s7 =	simm.s32 @p2 $0x1082  }
0x22: {  	[simem:s7], [sflag:s8] =	dma.local @!p0 [hbm:s6], $0xF7A  }
0x23: {  	s9 =	sor.u32 $0xD0000000, s2;
	s6 =	simm.s32 $0x108;
	_ =	swait.ge @!p0 [sflag:s8], $0x0  }
0x24: {  	s3 =	sadd.s32 $0x88, s3;
	s6 =	simm.s32 @!p1 $0x1082;
	[sflag:s4] =	ssyncset.s32 $0xFFFFF086  }
0x25: {  	[simem:s6], [sflag:s4] =	dma.local [hbm:s3], $0xF7A  }
0x26: {  	[smem:$0x3F9F] =	sst s1;
	(tag) =	ssettag s2;
	_ =	strace s9  }
0x27: {  	s1 =	sld [smem:$0x3FAF]  }
0x28: {  	s2 =	sld [smem:$0x3FB0]  }
0x29: {  	s4 =	sld [smem:$0x3FB2]  }
0x2a: {  	p0 =	seq.s32 s5, $0x0;
	s5 =	sld [smem:$0x3FB3]  }
0x2b: {  	s6 =	sld [smem:$0x3FB4]  }
0x2c: {  	s7 =	sld [smem:$0x3FB5]  }
0x2d: {  	s3 =	simm.s32 $0x108;
	s8 =	sld [smem:$0x3FB6]  }
0x2e: {  	s3 =	simm.s32 @!p0 $0x1082;
	s9 =	sld [smem:$0x3FB7]  }
0x2f: {  	lr =	sadd.s32 s0, s3;
	s0 =	sld [smem:$0x3FAE]  }
0x30: {  	s3 =	sld [smem:$0x3FB1]  }
0x31: {  	[smem:$0x3FBA] =	sst s10  }
0x32: {  	s10 =	sld [smem:$0x3FB8];
	_ =	sdelay $0x3  }
0x33: {  	p0 =	seq.s32 s10, $0x1;
	s10 =	sld [smem:$0x3FBA];
	_ =	sdelay $0x3  }
0x34: {  	[smem:$0x3FBA] =	sst s10  }
0x35: {  	s10 =	sld [smem:$0x3FB9];
	_ =	sdelay $0x3  }
0x36: {  	p1 =	seq.s32 s10, $0x1;
	s10 =	sld [smem:$0x3FBA];
	_ =	sdelay $0x3  }
0x37: {  	[smem:$0x3FBA] =	sst s10  }
0x38: {  	s10 =	sld [smem:$0x3FBB]  }
0x39: {  	_ = 	snop;
	(pc) =	sbr.ind lr, $3  }
0x3a: {  	_ = 	snop  }
0x3b: {  	_ = 	snop  }
0x3c: {  	p2 =	seq.s32 s10, $0x1;
	s10 =	sld [smem:$0x3FBA]  }
0x3d: {  	_ =	shalt  }
0x3e: {  	_ =	shalt  }
0x3f: {  	_ =	shalt  }
0x40: {  	_ =	shalt  }
0x41: {  	_ =	shalt  }
0x42: {  	_ =	shalt  }
0x43: {  	_ =	shalt  }
0x44: {  	_ =	shalt  }
0x45: {  	_ =	shalt  }
0x46: {  	_ =	shalt  }
0x47: {  	_ =	shalt  }
0x48: {  	_ =	shalt  }
0x49: {  	_ =	shalt  }
0x4a: {  	_ =	shalt  }
0x4b: {  	_ =	shalt  }
0x4c: {  	_ =	shalt  }
0x4d: {  	_ =	shalt  }
0x4e: {  	_ =	shalt  }
0x4f: {  	_ =	shalt  }
0x50: {  	_ =	shalt  }
0x51: {  	_ =	shalt  }
0x52: {  	_ =	shalt  }
0x53: {  	_ =	shalt  }
0x54: {  	_ =	shalt  }
0x55: {  	_ =	shalt  }
0x56: {  	_ =	shalt  }
0x57: {  	_ =	shalt  }
0x58: {  	_ =	shalt  }
0x59: {  	_ =	shalt  }
0x5a: {  	_ =	shalt  }
0x5b: {  	_ =	shalt  }
0x5c: {  	_ =	shalt  }
0x5d: {  	_ =	shalt  }
0x5e: {  	_ =	shalt  }
0x5f: {  	_ =	shalt  }
0x60: {  	_ =	shalt  }
0x61: {  	_ =	shalt  }
0x62: {  	_ =	shalt  }
0x63: {  	_ =	shalt  }
0x64: {  	_ =	shalt  }
0x65: {  	_ =	shalt  }
0x66: {  	_ =	shalt  }
0x67: {  	_ =	shalt  }
0x68: {  	_ =	shalt  }
0x69: {  	_ =	shalt  }
0x6a: {  	_ =	shalt  }
0x6b: {  	_ =	shalt  }
0x6c: {  	_ =	shalt  }
0x6d: {  	_ =	shalt  }
0x6e: {  	_ =	shalt  }
0x6f: {  	_ =	shalt  }
0x70: {  	_ =	shalt  }
0x71: {  	_ =	shalt  }
0x72: {  	_ =	shalt  }
0x73: {  	_ =	shalt  }
0x74: {  	_ =	shalt  }
0x75: {  	_ =	shalt  }
0x76: {  	_ =	shalt  }
0x77: {  	_ =	shalt  }
0x78: {  	_ =	shalt  }
0x79: {  	_ =	shalt  }
0x7a: {  	_ =	shalt  }
0x7b: {  	_ =	shalt  }
0x7c: {  	_ =	shalt  }
0x7d: {  	_ =	shalt  }
0x7e: {  	_ =	shalt  }
0x7f: {  	_ =	shalt  }
0x80: {  	_ =	shalt  }
0x81: {  	_ =	shalt  }
0x82: {  	_ =	shalt  }
0x83: {  	_ =	shalt  }
0x84: {  	_ =	shalt  }
0x85: {  	_ =	shalt  }
0x86: {  	_ =	shalt  }
0x87: {  	_ =	shalt  }
.Lfunc_end0:
.L_simem_size_0:
called_computation_lowered:
.L_overlay_start_0:
0x88: {  	s2 =	sld [smem:$0x3FD9]  }
0x89: {  	s3 =	sld [smem:$0x3FFE];
	_ =	sdelay $0x1  }
0x8a: {  	s1 =	srdreg.scid  }
0x8b: {  	s0 =	sand.u32 $0x1, s1  }
0x8c: {  	s18 =	sshll.u32 s0, $0xA;
	s2 =	sadd.s32 s3, s2  }
0x8d: {  	s2 =	sadd.s32 s2, s18  }
0x8e: {  	[smem:$0x3FC6] =	sst s2  }
0x8f: {  	_ = 	snop  }
0x90: {  	s2 =	sld [smem:$0x3FC9]  }
0x91: {  	s19 =	sld [smem:$0x3FC8]  }
0x92: {  	s4 =	sld [smem:$0x3FD0];
	(tm) =	ssettm $0x1  }
0x93: {  	s5 =	sld [smem:$0x3FFB];
	_ =	sdelay $0x3  }
0x94: {  	_ =	strace s5  }
0x95: {  	s5 =	sld [smem:$0x3FFC];
	_ =	sdelay $0x3  }
0x96: {  	_ =	strace s5  }
0x97: {  	s5 =	sld [smem:$0x3FFD];
	_ =	sdelay $0x3  }
0x98: {  	_ =	strace s5  }
0x99: {  	_ =	strace $0x8FFFFFFF  }
0x9a: {  	s20 =	sld [smem:$0x3FDB];
	_ =	sdelay $0x1  }
0x9b: {  	s6 =	simm.s32 $_scs_section_size  }
0x9c: {  	s7 =	simm.s32 $_size__tile_overlayer_lowered;
	s8 =	simm.s32 $_tile_overlayer_lowered  }
0x9d: {  	s23 =	simm.s32 $0x1BFF;
	s22 =	sshll.u32 s8, $0x1;
	s5 =	sadd.s32 s6, s20  }
0x9e: {  	s9 =	simm.s32 $0x0;
	s21 =	sshll.u32 s7, $0x1;
	s7 =	sadd.s32 s22, s5  }
0x9f: {  	[timem:s9], [sflag:s23] =	dma.local [hbm:s7], s21  }
0xa0: {  	_ =	swait.ge [sflag:s23], s21  }
0xa1: {  	s6 =	ssub.s32 $0x0, s21;
	[sflag:s23] =	ssyncset.done $0x0  }
0xa2: {  	[sflag:s23] =	ssyncadd.s32 s6;
	_ =	sdelay $0x1  }
0xa3: {  	s24 =	simm.s32 $0x1B8B  }
0xa4: {  	_ =	swait.ge [sflag:s24], $0x1  }
0xa5: {  	[sflag:s24] =	ssyncset.done $0x0  }
0xa6: {  	s25 =	simm.s32 $0x1B8E;
	[sflag:s24] =	ssyncadd.s32 $0xFFFFFFFF  }
0xa7: {  	s26 =	simm.s32 $execute0_lowered;
	[smem:$0x3FD2] =	sst s25  }
0xa8: {  	s6 =	sshll.u32 s26, $0x1;
	_ =	strace $0x80000046;
	[dreg:$0x1] =	wrdreg $0xFFFFFFFF  }
0xa9: {  	s28 =	simm.s32 $_size_execute0_lowered;
	s5 =	sadd.s32 s5, s6;
	[dreg:$0x0] =	wrdreg $0x0  }
0xaa: {  	s6 =	sshll.u32 s28, $0x1;
	[dreg:$0x2] =	wrdreg s5  }
0xab: {  	[dreg:$0x3] =	wrdreg s6  }
0xac: {  	[dreg:$0x4] =	wrdreg $0xC0  }
0xad: {  	_ =	task [dreg:s9], $0x5FFFF  }
0xae: {  	[dreg:$0x1] =	wrdreg $0xFFFFFFFF  }
0xaf: {  	[dreg:$0x0] =	wrdreg $0x60  }
0xb0: {  	[dreg:$0x2] =	wrdreg s2  }
0xb1: {  	[dreg:$0x3] =	wrdreg s19  }
0xb2: {  	[dreg:$0x4] =	wrdreg s4  }
0xb3: {  	[dreg:$0x5] =	wrdreg $0x9  }
0xb4: {  	_ =	task.clear_ibuf [dreg:s9], $0x6FFFF;
	_ =	strace $0x90000046  }
0xb5: {  	s29 =	simm.s32 $0x9;
	_ =	strace $0x80000048  }
0xb6: {  	_ =	swait.ge [sflag:s29], $0x1  }
0xb7: {  	[sflag:s29] =	ssyncadd.s32 $0xFFFFFFFF  }
0xb8: {  	_ =	strace $0x90000048  }
0xb9: {  	_ =	sfence  }
0xba: {  	s30 =	sld [smem:$0x0];
	_ =	sdelay $0x2  }
0xbb: {  	s31 =	sshll.u32 s1, $0xD;
	s1 =	sshrl.u32 s1, $0x2  }
0xbc: {  	s3 =	sand.u32 $0x4000, s31;
	s1 =	sadd.s32 s1, s30  }
0xbd: {  	s0 =	sor.u32 s3, s0;
	s1 =	sshll.u32 s1, $0x11  }
0xbe: {  	s0 =	sor.u32 s1, s0  }
0xbf: {  	s0 =	sadd.s32 $0x8F2B, s0  }
0xc0: {  	[sflag:s0] =	ssyncadd.remote.s32 $0x1  }
0xc1: {  	_ =	sfence.sel $0xFFFF  }
0xc2: {  	[dreg:$0x0] =	wrdreg $0xFFFFFFFF;
	(pc) =	sbr.abs _section_cstart, $3  }
0xc3: {  	[dreg:$0x1] =	wrdreg $0xFFFFFFFF  }
0xc4: {  	_ =	task.clear_ibuf [dreg:s9], $0x2FFFF;
	_ =	strace $0x9FFFFFFF  }
0xc5: {  	(tm) =	ssettm $0x7FFFFFFF  }
tec
execute0_lowered:
.L_overlay_start_1:
0x0: {  	(tag) =	ssettag $0x1  }
0x1: {  	s4 =	rddreg [dreg:$0x1]  }
0x2: {  	s0 =	rddreg [dreg:$0x2];
	s1 =	srdreg.scid  }
0x3: {  	s2 =	stileid.u32;
	s5 =	simm.s32 $0x0;
	s1 =	sand.u32 $0x1, s1  }
0x4: {  	s2 =	sshll.u32 s2, $0x5;
	[smem:$0x7FF] =	sst s5;
	s3 =	sshll.u32 s1, $0x4  }
0x5: {  	s1 =	ssub.s32 $0x2, s1;
	_ =	strace $0x80000047;
	s2 =	sor.u32 s3, s2  }
0x6: {  	s28 =	sshrl.u32 s1, $0x1;
	s29 =	sadd.s32 $0x7E0, s2;
	s2 =	sshll.u32 s2, $0xE  }
0x7: {  	s1 =	ssub.s32 s1, s28;
	[smem:$0x7FA] =	sst s29;
	s0 =	sadd.s32 s0, s2  }
0x8: {  	s30 =	sshll.u32 s29, $0x5;
	s31 =	smax.u32 s1, $0x1;
	[smem:$0x7FC] =	sst s0  }
0x9: {  	s3 =	sadd.s32 s4, s30;
	[smem:$0x7FD] =	sst s31  }
0xa: {  	s2 =	simm.s32 $0x0;
	[smem:$0x7FB] =	sst s3  }
.LBB2_1:
0xb: {  	[smem:$0x7F9] =	sst s2  }
0xc: {  	s0 =	rddreg [dreg:$0x0]  }
0xd: {  	s1 =	simm.s32 $0x0;
	s30 =	sld [smem:$0x7FB]  }
0xe: {  	[tilespmem:s1], [sflag:$0x1] =	stream.linear.gather [hbm4b:s0+s1], $0x2000, $0x38;
	[tilespmem:$0x1A000] =	vst v63  }
0xf: {  	s31 =	simm.s32 $0x4000;
	s6 =	simm.s32 $0x0;
	s7 =	simm.s32 $0x0  }
0x10: {  	[tilespmem:s31], [sflag:$0x1] =	stream.linear.gather [hbm4b:s30+s1], $0x3000, $0x38;
	[tilespmem:$0x1A000] =	vst v63  }
.LBB2_2:
0x11: {  	s0 =	sand.u32 $0x3, s7  }
0x12: {  	p0 =	sne.s32 s0, $0x0  }
.Ltmp0:
0x13: {  	_ = 	snop;
	(pc) =	sbr.rel @p0 .LBB2_5-.Ltmp0, $3  }
0x14: {  	_ =	sdelay $0x1  }
0x15: {  	s1 =	sshrl.u32 s7, $0x2  }
0x16: {  	[smem:$0x7F8] =	sst s0;
	s0 =	sand.u32 $0x1, s1  }
0x17: {  	s2 =	simm.s32 $0x1  }
0x18: {  	p0 =	sgt.u32 s7, $0x3B;
	_ =	swait.ge [sflag:s2], $0x2000  }
.Ltmp1:
0x19: {  	[sflag:s2] =	ssyncset.done $0x0;
	(pc) =	sbr.rel @p0 .LBB2_6-.Ltmp1, $4  }
0x1a: {  	[sflag:s2] =	ssyncadd.s32 $0xFFFFE000  }
0x1b: {  	_ =	swait.ge [sflag:s2], $0x3000  }
0x1c: {  	[sflag:s2] =	ssyncset.done $0x0  }
0x1d: {  	[sflag:s2] =	ssyncadd.s32 $0xFFFFD000  }
0x1e: {  	s1 =	sshll.u32 s1, $0x5;
	s2 =	sld [smem:$0x7FA]  }
0x1f: {  	s3 =	sxor.u32 $0x1, s0;
	s5 =	rddreg [dreg:$0x0];
	s29 =	simm.s32 $0x0  }
0x20: {  	s1 =	sadd.s32 $0x20, s1;
	s4 =	sshll.u32 s3, $0xD;
	s3 =	smul.u32 $0xC000, s3  }
0x21: {  	s31 =	rddreg [dreg:$0x1];
	s2 =	ssub.s32 s2, s1;
	s1 =	sshll.u32 s1, $0x5  }
0x22: {  	s30 =	sshrl.u32 s3, $0x2;
	s1 =	sadd.s32 s5, s1;
	s2 =	sshll.u32 s2, $0x5  }
0x23: {  	[tilespmem:s4], [sflag:$0x1] =	stream.linear.gather [hbm4b:s1+s29], $0x2000, $0x38;
	[tilespmem:$0x1A000] =	vst v63  }
0x24: {  	s1 =	sor.u32 $0x4000, s30;
	s2 =	sadd.s32 s31, s2  }
0x25: {  	[tilespmem:s1], [sflag:$0x1] =	stream.linear.gather [hbm4b:s2+s29], $0x3000, $0x38;
	[tilespmem:$0x1A000] =	vst v63  }
.LBB2_5:
0x26: {  	p0 =	slt.u32 s7, $0x2  }
.Ltmp2:
0x27: {  	_ = 	snop;
	(pc) =	sbr.rel @p0 .LBB2_7-.Ltmp2, $1  }
0x28: {  	_ =	sdelay $0x3  }
.LBB2_6:
0x29: {  	s1 =	simm.s32 $0x2  }
0x2a: {  	_ =	swait.ge [sflag:s1], $0x8000  }
0x2b: {  	[sflag:s1] =	ssyncset.done $0x0  }
0x2c: {  	[sflag:s1] =	ssyncadd.s32 $0xFFFF8000  }
.LBB2_7:
0x2d: {  	[smem:$0x7EA] =	sst s6;
	s1 =	sand.u32 $0x3, s6;
	s20 =	sshll.u32 s0, $0xD  }
0x2e: {  	s2 =	sshll.u32 s1, $0x9;
	[dreg:$0x4] =	wrdreg s20  }
0x2f: {  	s21 =	smul.u32 $0xC000, s0;
	s22 =	simm.s32 $0x0;
	[dreg:$0x5] =	wrdreg s2  }
0x30: {  	s1 =	sshll.u32 s1, $0xA;
	s23 =	sand.u32 $0x1800, s22;
	s2 =	rddreg [dreg:$0x4]  }
0x31: {  	s4 =	sshrl.u32 s21, $0x2;
	s0 =	sadd.s32 $0x1F00, s1;
	s3 =	rddreg [dreg:$0x5]  }
0x32: {  	s1 =	sand.u32 $0x380, s22;
	s9 =	sor.u32 $0x4000, s4;
	s3 =	sadd.s32 $0x0, s3  }
0x33: {  	s2 =	sadd.s32 s23, s2;
	s5 =	sand.u32 $0x3800, s0;
	s24 =	sadd.s32 $0xF80, s3  }
0x34: {  	s8 =	sadd.s32 s1, s2;
	s5 =	sadd.s32 s5, s9;
	s25 =	sand.u32 $0x380, s24  }
0x35: {  	v0 =	vld [tilespmem:s8+$0x0];
	s11 =	sadd.s32 s25, s5  }
0x36: {  	v1 =	vld [tilespmem:s11+$0x0]  }
0x37: {  	s30 =	sshll.u32 s7, $0xF  }
0x38: {  	s2 =	sand.u32 $0x8000, s30  }
0x39: {  	s15 =	sadd.s32 $0xA000, s2  }
0x3a: {  	s26 =	smov.u32 s8;
	s4 =	sadd.s32 s23, s15;
	s5 =	sadd.s32 $0x100, s0  }
0x3b: {  	[smem:$0x7EB] =	sst s7;
	s2 =	sand.u32 $0x3800, s5;
	s7 =	sadd.s32 $0x1000, s3;
	v1 =	vadd.f32 v1, v0  }
0x3c: {  	s19 =	sadd.s32 s1, s4;
	s8 =	sand.u32 $0x380, s7;
	s2 =	sadd.s32 s2, s9  }
0x3d: {  	s10 =	smov.u32 s9;
	s9 =	sadd.s32 s8, s2;
	[tilespmem:s19+$0x0] =	vst v1  }
0x3e: {  	v1 =	vld [tilespmem:s9+$0x0];
	_ =	sdelay $0x3  }
0x3f: {  	s12 =	sadd.s32 $0x200, s0  }
0x40: {  	s13 =	sadd.s32 $0x1080, s3;
	s1 =	sand.u32 $0x3800, s12;
	v1 =	vadd.f32 v1, v0  }
0x41: {  	s1 =	sadd.s32 s1, s10;
	s2 =	sand.u32 $0x380, s13  }
0x42: {  	s8 =	sadd.s32 s2, s1;
	[tilespmem:s19+$0x2000] =	vst v1  }
0x43: {  	v1 =	vld [tilespmem:s8+$0x0];
	_ =	sdelay $0x3  }
0x44: {  	s14 =	sadd.s32 $0x300, s0  }
0x45: {  	s17 =	sadd.s32 $0x1100, s3;
	s1 =	sand.u32 $0x3800, s14;
	v1 =	vadd.f32 v1, v0  }
0x46: {  	s2 =	sand.u32 $0x380, s17;
	s1 =	sadd.s32 s1, s10  }
0x47: {  	s7 =	sadd.s32 s2, s1;
	[tilespmem:s19+$0x4000] =	vst v1  }
0x48: {  	v1 =	vld [tilespmem:s7+$0x0];
	_ =	sdelay $0x4  }
0x49: {  	v0 =	vadd.f32 v1, v0;
	_ =	sdelay $0x1  }
0x4a: {  	[tilespmem:s19+$0x6000] =	vst v0  }
0x4b: {  	v0 =	vld [tilespmem:s26+$0x10]  }
0x4c: {  	v1 =	vld [tilespmem:s11+$0x10];
	_ =	sdelay $0x4  }
0x4d: {  	v1 =	vadd.f32 v1, v0;
	_ =	sdelay $0x1  }
0x4e: {  	[tilespmem:s19+$0x10] =	vst v1  }
0x4f: {  	v1 =	vld [tilespmem:s9+$0x10];
	_ =	sdelay $0x4  }
0x50: {  	v1 =	vadd.f32 v1, v0;
	_ =	sdelay $0x1  }
0x51: {  	[tilespmem:s19+$0x2010] =	vst v1  }
0x52: {  	v1 =	vld [tilespmem:s8+$0x10];
	_ =	sdelay $0x4  }
0x53: {  	v1 =	vadd.f32 v1, v0;
	_ =	sdelay $0x1  }
0x54: {  	[tilespmem:s19+$0x4010] =	vst v1  }
0x55: {  	v1 =	vld [tilespmem:s7+$0x10];
	_ =	sdelay $0x4  }
0x56: {  	v0 =	vadd.f32 v1, v0;
	_ =	sdelay $0x1  }
0x57: {  	[tilespmem:s19+$0x6010] =	vst v0  }
0x58: {  	v0 =	vld [tilespmem:s26+$0x20]  }
0x59: {  	v1 =	vld [tilespmem:s11+$0x20];
	_ =	sdelay $0x4  }
0x5a: {  	v1 =	vadd.f32 v1, v0;
	_ =	sdelay $0x1  }
0x5b: {  	s20 =	rddreg [dreg:$0x4];
	s21 =	simm.s32 $0x100;
	s22 =	simm.s32 $0x80;
	[tilespmem:s19+$0x20] =	vst v1  }
0x5c: {  	s18 =	rddreg [dreg:$0x5];
	s16 =	smov.u32 s10;
	s4 =	sand.u32 $0x380, s22;
	v1 =	vld [tilespmem:s9+$0x20]  }
0x5d: {  	s0 =	sadd.s32 $0xFFFFFF00, s0;
	s3 =	sand.u32 $0x1800, s21;
	s1 =	sadd.s32 $0xFFFFFF80, s18  }
0x5e: {  	s23 =	sand.u32 $0x3800, s0;
	s2 =	sadd.s32 s3, s20;
	s24 =	sadd.s32 $0xF80, s1  }
0x5f: {  	s5 =	sadd.s32 s23, s16;
	s18 =	sadd.s32 s4, s2;
	s25 =	sand.u32 $0x380, s24  }
0x60: {  	v2 =	vld [tilespmem:s18+$0x0];
	s17 =	sadd.s32 s25, s5  }
0x61: {  	v3 =	vld [tilespmem:s17+$0x0];
	v1 =	vadd.f32 v1, v0;
	_ =	sdelay $0x1  }
0x62: {  	[tilespmem:s19+$0x2020] =	vst v1  }
0x63: {  	v1 =	vld [tilespmem:s8+$0x20]  }
0x64: {  	s14 =	smov.u32 s26;
	s26 =	sadd.s32 $0x100, s0  }
0x65: {  	s3 =	sadd.s32 s3, s15;
	s30 =	sadd.s32 $0x1000, s1;
	v3 =	vadd.f32 v3, v2;
	s2 =	sand.u32 $0x3800, s26  }
0x66: {  	s13 =	sadd.s32 s4, s3;
	s4 =	sand.u32 $0x380, s30;
	s2 =	sadd.s32 s2, s16  }
0x67: {  	[tilespmem:s13+$0x0] =	vst v3;
	s10 =	sadd.s32 s4, s2  }
0x68: {  	v3 =	vld [tilespmem:s10+$0x0];
	v1 =	vadd.f32 v1, v0;
	_ =	sdelay $0x1  }
0x69: {  	[tilespmem:s19+$0x4020] =	vst v1  }
0x6a: {  	v1 =	vld [tilespmem:s7+$0x20]  }
0x6b: {  	s5 =	sadd.s32 $0x200, s0  }
0x6c: {  	s6 =	sadd.s32 $0x1080, s1;
	s2 =	sand.u32 $0x3800, s5;
	v3 =	vadd.f32 v3, v2  }
0x6d: {  	s3 =	sand.u32 $0x380, s6;
	s2 =	sadd.s32 s2, s16  }
0x6e: {  	s23 =	sadd.s32 s3, s2;
	[tilespmem:s13+$0x2000] =	vst v3  }
0x6f: {  	v0 =	vadd.f32 v1, v0;
	v1 =	vld [tilespmem:s23+$0x0];
	_ =	sdelay $0x1  }
0x70: {  	[tilespmem:s19+$0x6020] =	vst v0  }
0x71: {  	v0 =	vld [tilespmem:s14+$0x30]  }
0x72: {  	s12 =	sadd.s32 $0x300, s0;
	v3 =	vld [tilespmem:s11+$0x30]  }
0x73: {  	s1 =	sadd.s32 $0x1100, s1;
	s2 =	sand.u32 $0x3800, s12;
	v1 =	vadd.f32 v1, v2  }
0x74: {  	s1 =	sand.u32 $0x380, s1;
	s2 =	sadd.s32 s2, s16  }
0x75: {  	s21 =	sadd.s32 s1, s2;
	[tilespmem:s13+$0x4000] =	vst v1  }
0x76: {  	v1 =	vld [tilespmem:s21+$0x0]  }
0x77: {  	v3 =	vadd.f32 v3, v0;
	_ =	sdelay $0x1  }
0x78: {  	[tilespmem:s19+$0x30] =	vst v3  }
0x79: {  	v3 =	vld [tilespmem:s9+$0x30]  }
0x7a: {  	v1 =	vadd.f32 v1, v2;
	_ =	sdelay $0x1  }
0x7b: {  	[tilespmem:s13+$0x6000] =	vst v1  }
0x7c: {  	v1 =	vld [tilespmem:s18+$0x10]  }
0x7d: {  	v2 =	vadd.f32 v3, v0;
	v3 =	vld [tilespmem:s17+$0x10];
	_ =	sdelay $0x1  }
0x7e: {  	[tilespmem:s19+$0x2030] =	vst v2  }
0x7f: {  	v2 =	vld [tilespmem:s8+$0x30];
	_ =	sdelay $0x1  }
0x80: {  	v3 =	vadd.f32 v3, v1;
	_ =	sdelay $0x1  }
0x81: {  	[tilespmem:s13+$0x10] =	vst v3  }
0x82: {  	v2 =	vadd.f32 v2, v0;
	v3 =	vld [tilespmem:s10+$0x10];
	_ =	sdelay $0x1  }
0x83: {  	[tilespmem:s19+$0x4030] =	vst v2  }
0x84: {  	v2 =	vld [tilespmem:s7+$0x30];
	_ =	sdelay $0x1  }
0x85: {  	v3 =	vadd.f32 v3, v1;
	_ =	sdelay $0x1  }
0x86: {  	[tilespmem:s13+$0x2010] =	vst v3  }
0x87: {  	v0 =	vadd.f32 v2, v0;
	v2 =	vld [tilespmem:s23+$0x10];
	_ =	sdelay $0x1  }
0x88: {  	[tilespmem:s19+$0x6030] =	vst v0  }
0x89: {  	v0 =	vld [tilespmem:s14+$0x40]  }
0x8a: {  	v3 =	vld [tilespmem:s11+$0x40]  }
0x8b: {  	v2 =	vadd.f32 v2, v1;
	_ =	sdelay $0x1  }
0x8c: {  	[tilespmem:s13+$0x4010] =	vst v2  }
0x8d: {  	v2 =	vld [tilespmem:s21+$0x10]  }
0x8e: {  	v3 =	vadd.f32 v3, v0;
	_ =	sdelay $0x1  }
0x8f: {  	[tilespmem:s19+$0x40] =	vst v3  }
0x90: {  	v3 =	vld [tilespmem:s9+$0x40]  }
0x91: {  	v1 =	vadd.f32 v2, v1;
	_ =	sdelay $0x1  }
0x92: {  	[tilespmem:s13+$0x6010] =	vst v1  }
0x93: {  	v1 =	vld [tilespmem:s18+$0x20]  }
0x94: {  	v2 =	vadd.f32 v3, v0;
	v3 =	vld [tilespmem:s17+$0x20];
	_ =	sdelay $0x1  }
0x95: {  	[tilespmem:s19+$0x2040] =	vst v2  }
0x96: {  	v2 =	vld [tilespmem:s8+$0x40];
	_ =	sdelay $0x1  }
0x97: {  	v3 =	vadd.f32 v3, v1;
	_ =	sdelay $0x1  }
0x98: {  	[tilespmem:s13+$0x20] =	vst v3  }
0x99: {  	s22 =	smov.u32 s14;
	s20 =	rddreg [dreg:$0x4];
	s24 =	simm.s32 $0x200;
	v2 =	vadd.f32 v2, v0;
	v3 =	vld [tilespmem:s10+$0x20]  }
0x9a: {  	s25 =	simm.s32 $0x100;
	s0 =	sadd.s32 $0xFFFFFF00, s0;
	s14 =	rddreg [dreg:$0x5]  }
0x9b: {  	s26 =	sand.u32 $0x3800, s0;
	s3 =	sand.u32 $0x1800, s24;
	s1 =	sadd.s32 $0xFFFFFF00, s14;
	[tilespmem:s19+$0x4040] =	vst v2  }
0x9c: {  	s4 =	sand.u32 $0x380, s25;
	s2 =	sadd.s32 s3, s20;
	s30 =	sadd.s32 $0xF80, s1;
	v2 =	vld [tilespmem:s7+$0x40]  }
0x9d: {  	s5 =	sadd.s32 s26, s16;
	s14 =	sadd.s32 s4, s2;
	s6 =	sand.u32 $0x380, s30  }
0x9e: {  	v4 =	vld [tilespmem:s14+$0x0];
	s25 =	sadd.s32 s6, s5;
	v3 =	vadd.f32 v3, v1  }
0x9f: {  	v5 =	vld [tilespmem:s25+$0x0]  }
0xa0: {  	[tilespmem:s13+$0x2020] =	vst v3  }
0xa1: {  	v0 =	vadd.f32 v2, v0;
	v2 =	vld [tilespmem:s23+$0x20];
	_ =	sdelay $0x1  }
0xa2: {  	s12 =	sadd.s32 $0x100, s0;
	s3 =	sadd.s32 s3, s15;
	[tilespmem:s19+$0x6040] =	vst v0  }
0xa3: {  	s2 =	sand.u32 $0x3800, s12;
	s20 =	sadd.s32 $0x1000, s1;
	v3 =	vadd.f32 v5, v4;
	v0 =	vld [tilespmem:s22+$0x50];
	[dreg:$0x6] =	wrdreg s15  }
0xa4: {  	s2 =	sadd.s32 s2, s16;
	s30 =	sadd.s32 s4, s3;
	s24 =	sand.u32 $0x380, s20;
	v5 =	vld [tilespmem:s11+$0x50]  }
0xa5: {  	s12 =	sadd.s32 s24, s2;
	[tilespmem:s30+$0x0] =	vst v3;
	v2 =	vadd.f32 v2, v1  }
0xa6: {  	v3 =	vld [tilespmem:s12+$0x0]  }
0xa7: {  	[tilespmem:s13+$0x4020] =	vst v2  }
0xa8: {  	v2 =	vld [tilespmem:s21+$0x20]  }
0xa9: {  	v5 =	vadd.f32 v5, v0  }
0xaa: {  	s26 =	sadd.s32 $0x200, s0  }
0xab: {  	s3 =	sand.u32 $0x3800, s26;
	s2 =	sadd.s32 $0x1080, s1;
	v3 =	vadd.f32 v3, v4;
	[tilespmem:s19+$0x50] =	vst v5  }
0xac: {  	s3 =	sadd.s32 s3, s16;
	s4 =	sand.u32 $0x380, s2;
	v5 =	vld [tilespmem:s9+$0x50]  }
0xad: {  	s20 =	sadd.s32 s4, s3;
	[tilespmem:s30+$0x2000] =	vst v3;
	v1 =	vadd.f32 v2, v1  }
0xae: {  	v2 =	vld [tilespmem:s20+$0x0]  }
0xaf: {  	[tilespmem:s13+$0x6020] =	vst v1  }
0xb0: {  	v1 =	vld [tilespmem:s18+$0x30]  }
0xb1: {  	v3 =	vadd.f32 v5, v0;
	v5 =	vld [tilespmem:s17+$0x30]  }
0xb2: {  	s5 =	sadd.s32 $0x300, s0  }
0xb3: {  	s1 =	sadd.s32 $0x1100, s1;
	s3 =	sand.u32 $0x3800, s5;
	v2 =	vadd.f32 v2, v4;
	[tilespmem:s19+$0x2050] =	vst v3  }
0xb4: {  	s1 =	sand.u32 $0x380, s1;
	s3 =	sadd.s32 s3, s16;
	v3 =	vld [tilespmem:s8+$0x50]  }
0xb5: {  	s1 =	sadd.s32 s1, s3;
	[tilespmem:s30+$0x4000] =	vst v2  }
0xb6: {  	v2 =	vld [tilespmem:s1+$0x0];
	v5 =	vadd.f32 v5, v1;
	_ =	sdelay $0x1  }
0xb7: {  	[tilespmem:s13+$0x30] =	vst v5  }
0xb8: {  	v3 =	vadd.f32 v3, v0;
	v5 =	vld [tilespmem:s10+$0x30];
	_ =	sdelay $0x1  }
0xb9: {  	v2 =	vadd.f32 v2, v4;
	[tilespmem:s19+$0x4050] =	vst v3  }
0xba: {  	v3 =	vld [tilespmem:s7+$0x50]  }
0xbb: {  	[tilespmem:s30+$0x6000] =	vst v2  }
0xbc: {  	v2 =	vld [tilespmem:s14+$0x10];
	v4 =	vadd.f32 v5, v1  }
0xbd: {  	v5 =	vld [tilespmem:s25+$0x10]  }
0xbe: {  	[tilespmem:s13+$0x2030] =	vst v4  }
0xbf: {  	v0 =	vadd.f32 v3, v0;
	v3 =	vld [tilespmem:s23+$0x30];
	_ =	sdelay $0x1  }
0xc0: {  	[tilespmem:s19+$0x6050] =	vst v0  }
0xc1: {  	v4 =	vadd.f32 v5, v2;
	v0 =	vld [tilespmem:s22+$0x60]  }
0xc2: {  	v5 =	vld [tilespmem:s11+$0x60]  }
0xc3: {  	[tilespmem:s30+$0x10] =	vst v4;
	v3 =	vadd.f32 v3, v1  }
0xc4: {  	v4 =	vld [tilespmem:s12+$0x10]  }
0xc5: {  	[tilespmem:s13+$0x4030] =	vst v3  }
0xc6: {  	v3 =	vld [tilespmem:s21+$0x30]  }
0xc7: {  	v5 =	vadd.f32 v5, v0;
	_ =	sdelay $0x1  }
0xc8: {  	[tilespmem:s19+$0x60] =	vst v5;
	v4 =	vadd.f32 v4, v2  }
0xc9: {  	v5 =	vld [tilespmem:s9+$0x60]  }
0xca: {  	[tilespmem:s30+$0x2010] =	vst v4;
	v1 =	vadd.f32 v3, v1  }
0xcb: {  	v3 =	vld [tilespmem:s20+$0x10]  }
0xcc: {  	[tilespmem:s13+$0x6030] =	vst v1  }
0xcd: {  	v1 =	vld [tilespmem:s18+$0x40]  }
0xce: {  	v4 =	vadd.f32 v5, v0;
	v5 =	vld [tilespmem:s17+$0x40];
	_ =	sdelay $0x1  }
0xcf: {  	[tilespmem:s19+$0x2060] =	vst v4;
	v3 =	vadd.f32 v3, v2  }
0xd0: {  	v4 =	vld [tilespmem:s8+$0x60]  }
0xd1: {  	[tilespmem:s30+$0x4010] =	vst v3  }
0xd2: {  	v3 =	vld [tilespmem:s1+$0x10];
	v5 =	vadd.f32 v5, v1;
	_ =	sdelay $0x1  }
0xd3: {  	[tilespmem:s13+$0x40] =	vst v5  }
0xd4: {  	v4 =	vadd.f32 v4, v0;
	v5 =	vld [tilespmem:s10+$0x40];
	_ =	sdelay $0x1  }
0xd5: {  	[tilespmem:s19+$0x4060] =	vst v4;
	v2 =	vadd.f32 v3, v2  }
0xd6: {  	v3 =	vld [tilespmem:s7+$0x60]  }
0xd7: {  	s6 =	smov.u32 s14;
	[tilespmem:s30+$0x6010] =	vst v2  }
0xd8: {  	v2 =	vld [tilespmem:s6+$0x20];
	v4 =	vadd.f32 v5, v1  }
0xd9: {  	v5 =	vld [tilespmem:s25+$0x20]  }
0xda: {  	s26 =	smov.u32 s23;
	[tilespmem:s13+$0x2040] =	vst v4  }
0xdb: {  	v0 =	vadd.f32 v3, v0;
	v3 =	vld [tilespmem:s26+$0x40]  }
0xdc: {  	s24 =	smov.u32 s18  }
0xdd: {  	s28 =	smov.u32 s26;
	s0 =	sadd.s32 $0xFFFFFF00, s0;
	s2 =	smov.u32 s7;
	[tilespmem:s19+$0x6060] =	vst v0  }
0xde: {  	s3 =	rddreg [dreg:$0x5];
	s14 =	smov.u32 s9;
	s23 =	smov.u32 s17;
	v4 =	vadd.f32 v5, v2;
	v0 =	vld [tilespmem:s22+$0x70]  }
0xdf: {  	s9 =	smov.u32 s6;
	s18 =	smov.u32 s8;
	s8 =	simm.s32 $0x180;
	v5 =	vld [tilespmem:s11+$0x70]  }
0xe0: {  	s17 =	smov.u32 s1;
	s5 =	sand.u32 $0x380, s8;
	s7 =	simm.s32 $0x300;
	[tilespmem:s30+$0x20] =	vst v4;
	v3 =	vadd.f32 v3, v1  }
0xe1: {  	s1 =	sadd.s32 $0xFFFFFE80, s3;
	s4 =	sand.u32 $0x1800, s7;
	s6 =	rddreg [dreg:$0x4];
	v4 =	vld [tilespmem:s12+$0x20]  }
0xe2: {  	s7 =	sand.u32 $0x3800, s0;
	s3 =	sadd.s32 s4, s6;
	s26 =	sadd.s32 $0xF80, s1;
	[tilespmem:s13+$0x4040] =	vst v3  }
0xe3: {  	s7 =	sadd.s32 s7, s16;
	s31 =	sadd.s32 s5, s3;
	s6 =	sand.u32 $0x380, s26;
	v3 =	vld [tilespmem:s21+$0x40]  }
0xe4: {  	v6 =	vld [tilespmem:s31+$0x0];
	s26 =	sadd.s32 s6, s7;
	v5 =	vadd.f32 v5, v0  }
0xe5: {  	v7 =	vld [tilespmem:s26+$0x0]  }
0xe6: {  	[tilespmem:s19+$0x70] =	vst v5;
	v4 =	vadd.f32 v4, v2  }
0xe7: {  	v5 =	vld [tilespmem:s14+$0x70]  }
0xe8: {  	[tilespmem:s30+$0x2020] =	vst v4;
	v1 =	vadd.f32 v3, v1  }
0xe9: {  	s8 =	sadd.s32 $0x100, s0;
	v3 =	vld [tilespmem:s20+$0x20]  }
0xea: {  	s4 =	sadd.s32 s4, s15;
	s15 =	sadd.s32 $0x1000, s1;
	s3 =	sand.u32 $0x3800, s8;
	v4 =	vadd.f32 v7, v6;
	[tilespmem:s13+$0x6040] =	vst v1  }
0xeb: {  	s8 =	sadd.s32 s5, s4;
	s5 =	sand.u32 $0x380, s15;
	s3 =	sadd.s32 s3, s16;
	v1 =	vld [tilespmem:s24+$0x50]  }
0xec: {  	s15 =	sadd.s32 s5, s3;
	[tilespmem:s8+$0x0] =	vst v4;
	v5 =	vadd.f32 v5, v0;
	v4 =	vld [tilespmem:s23+$0x50]  }
0xed: {  	v7 =	vld [tilespmem:s15+$0x0]  }
0xee: {  	[tilespmem:s19+$0x2070] =	vst v5;
	v3 =	vadd.f32 v3, v2  }
0xef: {  	v5 =	vld [tilespmem:s18+$0x70]  }
0xf0: {  	[tilespmem:s30+$0x4020] =	vst v3  }
0xf1: {  	s6 =	sadd.s32 $0x200, s0;
	v3 =	vld [tilespmem:s17+$0x20];
	v4 =	vadd.f32 v4, v1  }
0xf2: {  	s7 =	sadd.s32 $0x1080, s1;
	s3 =	sand.u32 $0x3800, s6;
	v7 =	vadd.f32 v7, v6  }
0xf3: {  	s4 =	sand.u32 $0x380, s7;
	s3 =	sadd.s32 s3, s16;
	[tilespmem:s13+$0x50] =	vst v4  }
0xf4: {  	s6 =	sadd.s32 s4, s3;
	[tilespmem:s8+$0x2000] =	vst v7;
	v4 =	vadd.f32 v5, v0;
	v5 =	vld [tilespmem:s10+$0x50]  }
0xf5: {  	v7 =	vld [tilespmem:s6+$0x0]  }
0xf6: {  	[tilespmem:s19+$0x4070] =	vst v4;
	v2 =	vadd.f32 v3, v2  }
0xf7: {  	v3 =	vld [tilespmem:s2+$0x70]  }
0xf8: {  	s7 =	smov.u32 s9;
	[tilespmem:s30+$0x6020] =	vst v2  }
0xf9: {  	s4 =	sadd.s32 $0x300, s0;
	[dreg:$0x1c] =	wrdreg s7;
	v4 =	vadd.f32 v5, v1  }
0xfa: {  	s1 =	sadd.s32 $0x1100, s1;
	s3 =	sand.u32 $0x3800, s4;
	v5 =	vadd.f32 v7, v6;
	v2 =	vld [tilespmem:s9+$0x30]  }
0xfb: {  	s1 =	sand.u32 $0x380, s1;
	s3 =	sadd.s32 s3, s16;
	v7 =	vld [tilespmem:s25+$0x30];
	[tilespmem:s13+$0x2050] =	vst v4  }
0xfc: {  	s3 =	sadd.s32 s1, s3;
	[tilespmem:s8+$0x4000] =	vst v5;
	v0 =	vadd.f32 v3, v0;
	v3 =	vld [tilespmem:s28+$0x50]  }
0xfd: {  	v4 =	vld [tilespmem:s3+$0x0];
	_ =	sdelay $0x1  }
0xfe: {  	[tilespmem:s19+$0x6070] =	vst v0  }
0xff: {  	v0 =	vld [tilespmem:s22+$0x400];
	v5 =	vadd.f32 v7, v2  }
0x100: {  	v7 =	vld [tilespmem:s11+$0x400];
	v3 =	vadd.f32 v3, v1  }
0x101: {  	[tilespmem:s30+$0x30] =	vst v5;
	v4 =	vadd.f32 v4, v6  }
0x102: {  	v5 =	vld [tilespmem:s12+$0x30];
	[tilespmem:s13+$0x4050] =	vst v3  }
0x103: {  	[tilespmem:s8+$0x6000] =	vst v4  }
0x104: {  	[dreg:$0x15] =	wrdreg s21  }
0x105: {  	v4 =	vadd.f32 v7, v0;
	v3 =	vld [tilespmem:s21+$0x50];
	[smem:$0x7F2] =	sst s31  }
0x106: {  	v6 =	vld [tilespmem:s31+$0x10];
	[smem:$0x7EC] =	sst s26  }
0x107: {  	v7 =	vld [tilespmem:s26+$0x10];
	[tilespmem:s19+$0x400] =	vst v4;
	v4 =	vadd.f32 v5, v2;
	_ =	sdelay $0x1  }
0x108: {  	v5 =	vld [tilespmem:s14+$0x400];
	[tilespmem:s30+$0x2030] =	vst v4  }
0x109: {  	v1 =	vadd.f32 v3, v1;
	[dreg:$0x17] =	wrdreg s20  }
0x10a: {  	v3 =	vld [tilespmem:s20+$0x30]  }
0x10b: {  	[tilespmem:s13+$0x6050] =	vst v1;
	v1 =	vadd.f32 v7, v6  }
0x10c: {  	v4 =	vld [tilespmem:s24+$0x60]  }
0x10d: {  	v5 =	vadd.f32 v5, v0;
	v7 =	vld [tilespmem:s23+$0x60];
	[tilespmem:s8+$0x10] =	vst v1  }
0x10e: {  	v1 =	vld [tilespmem:s15+$0x10]  }
0x10f: {  	[tilespmem:s19+$0x2400] =	vst v5;
	v3 =	vadd.f32 v3, v2  }
0x110: {  	v5 =	vld [tilespmem:s18+$0x400];
	[dreg:$0xa] =	wrdreg s18  }
0x111: {  	[tilespmem:s30+$0x4030] =	vst v3  }
0x112: {  	v7 =	vadd.f32 v7, v4;
	v3 =	vld [tilespmem:s17+$0x30]  }
0x113: {  	[dreg:$0x16] =	wrdreg s17;
	v1 =	vadd.f32 v1, v6  }
0x114: {  	[tilespmem:s13+$0x60] =	vst v7  }
0x115: {  	v5 =	vadd.f32 v5, v0;
	v7 =	vld [tilespmem:s10+$0x60];
	[tilespmem:s8+$0x2010] =	vst v1  }
0x116: {  	v1 =	vld [tilespmem:s6+$0x10];
	[smem:$0x7F0] =	sst s6  }
0x117: {  	[tilespmem:s19+$0x4400] =	vst v5;
	v2 =	vadd.f32 v3, v2  }
0x118: {  	v3 =	vld [tilespmem:s2+$0x400]  }
0x119: {  	[tilespmem:s30+$0x6030] =	vst v2  }
0x11a: {  	v2 =	vld [tilespmem:s7+$0x40]  }
0x11b: {  	v5 =	vadd.f32 v7, v4;
	v7 =	vld [tilespmem:s25+$0x40]  }
0x11c: {  	v1 =	vadd.f32 v1, v6  }
0x11d: {  	[tilespmem:s13+$0x2060] =	vst v5;
	v0 =	vadd.f32 v3, v0  }
0x11e: {  	v3 =	vld [tilespmem:s28+$0x60];
	[tilespmem:s8+$0x4010] =	vst v1  }
0x11f: {  	v1 =	vld [tilespmem:s3+$0x10];
	[tilespmem:s19+$0x6400] =	vst v0  }
0x120: {  	v5 =	vadd.f32 v7, v2;
	v0 =	vld [tilespmem:s22+$0x410];
	[smem:$0x7F1] =	sst s22  }
0x121: {  	v7 =	vld [tilespmem:s11+$0x410]  }
0x122: {  	[tilespmem:s30+$0x40] =	vst v5  }
0x123: {  	v3 =	vadd.f32 v3, v4;
	v5 =	vld [tilespmem:s12+$0x40]  }
0x124: {  	v1 =	vadd.f32 v1, v6  }
0x125: {  	[tilespmem:s13+$0x4060] =	vst v3  }
0x126: {  	v3 =	vld [tilespmem:s21+$0x60];
	[tilespmem:s8+$0x6010] =	vst v1;
	v1 =	vadd.f32 v7, v0  }
0x127: {  	v6 =	vld [tilespmem:s31+$0x20]  }
0x128: {  	v7 =	vld [tilespmem:s26+$0x20];
	[tilespmem:s19+$0x410] =	vst v1;
	v1 =	vadd.f32 v5, v2  }
0x129: {  	s5 =	smov.u32 s14  }
0x12a: {  	v5 =	vld [tilespmem:s5+$0x410];
	[tilespmem:s30+$0x2040] =	vst v1  }
0x12b: {  	v1 =	vadd.f32 v3, v4;
	v3 =	vld [tilespmem:s20+$0x40];
	_ =	sdelay $0x1  }
0x12c: {  	[tilespmem:s13+$0x6060] =	vst v1;
	v1 =	vadd.f32 v7, v6  }
0x12d: {  	s29 =	smov.u32 s5;
	s9 =	smov.u32 s2;
	v4 =	vld [tilespmem:s24+$0x70]  }
0x12e: {  	s2 =	smov.u32 s28;
	s28 =	smov.u32 s3;
	s3 =	rddreg [dreg:$0x5];
	v7 =	vld [tilespmem:s23+$0x70];
	v5 =	vadd.f32 v5, v0;
	[tilespmem:s8+$0x20] =	vst v1  }
0x12f: {  	s14 =	smov.u32 s10;
	s10 =	simm.s32 $0x400;
	v1 =	vld [tilespmem:s15+$0x20];
	[smem:$0x7EE] =	sst s15;
	v3 =	vadd.f32 v3, v2  }
0x130: {  	s4 =	sand.u32 $0x1800, s10;
	s7 =	rddreg [dreg:$0x4];
	s1 =	sadd.s32 $0xFFFFFE00, s3;
	[tilespmem:s19+$0x2410] =	vst v5  }
0x131: {  	s3 =	sadd.s32 s4, s7;
	s31 =	sadd.s32 $0xFFFFFF00, s0;
	s20 =	simm.s32 $0x200;
	v5 =	vld [tilespmem:s18+$0x410];
	[tilespmem:s30+$0x4040] =	vst v3  }
0x132: {  	s0 =	sadd.s32 $0xF80, s1;
	s21 =	sand.u32 $0x3800, s31;
	s5 =	sand.u32 $0x380, s20;
	v3 =	vld [tilespmem:s17+$0x40]  }
0x133: {  	s10 =	sand.u32 $0x380, s0;
	s7 =	sadd.s32 s21, s16;
	s26 =	sadd.s32 s5, s3  }
0x134: {  	s21 =	sadd.s32 s10, s7;
	v8 =	vld [tilespmem:s26+$0x0];
	v7 =	vadd.f32 v7, v4  }
0x135: {  	v9 =	vld [tilespmem:s21+$0x0];
	v1 =	vadd.f32 v1, v6  }
0x136: {  	[tilespmem:s13+$0x70] =	vst v7;
	v5 =	vadd.f32 v5, v0  }
0x137: {  	s7 =	smov.u32 s2;
	v7 =	vld [tilespmem:s14+$0x70];
	[tilespmem:s8+$0x2020] =	vst v1;
	v2 =	vadd.f32 v3, v2  }
0x138: {  	s2 =	smov.u32 s8;
	s18 =	smov.u32 s14;
	s14 =	sadd.s32 $0x100, s31;
	v1 =	vld [tilespmem:s6+$0x20];
	[tilespmem:s19+$0x4410] =	vst v5  }
0x139: {  	s17 =	smov.u32 s9;
	s3 =	sand.u32 $0x3800, s14;
	v3 =	vld [tilespmem:s9+$0x410];
	s20 =	rddreg [dreg:$0x6];
	[tilespmem:s30+$0x6040] =	vst v2  }
0x13a: {  	s6 =	sadd.s32 $0x1000, s1;
	v5 =	vadd.f32 v9, v8;
	s4 =	sadd.s32 s4, s20;
	s10 =	rddreg [dreg:$0x1c]  }
0x13b: {  	s3 =	sadd.s32 s3, s16;
	s9 =	sand.u32 $0x380, s6;
	s8 =	sadd.s32 s5, s4;
	v2 =	vld [tilespmem:s10+$0x50]  }
0x13c: {  	v7 =	vadd.f32 v7, v4;
	s9 =	sadd.s32 s9, s3;
	[tilespmem:s8+$0x0] =	vst v5;
	v5 =	vld [tilespmem:s25+$0x50]  }
0x13d: {  	v1 =	vadd.f32 v1, v6;
	v9 =	vld [tilespmem:s9+$0x0]  }
0x13e: {  	[tilespmem:s13+$0x2070] =	vst v7;
	v0 =	vadd.f32 v3, v0  }
0x13f: {  	v3 =	vld [tilespmem:s7+$0x70];
	[tilespmem:s2+$0x4020] =	vst v1  }
0x140: {  	s14 =	sadd.s32 $0x200, s31;
	v1 =	vld [tilespmem:s28+$0x20];
	[tilespmem:s19+$0x6410] =	vst v0  }
0x141: {  	s3 =	sand.u32 $0x3800, s14;
	s14 =	smov.u32 s16;
	v0 =	vld [tilespmem:s22+$0x420];
	v5 =	vadd.f32 v5, v2  }
0x142: {  	v7 =	vld [tilespmem:s11+$0x420];
	[dreg:$0x11] =	wrdreg s14;
	v9 =	vadd.f32 v9, v8  }
0x143: {  	s22 =	sadd.s32 $0x1080, s1;
	[tilespmem:s30+$0x50] =	vst v5  }
0x144: {  	s3 =	sadd.s32 s3, s16;
	s16 =	smov.u32 s12;
	s4 =	sand.u32 $0x380, s22;
	[tilespmem:s8+$0x2000] =	vst v9  }
0x145: {  	s6 =	smov.u32 s28;
	v3 =	vadd.f32 v3, v4;
	s28 =	sadd.s32 s4, s3;
	v5 =	vld [tilespmem:s12+$0x50];
	[dreg:$0x1d] =	wrdreg s16  }
0x146: {  	v1 =	vadd.f32 v1, v6;
	v6 =	vld [tilespmem:s28+$0x0];
	[dreg:$0x9] =	wrdreg s28  }
0x147: {  	[tilespmem:s13+$0x4070] =	vst v3  }
0x148: {  	s20 =	smov.u32 s11;
	s11 =	rddreg [dreg:$0x15];
	[tilespmem:s2+$0x6020] =	vst v1;
	v1 =	vadd.f32 v7, v0  }
0x149: {  	s5 =	sld [smem:$0x7F2]  }
0x14a: {  	v3 =	vld [tilespmem:s11+$0x70];
	s4 =	sld [smem:$0x7EC];
	[tilespmem:s19+$0x420] =	vst v1  }
0x14b: {  	v1 =	vadd.f32 v5, v2;
	v5 =	vld [tilespmem:s29+$0x420]  }
0x14c: {  	s22 =	smov.u32 s29;
	v7 =	vld [tilespmem:s5+$0x30]  }
0x14d: {  	v6 =	vadd.f32 v6, v8;
	v9 =	vld [tilespmem:s4+$0x30];
	[dreg:$0x7] =	wrdreg s22  }
0x14e: {  	s0 =	sadd.s32 $0x300, s31;
	[tilespmem:s30+$0x2050] =	vst v1  }
0x14f: {  	s1 =	sadd.s32 $0x1100, s1;
	s3 =	sand.u32 $0x3800, s0;
	[tilespmem:s8+$0x4000] =	vst v6  }
0x150: {  	s1 =	sand.u32 $0x380, s1;
	s3 =	sadd.s32 s3, s14;
	v1 =	vadd.f32 v3, v4;
	s14 =	rddreg [dreg:$0x17]  }
0x151: {  	s12 =	sadd.s32 s1, s3;
	v3 =	vld [tilespmem:s14+$0x50]  }
0x152: {  	v4 =	vld [tilespmem:s12+$0x0];
	[tilespmem:s13+$0x6070] =	vst v1;
	v1 =	vadd.f32 v9, v7  }
0x153: {  	[dreg:$0x1f] =	wrdreg s24  }
0x154: {  	[tilespmem:s2+$0x30] =	vst v1  }
0x155: {  	v5 =	vadd.f32 v5, v0;
	v6 =	vld [tilespmem:s24+$0x400];
	[dreg:$0x18] =	wrdreg s23  }
0x156: {  	v3 =	vadd.f32 v3, v2;
	v1 =	vld [tilespmem:s23+$0x400]  }
0x157: {  	v4 =	vadd.f32 v4, v8;
	v9 =	vld [tilespmem:s15+$0x30];
	[tilespmem:s19+$0x2420] =	vst v5  }
0x158: {  	s3 =	rddreg [dreg:$0xa];
	[tilespmem:s30+$0x4050] =	vst v3  }
0x159: {  	[tilespmem:s8+$0x6000] =	vst v4  }
0x15a: {  	v5 =	vld [tilespmem:s3+$0x420];
	s1 =	rddreg [dreg:$0x16]  }
0x15b: {  	v3 =	vld [tilespmem:s1+$0x50];
	[smem:$0x7F4] =	sst s26;
	v1 =	vadd.f32 v1, v6  }
0x15c: {  	v4 =	vld [tilespmem:s26+$0x10];
	[smem:$0x7F5] =	sst s21;
	v8 =	vadd.f32 v9, v7  }
0x15d: {  	[tilespmem:s13+$0x400] =	vst v1  }
0x15e: {  	[tilespmem:s2+$0x2030] =	vst v8  }
0x15f: {  	v9 =	vld [tilespmem:s21+$0x10];
	s15 =	sld [smem:$0x7F0]  }
0x160: {  	v1 =	vadd.f32 v5, v0;
	[dreg:$0x1e] =	wrdreg s18  }
0x161: {  	v5 =	vld [tilespmem:s18+$0x400]  }
0x162: {  	[tilespmem:s19+$0x4420] =	vst v1;
	v1 =	vadd.f32 v3, v2;
	v8 =	vld [tilespmem:s15+$0x30];
	_ =	sdelay $0x1  }
0x163: {  	s10 =	smov.u32 s10;
	v2 =	vld [tilespmem:s17+$0x420];
	[tilespmem:s30+$0x6050] =	vst v1;
	v1 =	vadd.f32 v9, v4  }
0x164: {  	v3 =	vld [tilespmem:s10+$0x60]  }
0x165: {  	v9 =	vld [tilespmem:s25+$0x60];
	[tilespmem:s8+$0x10] =	vst v1;
	v5 =	vadd.f32 v5, v6  }
0x166: {  	v1 =	vadd.f32 v8, v7;
	v8 =	vld [tilespmem:s9+$0x10];
	[dreg:$0xf] =	wrdreg s9  }
0x167: {  	[tilespmem:s13+$0x2400] =	vst v5  }
0x168: {  	v0 =	vadd.f32 v2, v0;
	[tilespmem:s2+$0x4030] =	vst v1;
	v1 =	vld [tilespmem:s7+$0x400]  }
0x169: {  	v2 =	vld [tilespmem:s6+$0x30];
	[smem:$0x7ED] =	sst s6  }
0x16a: {  	[tilespmem:s19+$0x6420] =	vst v0  }
0x16b: {  	s0 =	smov.u32 s7;
	s7 =	sld [smem:$0x7F1];
	_ =	sdelay $0x1  }
0x16c: {  	v5 =	vadd.f32 v9, v3;
	v9 =	vld [tilespmem:s20+$0x430]  }
0x16d: {  	v8 =	vadd.f32 v8, v4;
	v0 =	vld [tilespmem:s7+$0x430];
	[dreg:$0x12] =	wrdreg s20  }
0x16e: {  	v1 =	vadd.f32 v1, v6;
	[tilespmem:s30+$0x60] =	vst v5  }
0x16f: {  	v2 =	vadd.f32 v2, v7;
	[tilespmem:s8+$0x2010] =	vst v8;
	v5 =	vld [tilespmem:s16+$0x60]  }
0x170: {  	[tilespmem:s13+$0x4400] =	vst v1;
	v7 =	vld [tilespmem:s28+$0x10]  }
0x171: {  	[tilespmem:s2+$0x6030] =	vst v2;
	v1 =	vld [tilespmem:s11+$0x400]  }
0x172: {  	v8 =	vld [tilespmem:s5+$0x40]  }
0x173: {  	v2 =	vadd.f32 v9, v0;
	v9 =	vld [tilespmem:s4+$0x40];
	_ =	sdelay $0x1  }
0x174: {  	[tilespmem:s19+$0x430] =	vst v2;
	v2 =	vadd.f32 v5, v3  }
0x175: {  	v7 =	vadd.f32 v7, v4  }
0x176: {  	v1 =	vadd.f32 v1, v6;
	[tilespmem:s30+$0x2060] =	vst v2  }
0x177: {  	v5 =	vld [tilespmem:s22+$0x430];
	[tilespmem:s8+$0x4010] =	vst v7;
	v7 =	vadd.f32 v9, v8  }
0x178: {  	[tilespmem:s13+$0x6400] =	vst v1  }
0x179: {  	v2 =	vld [tilespmem:s14+$0x60];
	[tilespmem:s2+$0x40] =	vst v7  }
0x17a: {  	s28 =	smov.u32 s12;
	v6 =	vld [tilespmem:s12+$0x10];
	s12 =	sld [smem:$0x7EE]  }
0x17b: {  	v1 =	vld [tilespmem:s24+$0x410]  }
0x17c: {  	v7 =	vld [tilespmem:s23+$0x410];
	v5 =	vadd.f32 v5, v0  }
0x17d: {  	v9 =	vld [tilespmem:s12+$0x40]  }
0x17e: {  	[tilespmem:s19+$0x2430] =	vst v5;
	v2 =	vadd.f32 v2, v3  }
0x17f: {  	v4 =	vadd.f32 v6, v4;
	v5 =	vld [tilespmem:s3+$0x430]  }
0x180: {  	[tilespmem:s30+$0x4060] =	vst v2  }
0x181: {  	[tilespmem:s8+$0x6010] =	vst v4;
	v4 =	vadd.f32 v7, v1;
	v2 =	vld [tilespmem:s1+$0x60]  }
0x182: {  	v6 =	vld [tilespmem:s26+$0x20];
	v7 =	vadd.f32 v9, v8  }
0x183: {  	[tilespmem:s13+$0x410] =	vst v4;
	v9 =	vld [tilespmem:s21+$0x20]  }
0x184: {  	v4 =	vadd.f32 v5, v0;
	v5 =	vld [tilespmem:s18+$0x410];
	[tilespmem:s2+$0x2040] =	vst v7  }
0x185: {  	v7 =	vld [tilespmem:s15+$0x40]  }
0x186: {  	[tilespmem:s19+$0x4430] =	vst v4;
	v2 =	vadd.f32 v2, v3  }
0x187: {  	v3 =	vld [tilespmem:s17+$0x430];
	[dreg:$0xd] =	wrdreg s17  }
0x188: {  	[tilespmem:s30+$0x6060] =	vst v2;
	v2 =	vadd.f32 v9, v6  }
0x189: {  	s29 =	smov.u32 s10;
	s10 =	smov.u32 s25;
	s16 =	simm.s32 $0x280;
	v5 =	vadd.f32 v5, v1  }
0x18a: {  	s25 =	smov.u32 s14;
	s11 =	smov.u32 s5;
	s5 =	sand.u32 $0x380, s16;
	v4 =	vld [tilespmem:s29+$0x70];
	[tilespmem:s8+$0x20] =	vst v2;
	v2 =	vadd.f32 v7, v8  }
0x18b: {  	s14 =	rddreg [dreg:$0x4];
	s18 =	smov.u32 s15;
	s21 =	smov.u32 s0;
	v9 =	vld [tilespmem:s10+$0x70];
	[tilespmem:s13+$0x2410] =	vst v5  }
0x18c: {  	s15 =	simm.s32 $0x500;
	s29 =	smov.u32 s10;
	s10 =	rddreg [dreg:$0x5];
	v7 =	vld [tilespmem:s9+$0x20];
	v0 =	vadd.f32 v3, v0;
	[tilespmem:s2+$0x4040] =	vst v2  }
0x18d: {  	s22 =	smov.u32 s1;
	s4 =	sand.u32 $0x1800, s15;
	v2 =	vld [tilespmem:s0+$0x410];
	[dreg:$0x1b] =	wrdreg s21  }
0x18e: {  	s3 =	sadd.s32 s4, s14;
	s1 =	sadd.s32 $0xFFFFFD80, s10;
	s10 =	sadd.s32 $0xFFFFFF00, s31;
	[tilespmem:s19+$0x6430] =	vst v0  }
0x18f: {  	s17 =	sand.u32 $0x3800, s10;
	s23 =	sadd.s32 $0xF80, s1;
	v3 =	vld [tilespmem:s6+$0x40];
	s16 =	rddreg [dreg:$0x11]  }
0x190: {  	s24 =	sadd.s32 s5, s3;
	s26 =	sand.u32 $0x380, s23;
	s14 =	sadd.s32 s17, s16  }
0x191: {  	v5 =	vadd.f32 v9, v4;
	v0 =	vld [tilespmem:s7+$0x440];
	[dreg:$0xb] =	wrdreg s24;
	s3 =	sadd.s32 s26, s14  }
0x192: {  	v7 =	vadd.f32 v7, v6;
	v9 =	vld [tilespmem:s20+$0x440];
	[dreg:$0xc] =	wrdreg s3  }
0x193: {  	v2 =	vadd.f32 v2, v1;
	[tilespmem:s30+$0x70] =	vst v5  }
0x194: {  	v10 =	vld [tilespmem:s24+$0x0];
	v3 =	vadd.f32 v3, v8;
	s24 =	rddreg [dreg:$0x1d];
	[tilespmem:s8+$0x2020] =	vst v7  }
0x195: {  	s0 =	smov.u32 s12;
	v11 =	vld [tilespmem:s3+$0x0];
	s12 =	rddreg [dreg:$0x9];
	[tilespmem:s13+$0x4410] =	vst v2  }
0x196: {  	[tilespmem:s2+$0x6040] =	vst v3  }
0x197: {  	v5 =	vld [tilespmem:s24+$0x70];
	s9 =	rddreg [dreg:$0x6]  }
0x198: {  	s7 =	sadd.s32 $0x100, s10;
	v3 =	vadd.f32 v9, v0;
	v7 =	vld [tilespmem:s12+$0x20];
	s4 =	sadd.s32 s4, s9;
	s9 =	sld [smem:$0x7EC]  }
0x199: {  	s3 =	sand.u32 $0x3800, s7;
	s23 =	rddreg [dreg:$0x15];
	v8 =	vld [tilespmem:s11+$0x50]  }
0x19a: {  	s26 =	smov.u32 s11;
	s3 =	sadd.s32 s3, s16;
	s11 =	sadd.s32 $0x1000, s1;
	v2 =	vld [tilespmem:s23+$0x410];
	[tilespmem:s19+$0x440] =	vst v3;
	v9 =	vadd.f32 v11, v10  }
0x19b: {  	s17 =	sand.u32 $0x380, s11;
	s15 =	sadd.s32 s5, s4;
	s5 =	rddreg [dreg:$0x7];
	v11 =	vld [tilespmem:s9+$0x50]  }
0x19c: {  	s14 =	sadd.s32 s17, s3;
	v3 =	vadd.f32 v5, v4;
	v5 =	vld [tilespmem:s5+$0x440];
	[tilespmem:s15+$0x0] =	vst v9  }
0x19d: {  	v7 =	vadd.f32 v7, v6;
	v9 =	vld [tilespmem:s14+$0x0];
	[dreg:$0xe] =	wrdreg s14  }
0x19e: {  	[tilespmem:s30+$0x2070] =	vst v3  }
0x19f: {  	v1 =	vadd.f32 v2, v1;
	[tilespmem:s8+$0x4020] =	vst v7  }
0x1a0: {  	v2 =	vld [tilespmem:s25+$0x70];
	[dreg:$0x8] =	wrdreg s28;
	v7 =	vadd.f32 v11, v8  }
0x1a1: {  	[tilespmem:s13+$0x6410] =	vst v1  }
0x1a2: {  	s20 =	sadd.s32 $0x200, s10;
	s17 =	smov.u32 s25;
	v3 =	vld [tilespmem:s28+$0x20];
	v5 =	vadd.f32 v5, v0;
	s25 =	rddreg [dreg:$0x1f];
	[tilespmem:s2+$0x50] =	vst v7  }
0x1a3: {  	s3 =	sand.u32 $0x3800, s20;
	v11 =	vld [tilespmem:s0+$0x50];
	s0 =	sadd.s32 $0x1080, s1  }
0x1a4: {  	s3 =	sadd.s32 s3, s16;
	v1 =	vld [tilespmem:s25+$0x420];
	s6 =	rddreg [dreg:$0x18];
	[tilespmem:s19+$0x2440] =	vst v5;
	s4 =	sand.u32 $0x380, s0  }
0x1a5: {  	v9 =	vadd.f32 v9, v10;
	v7 =	vld [tilespmem:s6+$0x420];
	s11 =	rddreg [dreg:$0xa];
	s3 =	sadd.s32 s4, s3  }
0x1a6: {  	v2 =	vadd.f32 v2, v4;
	v5 =	vld [tilespmem:s11+$0x440];
	[smem:$0x7EF] =	sst s3  }
0x1a7: {  	v3 =	vadd.f32 v3, v6;
	[tilespmem:s15+$0x2000] =	vst v9  }
0x1a8: {  	[tilespmem:s30+$0x4070] =	vst v2  }
0x1a9: {  	[tilespmem:s8+$0x6020] =	vst v3  }
0x1aa: {  	v6 =	vld [tilespmem:s3+$0x0];
	s0 =	sld [smem:$0x7F4];
	v9 =	vadd.f32 v11, v8  }
0x1ab: {  	s20 =	smov.u32 s22;
	v2 =	vld [tilespmem:s22+$0x70];
	s22 =	sld [smem:$0x7F5];
	v3 =	vadd.f32 v7, v1  }
0x1ac: {  	[tilespmem:s2+$0x2050] =	vst v9  }
0x1ad: {  	s4 =	sadd.s32 $0x300, s10;
	v7 =	vld [tilespmem:s0+$0x30];
	[tilespmem:s13+$0x420] =	vst v3;
	v3 =	vadd.f32 v5, v0  }
0x1ae: {  	s1 =	sadd.s32 $0x1100, s1;
	s3 =	sand.u32 $0x3800, s4;
	v11 =	vld [tilespmem:s22+$0x30];
	s7 =	rddreg [dreg:$0x1e]  }
0x1af: {  	s1 =	sand.u32 $0x380, s1;
	s3 =	sadd.s32 s3, s16;
	v5 =	vld [tilespmem:s7+$0x420];
	[tilespmem:s19+$0x4440] =	vst v3  }
0x1b0: {  	s1 =	sadd.s32 s1, s3;
	v9 =	vld [tilespmem:s18+$0x50];
	v6 =	vadd.f32 v6, v10;
	s18 =	rddreg [dreg:$0xd]  }
0x1b1: {  	v2 =	vadd.f32 v2, v4;
	v3 =	vld [tilespmem:s18+$0x440];
	[smem:$0x7F7] =	sst s1  }
0x1b2: {  	[tilespmem:s15+$0x4000] =	vst v6  }
0x1b3: {  	[tilespmem:s30+$0x6070] =	vst v2;
	v2 =	vadd.f32 v11, v7  }
0x1b4: {  	v4 =	vld [tilespmem:s1+$0x0];
	v5 =	vadd.f32 v5, v1  }
0x1b5: {  	s31 =	rddreg [dreg:$0x1c];
	[tilespmem:s8+$0x30] =	vst v2;
	v2 =	vadd.f32 v9, v8  }
0x1b6: {  	v6 =	vld [tilespmem:s31+$0x400];
	s18 =	rddreg [dreg:$0xf];
	[tilespmem:s13+$0x2420] =	vst v5;
	v0 =	vadd.f32 v3, v0  }
0x1b7: {  	v9 =	vld [tilespmem:s29+$0x400];
	[tilespmem:s2+$0x4050] =	vst v2  }
0x1b8: {  	v2 =	vld [tilespmem:s21+$0x420];
	s21 =	sld [smem:$0x7ED];
	[tilespmem:s19+$0x6440] =	vst v0  }
0x1b9: {  	v11 =	vld [tilespmem:s18+$0x30];
	v3 =	vadd.f32 v4, v10;
	s3 =	sld [smem:$0x7F1];
	_ =	sdelay $0x1  }
0x1ba: {  	v4 =	vld [tilespmem:s21+$0x50];
	[tilespmem:s15+$0x6000] =	vst v3  }
0x1bb: {  	s4 =	rddreg [dreg:$0x12];
	v0 =	vld [tilespmem:s3+$0x450]  }
0x1bc: {  	v3 =	vadd.f32 v9, v6;
	v5 =	vld [tilespmem:s4+$0x450];
	s3 =	rddreg [dreg:$0xb]  }
0x1bd: {  	v10 =	vadd.f32 v11, v7;
	s4 =	rddreg [dreg:$0xc];
	v9 =	vld [tilespmem:s3+$0x10]  }
0x1be: {  	[tilespmem:s30+$0x400] =	vst v3;
	v2 =	vadd.f32 v2, v1;
	v11 =	vld [tilespmem:s4+$0x10]  }
0x1bf: {  	[tilespmem:s8+$0x2030] =	vst v10;
	v3 =	vadd.f32 v4, v8;
	v4 =	vld [tilespmem:s24+$0x400]  }
0x1c0: {  	[tilespmem:s13+$0x4420] =	vst v2;
	v8 =	vld [tilespmem:s12+$0x30]  }
0x1c1: {  	v2 =	vld [tilespmem:s23+$0x420];
	[tilespmem:s2+$0x6050] =	vst v3  }
0x1c2: {  	v3 =	vadd.f32 v5, v0;
	v5 =	vld [tilespmem:s26+$0x60]  }
0x1c3: {  	v10 =	vadd.f32 v11, v9;
	v11 =	vld [tilespmem:s9+$0x60];
	_ =	sdelay $0x1  }
0x1c4: {  	[tilespmem:s19+$0x450] =	vst v3;
	v3 =	vadd.f32 v4, v6  }
0x1c5: {  	v4 =	vld [tilespmem:s5+$0x450];
	[tilespmem:s15+$0x10] =	vst v10;
	v8 =	vadd.f32 v8, v7  }
0x1c6: {  	v1 =	vadd.f32 v2, v1;
	[tilespmem:s30+$0x2400] =	vst v3  }
0x1c7: {  	v10 =	vld [tilespmem:s14+$0x10];
	[tilespmem:s8+$0x4030] =	vst v8;
	v3 =	vadd.f32 v11, v5  }
0x1c8: {  	[tilespmem:s13+$0x6420] =	vst v1;
	v2 =	vld [tilespmem:s17+$0x400]  }
0x1c9: {  	v8 =	vld [tilespmem:s28+$0x30];
	[tilespmem:s2+$0x60] =	vst v3  }
0x1ca: {  	s12 =	simm.s32 $0x600;
	s17 =	smov.u32 s6;
	v1 =	vadd.f32 v4, v0;
	v4 =	vld [tilespmem:s6+$0x430];
	s6 =	sld [smem:$0x7EE]  }
0x1cb: {  	v11 =	vld [tilespmem:s25+$0x430];
	[dreg:$0x19] =	wrdreg s12  }
0x1cc: {  	s24 =	simm.s32 $0x300;
	s26 =	rddreg [dreg:$0x4];
	s5 =	simm.s32 $0x600;
	v3 =	vadd.f32 v10, v9;
	[tilespmem:s19+$0x2450] =	vst v1  }
0x1cd: {  	s1 =	sand.u32 $0x1800, s5;
	s14 =	simm.s32 $0x300;
	v10 =	vld [tilespmem:s6+$0x60];
	[dreg:$0x1a] =	wrdreg s24  }
0x1ce: {  	s23 =	sadd.s32 s1, s26;
	s4 =	sand.u32 $0x380, s14;
	v1 =	vadd.f32 v2, v6;
	v2 =	vld [tilespmem:s11+$0x450];
	[tilespmem:s15+$0x2010] =	vst v3  }
0x1cf: {  	s25 =	sadd.s32 s4, s23;
	s28 =	sld [smem:$0x7EF]  }
0x1d0: {  	v7 =	vadd.f32 v8, v7;
	[dreg:$0x13] =	wrdreg s25  }
0x1d1: {  	v4 =	vadd.f32 v4, v11;
	v3 =	vld [tilespmem:s25+$0x0];
	[tilespmem:s30+$0x4400] =	vst v1  }
0x1d2: {  	[tilespmem:s8+$0x6030] =	vst v7;
	v8 =	vld [tilespmem:s28+$0x10];
	v7 =	vadd.f32 v10, v5  }
0x1d3: {  	s26 =	rddreg [dreg:$0x5];
	[tilespmem:s13+$0x430] =	vst v4;
	v1 =	vld [tilespmem:s20+$0x400];
	v2 =	vadd.f32 v2, v0  }
0x1d4: {  	s5 =	sadd.s32 $0xFFFFFF00, s10;
	s14 =	smov.u32 s7;
	s12 =	sadd.s32 $0xFFFFFD00, s26;
	v4 =	vld [tilespmem:s7+$0x430];
	[tilespmem:s2+$0x2060] =	vst v7  }
0x1d5: {  	s3 =	sand.u32 $0x3800, s5;
	s7 =	sadd.s32 $0xF80, s12;
	v10 =	vld [tilespmem:s22+$0x40];
	s22 =	sld [smem:$0x7F0];
	[tilespmem:s19+$0x4450] =	vst v2  }
0x1d6: {  	v12 =	vld [tilespmem:s0+$0x40];
	s0 =	sadd.s32 s3, s16;
	s26 =	sand.u32 $0x380, s7;
	s10 =	rddreg [dreg:$0xd]  }
0x1d7: {  	s0 =	sadd.s32 s26, s0;
	v7 =	vadd.f32 v8, v9;
	v2 =	vld [tilespmem:s10+$0x450]  }
0x1d8: {  	v8 =	vld [tilespmem:s22+$0x60];
	[dreg:$0x14] =	wrdreg s0  }
0x1d9: {  	[tilespmem:s15+$0x4010] =	vst v7  }
0x1da: {  	s11 =	sld [smem:$0x7F7]  }
0x1db: {  	v1 =	vadd.f32 v1, v6  }
0x1dc: {  	v10 =	vadd.f32 v10, v12  }
0x1dd: {  	[tilespmem:s30+$0x6400] =	vst v1;
	v7 =	vld [tilespmem:s11+$0x10]  }
0x1de: {  	v6 =	vld [tilespmem:s0+$0x0];
	[tilespmem:s8+$0x40] =	vst v10  }
0x1df: {  	v1 =	vadd.f32 v4, v11;
	v13 =	vld [tilespmem:s31+$0x410];
	[dreg:$0x10] =	wrdreg s29  }
0x1e0: {  	v4 =	vadd.f32 v8, v5;
	v8 =	vld [tilespmem:s29+$0x410]  }
0x1e1: {  	v0 =	vadd.f32 v2, v0;
	v10 =	vld [tilespmem:s18+$0x40];
	[tilespmem:s13+$0x2430] =	vst v1  }
0x1e2: {  	[tilespmem:s2+$0x4060] =	vst v4;
	v1 =	vadd.f32 v7, v9  }
0x1e3: {  	s18 =	rddreg [dreg:$0x1b];
	v4 =	vld [tilespmem:s21+$0x60];
	[tilespmem:s19+$0x6450] =	vst v0  }
0x1e4: {  	v2 =	vld [tilespmem:s18+$0x430];
	s20 =	sld [smem:$0x7F1];
	[tilespmem:s15+$0x6010] =	vst v1  }
0x1e5: {  	v7 =	vadd.f32 v8, v13;
	s21 =	rddreg [dreg:$0x12]  }
0x1e6: {  	v9 =	vadd.f32 v10, v12;
	s26 =	rddreg [dreg:$0xb]  }
0x1e7: {  	s3 =	rddreg [dreg:$0xc];
	[tilespmem:s30+$0x410] =	vst v7  }
0x1e8: {  	v0 =	vld [tilespmem:s20+$0x460];
	[tilespmem:s8+$0x2040] =	vst v9;
	v4 =	vadd.f32 v4, v5  }
0x1e9: {  	v8 =	vld [tilespmem:s21+$0x460];
	v2 =	vadd.f32 v2, v11;
	s7 =	rddreg [dreg:$0x1d]  }
0x1ea: {  	v1 =	vld [tilespmem:s26+$0x20];
	s11 =	rddreg [dreg:$0x9];
	[tilespmem:s2+$0x6060] =	vst v4  }
0x1eb: {  	v10 =	vld [tilespmem:s3+$0x20];
	[tilespmem:s13+$0x4430] =	vst v2  }
0x1ec: {  	s25 =	smov.u32 s18;
	s24 =	smov.u32 s20;
	s21 =	rddreg [dreg:$0x6]  }
0x1ed: {  	v6 =	vadd.f32 v6, v3;
	s20 =	sadd.s32 $0x100, s5;
	v5 =	vld [tilespmem:s7+$0x410];
	s18 =	rddreg [dreg:$0x15];
	s1 =	sadd.s32 s1, s21  }
0x1ee: {  	s10 =	smov.u32 s7;
	v9 =	vld [tilespmem:s11+$0x40];
	s11 =	sld [smem:$0x7F2];
	v4 =	vadd.f32 v8, v0;
	s7 =	sadd.s32 s4, s1  }
0x1ef: {  	s26 =	sand.u32 $0x3800, s20;
	v2 =	vld [tilespmem:s18+$0x430];
	s18 =	sadd.s32 $0x1000, s12;
	[tilespmem:s7+$0x0] =	vst v6  }
0x1f0: {  	s21 =	sadd.s32 s26, s16;
	s0 =	sand.u32 $0x380, s18;
	v8 =	vadd.f32 v10, v1;
	v10 =	vld [tilespmem:s9+$0x70];
	[tilespmem:s19+$0x460] =	vst v4  }
0x1f1: {  	v7 =	vld [tilespmem:s11+$0x70];
	s0 =	sadd.s32 s0, s21;
	s26 =	rddreg [dreg:$0x7]  }
0x1f2: {  	v4 =	vadd.f32 v5, v13;
	v5 =	vld [tilespmem:s26+$0x460];
	[smem:$0x7F3] =	sst s0  }
0x1f3: {  	[tilespmem:s15+$0x20] =	vst v8;
	v8 =	vadd.f32 v9, v12  }
0x1f4: {  	s1 =	rddreg [dreg:$0xe];
	[tilespmem:s30+$0x2410] =	vst v4  }
0x1f5: {  	v6 =	vld [tilespmem:s0+$0x0];
	[tilespmem:s8+$0x4040] =	vst v8  }
0x1f6: {  	v9 =	vld [tilespmem:s1+$0x20];
	s4 =	rddreg [dreg:$0x17]  }
0x1f7: {  	s3 =	smov.u32 s9;
	v2 =	vadd.f32 v2, v11;
	s9 =	rddreg [dreg:$0x8];
	v4 =	vld [tilespmem:s4+$0x410]  }
0x1f8: {  	v10 =	vadd.f32 v10, v7;
	v8 =	vld [tilespmem:s9+$0x40]  }
0x1f9: {  	[tilespmem:s13+$0x6430] =	vst v2;
	v5 =	vadd.f32 v5, v0  }
0x1fa: {  	s20 =	smov.u32 s11;
	s11 =	rddreg [dreg:$0x1f];
	[tilespmem:s2+$0x70] =	vst v10;
	v6 =	vadd.f32 v6, v3  }
0x1fb: {  	[tilespmem:s19+$0x2460] =	vst v5;
	v9 =	vadd.f32 v9, v1  }
0x1fc: {  	v10 =	vld [tilespmem:s17+$0x440];
	[tilespmem:s7+$0x2000] =	vst v6;
	v4 =	vadd.f32 v4, v13  }
0x1fd: {  	s18 =	sadd.s32 $0x200, s5;
	v2 =	vld [tilespmem:s11+$0x440];
	s26 =	rddreg [dreg:$0xa];
	[tilespmem:s15+$0x2020] =	vst v9;
	v5 =	vadd.f32 v8, v12  }
0x1fe: {  	s21 =	sadd.s32 $0x1080, s12;
	s0 =	sand.u32 $0x3800, s18;
	[tilespmem:s30+$0x4410] =	vst v4  }
0x1ff: {  	s0 =	sadd.s32 s0, s16;
	s1 =	sand.u32 $0x380, s21;
	v11 =	vld [tilespmem:s6+$0x70];
	[tilespmem:s8+$0x6040] =	vst v5  }
0x200: {  	s0 =	sadd.s32 s1, s0;
	v6 =	vld [tilespmem:s26+$0x460];
	s4 =	rddreg [dreg:$0x16]  }
0x201: {  	v14 =	vld [tilespmem:s0+$0x0];
	s26 =	smov.u32 s8;
	s8 =	sld [smem:$0x7F4]  }
0x202: {  	v8 =	vld [tilespmem:s28+$0x20];
	v9 =	vadd.f32 v10, v2;
	s9 =	sld [smem:$0x7F5]  }
0x203: {  	v4 =	vld [tilespmem:s4+$0x410]  }
0x204: {  	v10 =	vadd.f32 v11, v7;
	[tilespmem:s13+$0x440] =	vst v9;
	v5 =	vld [tilespmem:s8+$0x50]  }
0x205: {  	v6 =	vadd.f32 v6, v0;
	v15 =	vld [tilespmem:s9+$0x50];
	[smem:$0x7F6] =	sst s5  }
0x206: {  	v9 =	vadd.f32 v14, v3;
	[tilespmem:s2+$0x2070] =	vst v10  }
0x207: {  	s18 =	sadd.s32 $0x1100, s12;
	s11 =	smov.u32 s6;
	s6 =	smov.u32 s0;
	v8 =	vadd.f32 v8, v1;
	[tilespmem:s19+$0x4460] =	vst v6  }
0x208: {  	s17 =	smov.u32 s8;
	s8 =	smov.u32 s13;
	s13 =	sadd.s32 $0x300, s5;
	[tilespmem:s7+$0x4000] =	vst v9  }
0x209: {  	s28 =	smov.u32 s19;
	s0 =	sand.u32 $0x3800, s13;
	v10 =	vld [tilespmem:s14+$0x440];
	s19 =	rddreg [dreg:$0xd];
	[tilespmem:s15+$0x4020] =	vst v8  }
0x20a: {  	s5 =	sand.u32 $0x380, s18;
	s0 =	sadd.s32 s0, s16;
	v11 =	vld [tilespmem:s22+$0x70];
	s22 =	sld [smem:$0x7F7]  }
0x20b: {  	s23 =	smov.u32 s31;
	s31 =	smov.u32 s7;
	s0 =	sadd.s32 s5, s0;
	v4 =	vadd.f32 v4, v13;
	v12 =	vld [tilespmem:s19+$0x460]  }
0x20c: {  	s12 =	smov.u32 s2;
	s21 =	smov.u32 s9;
	s14 =	smov.u32 s15;
	v9 =	vld [tilespmem:s0+$0x0]  }
0x20d: {  	s7 =	smov.u32 s30;
	s29 =	smov.u32 s0;
	s0 =	simm.s32 $0xFFFFFC80;
	v13 =	vadd.f32 v15, v5;
	[tilespmem:s30+$0x6410] =	vst v4;
	v6 =	vld [tilespmem:s22+$0x20]  }
.LBB2_8:
0x20e: {  	_ = 	snop  }
0x20f: {  	v8 =	vld [tilespmem:s23+$0x420];
	s16 =	rddreg [dreg:$0x10];
	[tilespmem:s26+$0x50] =	vst v13;
	v4 =	vadd.f32 v10, v2  }
0x210: {  	s18 =	rddreg [dreg:$0xf];
	v10 =	vadd.f32 v11, v7;
	v11 =	vld [tilespmem:s16+$0x420]  }
0x211: {  	s1 =	sld [smem:$0x7ED];
	v13 =	vld [tilespmem:s18+$0x50];
	[tilespmem:s8+$0x2440] =	vst v4  }
0x212: {  	v0 =	vadd.f32 v12, v0;
	[tilespmem:s12+$0x4070] =	vst v10  }
0x213: {  	s2 =	rddreg [dreg:$0x1f];
	v1 =	vadd.f32 v6, v1;
	v10 =	vld [tilespmem:s25+$0x440]  }
0x214: {  	s30 =	smov.u32 s23;
	s13 =	rddreg [dreg:$0x12];
	v12 =	vld [tilespmem:s1+$0x70];
	[tilespmem:s28+$0x6460] =	vst v0  }
0x215: {  	v4 =	vld [tilespmem:s24+$0x470];
	s24 =	smov.u32 s2;
	s2 =	smov.u32 s20;
	[tilespmem:s14+$0x6020] =	vst v1;
	s20 =	rddreg [dreg:$0xb]  }
0x216: {  	s22 =	smov.u32 s14;
	s14 =	smov.u32 s16;
	s16 =	rddreg [dreg:$0xc];
	v0 =	vadd.f32 v11, v8;
	v1 =	vld [tilespmem:s13+$0x470]  }
0x217: {  	[smem:$0x7E9] =	sst s0;
	s23 =	smov.u32 s30;
	s30 =	smov.u32 s20;
	v11 =	vadd.f32 v13, v5;
	v13 =	vld [tilespmem:s16+$0x30]  }
0x218: {  	s4 =	rddreg [dreg:$0x13];
	v6 =	vld [tilespmem:s30+$0x30];
	[tilespmem:s7+$0x420] =	vst v0  }
0x219: {  	[smem:$0x7ED] =	sst s1;
	v3 =	vadd.f32 v9, v3;
	[tilespmem:s26+$0x2050] =	vst v11  }
0x21a: {  	s1 =	smov.u32 s21;
	s21 =	rddreg [dreg:$0x9];
	v0 =	vadd.f32 v10, v2;
	v9 =	vld [tilespmem:s10+$0x420]  }
0x21b: {  	s15 =	smov.u32 s12;
	s12 =	smov.u32 s11;
	s11 =	rddreg [dreg:$0xe];
	v10 =	vld [tilespmem:s21+$0x50];
	[tilespmem:s31+$0x6000] =	vst v3  }
0x21c: {  	s5 =	smov.u32 s4;
	s4 =	smov.u32 s16;
	s16 =	rddreg [dreg:$0x15];
	v7 =	vadd.f32 v12, v7;
	[tilespmem:s8+$0x4440] =	vst v0  }
0x21d: {  	[smem:$0x7F4] =	sst s30;
	v11 =	vadd.f32 v1, v4;
	v3 =	vld [tilespmem:s16+$0x440]  }
0x21e: {  	s19 =	smov.u32 s28;
	[smem:$0x7F5] =	sst s4;
	v0 =	vld [tilespmem:s5+$0x10];
	[tilespmem:s15+$0x6070] =	vst v7;
	v7 =	vadd.f32 v13, v6  }
0x21f: {  	s30 =	smov.u32 s7;
	s7 =	rddreg [dreg:$0x7];
	v1 =	vld [tilespmem:s2+$0x400];
	[tilespmem:s19+$0x470] =	vst v11  }
0x220: {  	s13 =	smov.u32 s17;
	s17 =	smov.u32 s3;
	s4 =	rddreg [dreg:$0x14];
	v9 =	vadd.f32 v9, v8;
	v11 =	vld [tilespmem:s7+$0x470];
	[tilespmem:s22+$0x30] =	vst v7  }
0x221: {  	s9 =	rddreg [dreg:$0x18];
	s28 =	smov.u32 s4;
	s4 =	smov.u32 s11;
	v7 =	vadd.f32 v10, v5;
	v10 =	vld [tilespmem:s17+$0x400]  }
0x222: {  	[dreg:$0xb] =	wrdreg s5;
	v12 =	vld [tilespmem:s4+$0x30];
	[tilespmem:s30+$0x2420] =	vst v9  }
0x223: {  	s11 =	rddreg [dreg:$0x17];
	[tilespmem:s26+$0x4050] =	vst v7;
	v2 =	vadd.f32 v3, v2  }
0x224: {  	s3 =	rddreg [dreg:$0x8];
	v3 =	vld [tilespmem:s11+$0x420]  }
0x225: {  	[smem:$0x7F1] =	sst s24;
	v7 =	vld [tilespmem:s3+$0x50];
	[tilespmem:s8+$0x6440] =	vst v2  }
0x226: {  	s20 =	smov.u32 s9;
	[dreg:$0x18] =	wrdreg s14;
	v9 =	vadd.f32 v11, v4;
	v2 =	vld [tilespmem:s24+$0x450]  }
0x227: {  	[dreg:$0x12] =	wrdreg s20;
	v10 =	vadd.f32 v10, v1;
	v11 =	vld [tilespmem:s20+$0x450]  }
0x228: {  	v13 =	vld [tilespmem:s28+$0x10];
	s24 =	rddreg [dreg:$0xa];
	[tilespmem:s19+$0x2470] =	vst v9  }
0x229: {  	s20 =	sld [smem:$0x7F0];
	[tilespmem:s15+$0x400] =	vst v10  }
0x22a: {  	v12 =	vadd.f32 v12, v6;
	v9 =	vld [tilespmem:s24+$0x470];
	s24 =	smov.u32 s21;
	s21 =	sld [smem:$0x7EF]  }
0x22b: {  	s9 =	rddreg [dreg:$0x1e];
	s14 =	smov.u32 s10;
	s10 =	smov.u32 s11  }
0x22c: {  	s5 =	smov.u32 s9;
	s9 =	smov.u32 s18;
	s18 =	sld [smem:$0x7F3];
	v3 =	vadd.f32 v3, v8;
	[tilespmem:s22+$0x2030] =	vst v12  }
0x22d: {  	[dreg:$0x1b] =	wrdreg s10;
	v5 =	vadd.f32 v7, v5;
	s10 =	smov.u32 s20;
	v10 =	vld [tilespmem:s12+$0x400];
	s20 =	smov.u32 s21  }
0x22e: {  	[dreg:$0x1d] =	wrdreg s12;
	v12 =	vld [tilespmem:s20+$0x30];
	[tilespmem:s30+$0x4420] =	vst v3  }
0x22f: {  	s7 =	smov.u32 s18;
	s18 =	smov.u32 s25;
	s25 =	rddreg [dreg:$0x16];
	[tilespmem:s26+$0x6050] =	vst v5  }
0x230: {  	[smem:$0x7EC] =	sst s1;
	v5 =	vadd.f32 v11, v2;
	v3 =	vld [tilespmem:s25+$0x420]  }
0x231: {  	[smem:$0x7F2] =	sst s13;
	v11 =	vadd.f32 v13, v0;
	v7 =	vld [tilespmem:s13+$0x60]  }
0x232: {  	[dreg:$0x7] =	wrdreg s5;
	v13 =	vld [tilespmem:s1+$0x60];
	[tilespmem:s8+$0x450] =	vst v5  }
0x233: {  	[smem:$0x7EE] =	sst s9;
	v5 =	vadd.f32 v9, v4;
	[tilespmem:s31+$0x10] =	vst v11  }
0x234: {  	[dreg:$0xe] =	wrdreg s7;
	v9 =	vadd.f32 v10, v1;
	v10 =	vld [tilespmem:s5+$0x450]  }
0x235: {  	[dreg:$0x17] =	wrdreg s10;
	v11 =	vld [tilespmem:s7+$0x10];
	[tilespmem:s19+$0x4470] =	vst v5;
	v12 =	vadd.f32 v12, v6  }
0x236: {  	s5 =	rddreg [dreg:$0xd];
	[tilespmem:s15+$0x2400] =	vst v9  }
0x237: {  	s12 =	rddreg [dreg:$0x19];
	v3 =	vadd.f32 v3, v8;
	v8 =	vld [tilespmem:s5+$0x470];
	[tilespmem:s22+$0x4030] =	vst v12  }
0x238: {  	v9 =	vld [tilespmem:s10+$0x400];
	s10 =	sld [smem:$0x7F7]  }
0x239: {  	s11 =	smov.u32 s6;
	s6 =	sld [smem:$0x7ED];
	s1 =	sadd.s32 $0x100, s12  }
0x23a: {  	[dreg:$0x19] =	wrdreg s1  }
0x23b: {  	s7 =	smov.u32 s25;
	s25 =	rddreg [dreg:$0x1a];
	v13 =	vadd.f32 v13, v7;
	s21 =	smov.u32 s10  }
0x23c: {  	s13 =	smov.u32 s6;
	s6 =	smov.u32 s3;
	s5 =	rddreg [dreg:$0x4];
	v12 =	vld [tilespmem:s21+$0x30];
	[tilespmem:s30+$0x6420] =	vst v3  }
0x23d: {  	s1 =	sand.u32 $0x1800, s1;
	s3 =	sadd.s32 $0x80, s25;
	s10 =	rddreg [dreg:$0x18];
	v3 =	vadd.f32 v10, v2;
	v5 =	vld [tilespmem:s23+$0x430];
	[tilespmem:s26+$0x60] =	vst v13  }
0x23e: {  	[dreg:$0x1a] =	wrdreg s3;
	s3 =	sand.u32 $0x380, s3;
	s5 =	sadd.s32 s1, s5;
	v10 =	vadd.f32 v11, v0;
	v11 =	vld [tilespmem:s10+$0x430]  }
0x23f: {  	[dreg:$0xa] =	wrdreg s18;
	s5 =	sadd.s32 s3, s5;
	v13 =	vld [tilespmem:s9+$0x60];
	[tilespmem:s8+$0x2450] =	vst v3  }
0x240: {  	[dreg:$0x13] =	wrdreg s5;
	v4 =	vadd.f32 v8, v4;
	[tilespmem:s31+$0x2010] =	vst v10  }
0x241: {  	s12 =	smov.u32 s30;
	v8 =	vadd.f32 v9, v1;
	s9 =	smov.u32 s22;
	s22 =	sld [smem:$0x7F6];
	v9 =	vld [tilespmem:s18+$0x450]  }
0x242: {  	s30 =	smov.u32 s15;
	v3 =	vld [tilespmem:s5+$0x0];
	[tilespmem:s19+$0x6470] =	vst v4;
	s19 =	smov.u32 s8;
	s8 =	rddreg [dreg:$0x5];
	v6 =	vadd.f32 v12, v6  }
0x243: {  	p0 =	sne.s32 s0, $0xFFFFF080;
	s18 =	smov.u32 s31;
	s31 =	sld [smem:$0x7F4];
	v10 =	vld [tilespmem:s11+$0x10];
	[tilespmem:s30+$0x4400] =	vst v8  }
0x244: {  	s5 =	sadd.s32 s0, s8;
	s0 =	sadd.s32 $0xFFFFFF00, s22;
	s22 =	sld [smem:$0x7F5];
	[tilespmem:s9+$0x6030] =	vst v6  }
0x245: {  	v8 =	vadd.f32 v11, v5;
	v6 =	vld [tilespmem:s13+$0x400]  }
0x246: {  	v11 =	vadd.f32 v13, v7;
	v4 =	vld [tilespmem:s31+$0x40]  }
0x247: {  	[dreg:$0x1f] =	wrdreg s23;
	s15 =	smov.u32 s26;
	v12 =	vld [tilespmem:s22+$0x40];
	[tilespmem:s12+$0x430] =	vst v8  }
0x248: {  	[dreg:$0x1c] =	wrdreg s2;
	s2 =	smov.u32 s16;
	s16 =	smov.u32 s29;
	v8 =	vadd.f32 v9, v2;
	[tilespmem:s15+$0x2060] =	vst v11  }
0x249: {  	s25 =	rddreg [dreg:$0x11];
	s29 =	sadd.s32 $0xF80, s5;
	s23 =	sand.u32 $0x3800, s0;
	v9 =	vld [tilespmem:s14+$0x430]  }
0x24a: {  	s29 =	sand.u32 $0x380, s29;
	s26 =	sadd.s32 s23, s25;
	v10 =	vadd.f32 v10, v0;
	v11 =	vld [tilespmem:s24+$0x60];
	[tilespmem:s19+$0x4450] =	vst v8  }
0x24b: {  	s26 =	sadd.s32 s29, s26;
	v8 =	vld [tilespmem:s2+$0x450];
	v1 =	vadd.f32 v6, v1  }
0x24c: {  	v13 =	vld [tilespmem:s26+$0x0];
	[tilespmem:s18+$0x4010] =	vst v10;
	v12 =	vadd.f32 v12, v4  }
0x24d: {  	s23 =	rddreg [dreg:$0x1c];
	v10 =	vld [tilespmem:s16+$0x10];
	[tilespmem:s30+$0x6400] =	vst v1  }
0x24e: {  	[dreg:$0xf] =	wrdreg s4;
	v1 =	vadd.f32 v9, v5;
	v6 =	vld [tilespmem:s23+$0x410];
	[tilespmem:s9+$0x40] =	vst v12  }
0x24f: {  	[dreg:$0xd] =	wrdreg s2;
	v9 =	vadd.f32 v11, v7;
	v11 =	vld [tilespmem:s17+$0x410]  }
0x250: {  	s2 =	sld [smem:$0x7F1];
	v12 =	vld [tilespmem:s4+$0x40];
	[tilespmem:s12+$0x2430] =	vst v1  }
0x251: {  	v1 =	vadd.f32 v8, v2;
	[tilespmem:s15+$0x4060] =	vst v9;
	s4 =	rddreg [dreg:$0x1b]  }
0x252: {  	[dreg:$0x1e] =	wrdreg s14;
	v2 =	vld [tilespmem:s4+$0x430];
	v8 =	vadd.f32 v10, v0  }
0x253: {  	[dreg:$0x10] =	wrdreg s17;
	v9 =	vld [tilespmem:s6+$0x60];
	[tilespmem:s19+$0x6450] =	vst v1  }
0x254: {  	s8 =	rddreg [dreg:$0x12];
	v0 =	vld [tilespmem:s2+$0x460];
	[tilespmem:s18+$0x6010] =	vst v8  }
0x255: {  	s14 =	rddreg [dreg:$0xb];
	v10 =	vld [tilespmem:s8+$0x460];
	v8 =	vadd.f32 v11, v6  }
0x256: {  	[smem:$0x7F0] =	sst s24;
	v1 =	vld [tilespmem:s14+$0x20];
	v11 =	vadd.f32 v12, v4  }
0x257: {  	[dreg:$0x9] =	wrdreg s20;
	v12 =	vld [tilespmem:s28+$0x20];
	[tilespmem:s30+$0x410] =	vst v8  }
0x258: {  	s29 =	rddreg [dreg:$0x1d];
	v2 =	vadd.f32 v2, v5;
	[tilespmem:s9+$0x2040] =	vst v11  }
0x259: {  	[dreg:$0x14] =	wrdreg s26;
	s17 =	sadd.s32 $0x100, s0;
	v7 =	vadd.f32 v9, v7;
	v8 =	vld [tilespmem:s29+$0x410]  }
0x25a: {  	s26 =	sand.u32 $0x3800, s17;
	s17 =	sld [smem:$0x7F2];
	v9 =	vld [tilespmem:s20+$0x40];
	[tilespmem:s12+$0x4430] =	vst v2  }
0x25b: {  	s24 =	smov.u32 s2;
	s2 =	sadd.s32 s26, s25;
	s26 =	sld [smem:$0x7EC];
	[tilespmem:s15+$0x6060] =	vst v7  }
0x25c: {  	s20 =	rddreg [dreg:$0x6];
	v2 =	vld [tilespmem:s7+$0x430];
	v10 =	vadd.f32 v10, v0  }
0x25d: {  	v11 =	vadd.f32 v13, v3;
	s1 =	sadd.s32 s1, s20;
	v7 =	vld [tilespmem:s17+$0x70]  }
0x25e: {  	s8 =	sadd.s32 $0x1000, s5;
	v13 =	vld [tilespmem:s26+$0x70];
	s14 =	sadd.s32 s3, s1;
	[tilespmem:s19+$0x460] =	vst v10  }
0x25f: {  	s20 =	smov.u32 s17;
	s17 =	rddreg [dreg:$0x7];
	s1 =	sand.u32 $0x380, s8;
	v12 =	vadd.f32 v12, v1;
	[tilespmem:s14+$0x0] =	vst v11  }
0x260: {  	[dreg:$0x15] =	wrdreg s7;
	s1 =	sadd.s32 s1, s2;
	v10 =	vld [tilespmem:s17+$0x460];
	v8 =	vadd.f32 v8, v6  }
0x261: {  	s7 =	smov.u32 s10;
	s10 =	rddreg [dreg:$0xe];
	v11 =	vld [tilespmem:s1+$0x0];
	[tilespmem:s18+$0x20] =	vst v12;
	v9 =	vadd.f32 v9, v4  }
0x262: {  	[dreg:$0xc] =	wrdreg s28;
	v12 =	vld [tilespmem:s10+$0x20];
	[tilespmem:s30+$0x2410] =	vst v8  }
0x263: {  	s17 =	rddreg [dreg:$0x17];
	v2 =	vadd.f32 v2, v5;
	[tilespmem:s9+$0x4040] =	vst v9  }
0x264: {  	s28 =	sld [smem:$0x7EE];
	v9 =	vadd.f32 v13, v7;
	v5 =	vld [tilespmem:s17+$0x410]  }
0x265: {  	s8 =	rddreg [dreg:$0x1f];
	v8 =	vld [tilespmem:s21+$0x40];
	[tilespmem:s12+$0x6430] =	vst v2  }
0x266: {  	[smem:$0x7ED] =	sst s6;
	v2 =	vld [tilespmem:s8+$0x440];
	v10 =	vadd.f32 v10, v0;
	[tilespmem:s15+$0x70] =	vst v9  }
0x267: {  	[dreg:$0x8] =	wrdreg s21;
	s3 =	smov.u32 s26;
	s21 =	sadd.s32 $0x200, s0;
	v11 =	vadd.f32 v11, v3;
	v9 =	vld [tilespmem:s7+$0x440]  }
0x268: {  	s26 =	sadd.s32 $0x1080, s5;
	[smem:$0x7F3] =	sst s1;
	s1 =	sand.u32 $0x3800, s21;
	v13 =	vld [tilespmem:s28+$0x70];
	[tilespmem:s19+$0x2460] =	vst v10  }
0x269: {  	s6 =	rddreg [dreg:$0xa];
	s2 =	sand.u32 $0x380, s26;
	s1 =	sadd.s32 s1, s25;
	v12 =	vadd.f32 v12, v1;
	[tilespmem:s14+$0x2000] =	vst v11  }
0x26a: {  	s1 =	sadd.s32 s2, s1;
	v10 =	vld [tilespmem:s6+$0x460];
	v5 =	vadd.f32 v5, v6  }
0x26b: {  	v11 =	vld [tilespmem:s1+$0x0];
	[tilespmem:s18+$0x2020] =	vst v12;
	v4 =	vadd.f32 v8, v4  }
0x26c: {  	v8 =	vld [tilespmem:s11+$0x20];
	[tilespmem:s30+$0x4410] =	vst v5  }
0x26d: {  	[smem:$0x7EF] =	sst s11;
	[tilespmem:s9+$0x6040] =	vst v4  }
0x26e: {  	[dreg:$0x16] =	wrdreg s13;
	v9 =	vadd.f32 v9, v2;
	v4 =	vld [tilespmem:s13+$0x410]  }
0x26f: {  	[smem:$0x7F7] =	sst s16;
	v12 =	vadd.f32 v13, v7;
	v5 =	vld [tilespmem:s31+$0x50]  }
0x270: {  	[smem:$0x7F6] =	sst s0;
	s5 =	sadd.s32 $0x1100, s5;
	s26 =	smov.u32 s9;
	v13 =	vld [tilespmem:s22+$0x50];
	[tilespmem:s12+$0x440] =	vst v9  }
0x271: {  	s8 =	smov.u32 s12;
	s12 =	smov.u32 s15;
	[tilespmem:s15+$0x2070] =	vst v12;
	s15 =	sld [smem:$0x7F0]  }
0x272: {  	s5 =	sand.u32 $0x380, s5;
	s10 =	smov.u32 s29;
	s13 =	rddreg [dreg:$0x1e];
	v9 =	vadd.f32 v10, v0  }
0x273: {  	s17 =	smov.u32 s31;
	s21 =	smov.u32 s22;
	s7 =	sadd.s32 $0x300, s0;
	v14 =	vadd.f32 v11, v3;
	v10 =	vld [tilespmem:s13+$0x440]  }
.Ltmp3:
0x274: {  	s2 =	sand.u32 $0x3800, s7;
	s9 =	sld [smem:$0x7E9];
	v11 =	vld [tilespmem:s15+$0x70];
	[tilespmem:s19+$0x4460] =	vst v9;
	(pc) =	sbr.rel @p0 .LBB2_8-.Ltmp3, $4  }
0x275: {  	s7 =	smov.u32 s30;
	s2 =	sadd.s32 s2, s25;
	s22 =	rddreg [dreg:$0xd];
	v8 =	vadd.f32 v8, v1;
	[tilespmem:s14+$0x4000] =	vst v14  }
0x276: {  	s6 =	smov.u32 s1;
	s25 =	smov.u32 s4;
	s5 =	sadd.s32 s5, s2;
	v4 =	vadd.f32 v4, v6;
	v12 =	vld [tilespmem:s22+$0x460]  }
0x277: {  	s11 =	smov.u32 s28;
	s28 =	smov.u32 s19;
	s29 =	smov.u32 s5;
	v9 =	vld [tilespmem:s5+$0x0];
	[tilespmem:s18+$0x4020] =	vst v8  }
0x278: {  	s31 =	smov.u32 s14;
	s0 =	sadd.s32 $0xFFFFFF80, s9;
	s14 =	smov.u32 s18;
	v13 =	vadd.f32 v13, v5;
	v6 =	vld [tilespmem:s16+$0x20];
	[tilespmem:s30+$0x6410] =	vst v4  }
0x279: {  	_ = 	snop  }
0x27a: {  	v8 =	vadd.f32 v10, v2;
	[tilespmem:s26+$0x50] =	vst v13  }
0x27b: {  	v4 =	vld [tilespmem:s23+$0x420];
	s0 =	rddreg [dreg:$0x10]  }
0x27c: {  	s4 =	rddreg [dreg:$0xf];
	[tilespmem:s8+$0x2440] =	vst v8;
	v50 =	vld [tilespmem:s0+$0x420]  }
0x27d: {  	v0 =	vadd.f32 v12, v0;
	v51 =	vld [tilespmem:s4+$0x50];
	[smem:$0x7E7] =	sst s8  }
0x27e: {  	v11 =	vadd.f32 v11, v7;
	v8 =	vld [tilespmem:s25+$0x440];
	[smem:$0x7E8] =	sst s28  }
0x27f: {  	[tilespmem:s28+$0x6460] =	vst v0  }
0x280: {  	[tilespmem:s12+$0x4070] =	vst v11  }
0x281: {  	s18 =	smov.u32 s12;
	s12 =	sld [smem:$0x7ED]  }
0x282: {  	v6 =	vadd.f32 v6, v1;
	_ =	sdelay $0x1  }
0x283: {  	s5 =	rddreg [dreg:$0x12];
	[tilespmem:s14+$0x6020] =	vst v6;
	v52 =	vadd.f32 v50, v4;
	v11 =	vld [tilespmem:s12+$0x70]  }
0x284: {  	s9 =	rddreg [dreg:$0xb];
	v12 =	vadd.f32 v51, v5  }
0x285: {  	s13 =	rddreg [dreg:$0xc];
	v8 =	vadd.f32 v8, v2;
	[tilespmem:s7+$0x420] =	vst v52  }
0x286: {  	v3 =	vadd.f32 v9, v3;
	[tilespmem:s26+$0x2050] =	vst v12  }
0x287: {  	s15 =	rddreg [dreg:$0x9];
	[tilespmem:s8+$0x4440] =	vst v8  }
0x288: {  	[tilespmem:s31+$0x6000] =	vst v3;
	v56 =	vadd.f32 v11, v7  }
0x289: {  	s16 =	rddreg [dreg:$0x15]  }
0x28a: {  	s19 =	rddreg [dreg:$0x13];
	[tilespmem:s18+$0x6070] =	vst v56  }
0x28b: {  	s2 =	smov.u32 s4;
	v57 =	vld [tilespmem:s19+$0x10];
	s4 =	rddreg [dreg:$0x14]  }
0x28c: {  	v58 =	vld [tilespmem:s4+$0x10];
	_ =	sdelay $0x4  }
0x28d: {  	v11 =	vadd.f32 v58, v57;
	_ =	sdelay $0x1  }
0x28e: {  	[tilespmem:s31+$0x10] =	vst v11  }
0x28f: {  	s23 =	sld [smem:$0x7F3];
	_ =	sdelay $0x2  }
0x290: {  	v11 =	vld [tilespmem:s23+$0x10];
	_ =	sdelay $0x4  }
0x291: {  	v11 =	vadd.f32 v11, v57;
	_ =	sdelay $0x1  }
0x292: {  	[tilespmem:s31+$0x2010] =	vst v11  }
0x293: {  	v11 =	vld [tilespmem:s6+$0x10];
	_ =	sdelay $0x4  }
0x294: {  	v11 =	vadd.f32 v11, v57;
	_ =	sdelay $0x1  }
0x295: {  	[tilespmem:s31+$0x4010] =	vst v11  }
0x296: {  	v11 =	vld [tilespmem:s29+$0x10];
	_ =	sdelay $0x4  }
0x297: {  	v8 =	vadd.f32 v11, v57;
	_ =	sdelay $0x1  }
0x298: {  	v1 =	vld [tilespmem:s5+$0x470];
	s5 =	smov.u32 s19;
	[tilespmem:s31+$0x6010] =	vst v8  }
0x299: {  	s22 =	smov.u32 s4;
	v8 =	vld [tilespmem:s5+$0x20]  }
0x29a: {  	v59 =	vld [tilespmem:s22+$0x20];
	_ =	sdelay $0x4  }
0x29b: {  	v11 =	vadd.f32 v59, v8;
	_ =	sdelay $0x1  }
0x29c: {  	[tilespmem:s31+$0x20] =	vst v11  }
0x29d: {  	v11 =	vld [tilespmem:s23+$0x20];
	_ =	sdelay $0x4  }
0x29e: {  	v11 =	vadd.f32 v11, v8;
	_ =	sdelay $0x1  }
0x29f: {  	[tilespmem:s31+$0x2020] =	vst v11  }
0x2a0: {  	v11 =	vld [tilespmem:s6+$0x20];
	_ =	sdelay $0x4  }
0x2a1: {  	v11 =	vadd.f32 v11, v8;
	_ =	sdelay $0x1  }
0x2a2: {  	v53 =	vld [tilespmem:s9+$0x30];
	[tilespmem:s31+$0x4020] =	vst v11  }
0x2a3: {  	v11 =	vld [tilespmem:s29+$0x20]  }
0x2a4: {  	v54 =	vld [tilespmem:s13+$0x30];
	_ =	sdelay $0x3  }
0x2a5: {  	v8 =	vadd.f32 v11, v8  }
0x2a6: {  	v0 =	vld [tilespmem:s24+$0x470];
	v61 =	vadd.f32 v54, v53  }
0x2a7: {  	s24 =	smov.u32 s5;
	v7 =	vld [tilespmem:s20+$0x400];
	[tilespmem:s31+$0x6020] =	vst v8  }
0x2a8: {  	s28 =	smov.u32 s22;
	[tilespmem:s14+$0x30] =	vst v61;
	v8 =	vld [tilespmem:s24+$0x30]  }
0x2a9: {  	s0 =	smov.u32 s20;
	v60 =	vld [tilespmem:s28+$0x30];
	s20 =	rddreg [dreg:$0xe]  }
0x2aa: {  	v12 =	vld [tilespmem:s20+$0x30];
	_ =	sdelay $0x3  }
0x2ab: {  	v11 =	vadd.f32 v60, v8  }
0x2ac: {  	v12 =	vadd.f32 v12, v53  }
0x2ad: {  	[tilespmem:s31+$0x30] =	vst v11  }
0x2ae: {  	s1 =	smov.u32 s9;
	s9 =	smov.u32 s13;
	s13 =	smov.u32 s23;
	[tilespmem:s14+$0x2030] =	vst v12  }
0x2af: {  	v11 =	vld [tilespmem:s13+$0x30];
	s4 =	sld [smem:$0x7EF];
	_ =	sdelay $0x2  }
0x2b0: {  	v12 =	vld [tilespmem:s4+$0x30];
	_ =	sdelay $0x1  }
0x2b1: {  	v11 =	vadd.f32 v11, v8;
	_ =	sdelay $0x1  }
0x2b2: {  	v55 =	vld [tilespmem:s15+$0x50];
	s25 =	smov.u32 s15;
	s15 =	smov.u32 s6;
	[tilespmem:s31+$0x2030] =	vst v11  }
0x2b3: {  	v11 =	vld [tilespmem:s15+$0x30];
	v12 =	vadd.f32 v12, v53;
	_ =	sdelay $0x1  }
0x2b4: {  	[tilespmem:s14+$0x4030] =	vst v12  }
0x2b5: {  	s23 =	sld [smem:$0x7F7];
	_ =	sdelay $0x1  }
0x2b6: {  	v11 =	vadd.f32 v11, v8  }
0x2b7: {  	v12 =	vld [tilespmem:s23+$0x30]  }
0x2b8: {  	[tilespmem:s31+$0x4030] =	vst v11  }
0x2b9: {  	v11 =	vld [tilespmem:s29+$0x30];
	_ =	sdelay $0x2  }
0x2ba: {  	v10 =	vadd.f32 v12, v53;
	_ =	sdelay $0x1  }
0x2bb: {  	v3 =	vld [tilespmem:s16+$0x440];
	v8 =	vadd.f32 v11, v8;
	[tilespmem:s14+$0x6030] =	vst v10  }
0x2bc: {  	v10 =	vld [tilespmem:s1+$0x40]  }
0x2bd: {  	s16 =	smov.u32 s24;
	v62 =	vld [tilespmem:s9+$0x40];
	[tilespmem:s31+$0x6030] =	vst v8  }
0x2be: {  	v8 =	vld [tilespmem:s16+$0x40]  }
0x2bf: {  	v63 =	vld [tilespmem:s28+$0x40];
	_ =	sdelay $0x2  }
0x2c0: {  	v11 =	vadd.f32 v62, v10;
	_ =	sdelay $0x1  }
0x2c1: {  	s6 =	smov.u32 s20;
	v16 =	vadd.f32 v63, v8;
	[tilespmem:s14+$0x40] =	vst v11  }
0x2c2: {  	v17 =	vld [tilespmem:s6+$0x40]  }
0x2c3: {  	s22 =	smov.u32 s13;
	[tilespmem:s31+$0x40] =	vst v16  }
0x2c4: {  	v11 =	vld [tilespmem:s22+$0x40];
	_ =	sdelay $0x2  }
0x2c5: {  	v12 =	vadd.f32 v17, v10;
	_ =	sdelay $0x1  }
0x2c6: {  	v11 =	vadd.f32 v11, v8;
	[tilespmem:s14+$0x2040] =	vst v12  }
0x2c7: {  	v12 =	vld [tilespmem:s4+$0x40]  }
0x2c8: {  	s30 =	smov.u32 s7;
	v6 =	vld [tilespmem:s10+$0x420];
	s7 =	smov.u32 s15;
	[tilespmem:s31+$0x2040] =	vst v11  }
0x2c9: {  	v11 =	vld [tilespmem:s7+$0x40];
	_ =	sdelay $0x2  }
0x2ca: {  	v12 =	vadd.f32 v12, v10;
	_ =	sdelay $0x1  }
0x2cb: {  	v11 =	vadd.f32 v11, v8;
	[tilespmem:s14+$0x4040] =	vst v12  }
0x2cc: {  	v12 =	vld [tilespmem:s23+$0x40]  }
0x2cd: {  	[tilespmem:s31+$0x4040] =	vst v11  }
0x2ce: {  	v11 =	vld [tilespmem:s29+$0x40];
	_ =	sdelay $0x2  }
0x2cf: {  	v10 =	vadd.f32 v12, v10;
	_ =	sdelay $0x1  }
0x2d0: {  	v8 =	vadd.f32 v11, v8;
	[tilespmem:s14+$0x6040] =	vst v10  }
0x2d1: {  	v10 =	vld [tilespmem:s1+$0x50]  }
0x2d2: {  	v18 =	vld [tilespmem:s9+$0x50];
	[tilespmem:s31+$0x6040] =	vst v8  }
0x2d3: {  	s19 =	smov.u32 s28;
	v8 =	vld [tilespmem:s16+$0x50]  }
0x2d4: {  	v19 =	vld [tilespmem:s19+$0x50];
	_ =	sdelay $0x2  }
0x2d5: {  	v11 =	vadd.f32 v18, v10;
	_ =	sdelay $0x1  }
0x2d6: {  	v20 =	vadd.f32 v19, v8;
	[tilespmem:s14+$0x50] =	vst v11  }
0x2d7: {  	v21 =	vld [tilespmem:s6+$0x50]  }
0x2d8: {  	s24 =	smov.u32 s22;
	[tilespmem:s31+$0x50] =	vst v20  }
0x2d9: {  	v11 =	vld [tilespmem:s24+$0x50];
	_ =	sdelay $0x2  }
0x2da: {  	v12 =	vadd.f32 v21, v10;
	_ =	sdelay $0x1  }
0x2db: {  	v11 =	vadd.f32 v11, v8;
	[tilespmem:s14+$0x2050] =	vst v12  }
0x2dc: {  	v9 =	vadd.f32 v55, v5;
	v12 =	vld [tilespmem:s4+$0x50]  }
0x2dd: {  	[tilespmem:s31+$0x2050] =	vst v11  }
0x2de: {  	[tilespmem:s26+$0x4050] =	vst v9;
	v11 =	vld [tilespmem:s7+$0x50]  }
0x2df: {  	s22 =	rddreg [dreg:$0x8]  }
0x2e0: {  	v23 =	vld [tilespmem:s22+$0x50]  }
0x2e1: {  	v22 =	vadd.f32 v12, v10;
	_ =	sdelay $0x1  }
0x2e2: {  	s8 =	smov.u32 s23;
	v24 =	vadd.f32 v11, v8;
	[tilespmem:s14+$0x4050] =	vst v22  }
0x2e3: {  	v25 =	vld [tilespmem:s8+$0x50]  }
0x2e4: {  	v26 =	vadd.f32 v23, v5;
	[tilespmem:s31+$0x4050] =	vst v24  }
0x2e5: {  	v9 =	vld [tilespmem:s29+$0x50]  }
0x2e6: {  	[tilespmem:s26+$0x6050] =	vst v26  }
0x2e7: {  	v28 =	vld [tilespmem:s17+$0x60]  }
0x2e8: {  	v29 =	vld [tilespmem:s21+$0x60];
	v27 =	vadd.f32 v25, v10;
	_ =	sdelay $0x1  }
0x2e9: {  	s28 =	smov.u32 s1;
	v30 =	vadd.f32 v9, v8;
	[tilespmem:s14+$0x6050] =	vst v27  }
0x2ea: {  	s13 =	smov.u32 s9;
	v31 =	vld [tilespmem:s28+$0x60]  }
0x2eb: {  	v32 =	vld [tilespmem:s13+$0x60];
	[tilespmem:s31+$0x6050] =	vst v30  }
0x2ec: {  	v11 =	vadd.f32 v29, v28;
	v5 =	vld [tilespmem:s16+$0x60]  }
0x2ed: {  	v33 =	vld [tilespmem:s19+$0x60]  }
0x2ee: {  	[tilespmem:s26+$0x60] =	vst v11  }
0x2ef: {  	v11 =	vld [tilespmem:s2+$0x60]  }
0x2f0: {  	v9 =	vadd.f32 v32, v31;
	_ =	sdelay $0x1  }
0x2f1: {  	v34 =	vadd.f32 v33, v5;
	[tilespmem:s14+$0x60] =	vst v9  }
0x2f2: {  	v35 =	vld [tilespmem:s6+$0x60]  }
0x2f3: {  	s15 =	smov.u32 s24;
	v11 =	vadd.f32 v11, v28;
	[tilespmem:s31+$0x60] =	vst v34  }
0x2f4: {  	v9 =	vld [tilespmem:s15+$0x60]  }
0x2f5: {  	[tilespmem:s26+$0x2060] =	vst v11  }
0x2f6: {  	v37 =	vld [tilespmem:s25+$0x60]  }
0x2f7: {  	v36 =	vadd.f32 v35, v31;
	_ =	sdelay $0x1  }
0x2f8: {  	v9 =	vadd.f32 v9, v5;
	[tilespmem:s14+$0x2060] =	vst v36  }
0x2f9: {  	v11 =	vld [tilespmem:s4+$0x60]  }
0x2fa: {  	v12 =	vadd.f32 v37, v28;
	[tilespmem:s31+$0x2060] =	vst v9  }
0x2fb: {  	v9 =	vld [tilespmem:s7+$0x60]  }
0x2fc: {  	s9 =	smov.u32 s22;
	[tilespmem:s26+$0x4060] =	vst v12  }
0x2fd: {  	v12 =	vld [tilespmem:s9+$0x60]  }
0x2fe: {  	v11 =	vadd.f32 v11, v31;
	_ =	sdelay $0x1  }
0x2ff: {  	v9 =	vadd.f32 v9, v5;
	[tilespmem:s14+$0x4060] =	vst v11  }
0x300: {  	v11 =	vld [tilespmem:s8+$0x60]  }
0x301: {  	v10 =	vadd.f32 v12, v28;
	[tilespmem:s31+$0x4060] =	vst v9  }
0x302: {  	v9 =	vld [tilespmem:s29+$0x60]  }
0x303: {  	[tilespmem:s26+$0x6060] =	vst v10  }
0x304: {  	v10 =	vld [tilespmem:s17+$0x70]  }
0x305: {  	v38 =	vld [tilespmem:s21+$0x70];
	v8 =	vadd.f32 v11, v31;
	_ =	sdelay $0x1  }
0x306: {  	v5 =	vadd.f32 v9, v5;
	[tilespmem:s14+$0x6060] =	vst v8  }
0x307: {  	v8 =	vld [tilespmem:s28+$0x70]  }
0x308: {  	v39 =	vld [tilespmem:s13+$0x70];
	[tilespmem:s31+$0x6060] =	vst v5  }
0x309: {  	s20 =	smov.u32 s19;
	v11 =	vadd.f32 v38, v10;
	v5 =	vld [tilespmem:s16+$0x70]  }
0x30a: {  	v40 =	vld [tilespmem:s20+$0x70]  }
0x30b: {  	s24 =	smov.u32 s2;
	[tilespmem:s26+$0x70] =	vst v11  }
0x30c: {  	v11 =	vld [tilespmem:s24+$0x70]  }
0x30d: {  	v9 =	vadd.f32 v39, v8;
	_ =	sdelay $0x1  }
0x30e: {  	v41 =	vadd.f32 v40, v5;
	[tilespmem:s14+$0x70] =	vst v9  }
0x30f: {  	v42 =	vld [tilespmem:s6+$0x70]  }
0x310: {  	v11 =	vadd.f32 v11, v10;
	[tilespmem:s31+$0x70] =	vst v41  }
0x311: {  	v9 =	vld [tilespmem:s15+$0x70]  }
0x312: {  	[tilespmem:s26+$0x2070] =	vst v11  }
0x313: {  	v44 =	vld [tilespmem:s25+$0x70]  }
0x314: {  	v43 =	vadd.f32 v42, v8;
	_ =	sdelay $0x1  }
0x315: {  	v9 =	vadd.f32 v9, v5;
	[tilespmem:s14+$0x2070] =	vst v43  }
0x316: {  	v11 =	vld [tilespmem:s4+$0x70]  }
0x317: {  	v12 =	vadd.f32 v44, v10;
	[tilespmem:s31+$0x2070] =	vst v9  }
0x318: {  	v9 =	vld [tilespmem:s7+$0x70]  }
0x319: {  	[tilespmem:s26+$0x4070] =	vst v12  }
0x31a: {  	v12 =	vld [tilespmem:s9+$0x70]  }
0x31b: {  	v11 =	vadd.f32 v11, v8;
	_ =	sdelay $0x1  }
0x31c: {  	v45 =	vld [tilespmem:s3+$0x400];
	v9 =	vadd.f32 v9, v5;
	[tilespmem:s14+$0x4070] =	vst v11  }
0x31d: {  	v11 =	vld [tilespmem:s8+$0x70]  }
0x31e: {  	v10 =	vadd.f32 v12, v10;
	[tilespmem:s31+$0x4070] =	vst v9  }
0x31f: {  	v9 =	vld [tilespmem:s29+$0x70]  }
0x320: {  	[tilespmem:s26+$0x6070] =	vst v10  }
0x321: {  	s10 =	smov.u32 s21;
	v48 =	vadd.f32 v45, v7;
	v10 =	vld [tilespmem:s17+$0x400]  }
0x322: {  	v46 =	vld [tilespmem:s10+$0x400];
	v8 =	vadd.f32 v11, v8  }
0x323: {  	[tilespmem:s18+$0x400] =	vst v48  }
0x324: {  	s23 =	smov.u32 s28;
	v52 =	vld [tilespmem:s11+$0x400];
	v5 =	vadd.f32 v9, v5;
	[tilespmem:s14+$0x6070] =	vst v8  }
0x325: {  	v8 =	vld [tilespmem:s23+$0x400]  }
0x326: {  	s5 =	smov.u32 s16;
	v47 =	vld [tilespmem:s13+$0x400];
	[tilespmem:s31+$0x6070] =	vst v5  }
0x327: {  	v51 =	vadd.f32 v46, v10;
	v49 =	vld [tilespmem:s5+$0x400]  }
0x328: {  	v50 =	vld [tilespmem:s20+$0x400]  }
0x329: {  	[tilespmem:s26+$0x400] =	vst v51  }
0x32a: {  	v54 =	vld [tilespmem:s24+$0x400]  }
0x32b: {  	v53 =	vadd.f32 v47, v8  }
0x32c: {  	v11 =	vadd.f32 v52, v7  }
0x32d: {  	v55 =	vadd.f32 v50, v49;
	[tilespmem:s14+$0x400] =	vst v53  }
0x32e: {  	[tilespmem:s18+$0x2400] =	vst v11;
	v56 =	vld [tilespmem:s6+$0x400]  }
0x32f: {  	v9 =	vadd.f32 v54, v10;
	[tilespmem:s31+$0x400] =	vst v55  }
0x330: {  	s16 =	smov.u32 s15;
	s15 =	smov.u32 s23;
	s23 =	sld [smem:$0x7F0]  }
0x331: {  	v5 =	vld [tilespmem:s16+$0x400];
	[tilespmem:s26+$0x2400] =	vst v9  }
0x332: {  	v58 =	vld [tilespmem:s25+$0x400]  }
0x333: {  	v11 =	vld [tilespmem:s23+$0x400];
	v57 =	vadd.f32 v56, v8;
	_ =	sdelay $0x1  }
0x334: {  	[tilespmem:s14+$0x2400] =	vst v57  }
0x335: {  	v5 =	vadd.f32 v5, v49;
	v9 =	vld [tilespmem:s4+$0x400]  }
0x336: {  	v59 =	vadd.f32 v58, v10  }
0x337: {  	s22 =	smov.u32 s7;
	[tilespmem:s31+$0x2400] =	vst v5;
	v11 =	vadd.f32 v11, v7  }
0x338: {  	v5 =	vld [tilespmem:s22+$0x400];
	[tilespmem:s26+$0x4400] =	vst v59  }
0x339: {  	[tilespmem:s18+$0x4400] =	vst v11;
	v11 =	vld [tilespmem:s9+$0x400]  }
0x33a: {  	v9 =	vadd.f32 v9, v8  }
0x33b: {  	v60 =	vld [tilespmem:s12+$0x400]  }
0x33c: {  	[tilespmem:s14+$0x4400] =	vst v9  }
0x33d: {  	v5 =	vadd.f32 v5, v49;
	v9 =	vld [tilespmem:s8+$0x400]  }
0x33e: {  	v61 =	vadd.f32 v11, v10  }
0x33f: {  	[tilespmem:s31+$0x4400] =	vst v5  }
0x340: {  	v7 =	vadd.f32 v60, v7;
	v5 =	vld [tilespmem:s29+$0x400];
	[tilespmem:s26+$0x6400] =	vst v61  }
0x341: {  	s28 =	smov.u32 s10;
	v16 =	vld [tilespmem:s17+$0x410]  }
0x342: {  	[tilespmem:s18+$0x6400] =	vst v7;
	v17 =	vld [tilespmem:s28+$0x410];
	v15 =	vadd.f32 v9, v8  }
0x343: {  	s7 =	smov.u32 s3;
	v62 =	vld [tilespmem:s0+$0x410]  }
0x344: {  	v63 =	vld [tilespmem:s7+$0x410];
	[tilespmem:s14+$0x6400] =	vst v15  }
0x345: {  	s2 =	smov.u32 s13;
	v7 =	vld [tilespmem:s15+$0x410]  }
0x346: {  	v5 =	vadd.f32 v5, v49;
	v18 =	vld [tilespmem:s2+$0x410];
	_ =	sdelay $0x1  }
0x347: {  	v6 =	vadd.f32 v6, v4;
	s13 =	smov.u32 s5;
	[tilespmem:s31+$0x6400] =	vst v5  }
0x348: {  	v19 =	vadd.f32 v63, v62;
	v20 =	vld [tilespmem:s13+$0x410]  }
0x349: {  	[tilespmem:s30+$0x2420] =	vst v6;
	v22 =	vadd.f32 v17, v16;
	v21 =	vld [tilespmem:s20+$0x410]  }
0x34a: {  	[tilespmem:s18+$0x410] =	vst v19;
	v24 =	vadd.f32 v18, v7  }
0x34b: {  	s21 =	smov.u32 s24;
	[tilespmem:s26+$0x410] =	vst v22;
	v23 =	vld [tilespmem:s11+$0x410]  }
0x34c: {  	v25 =	vld [tilespmem:s21+$0x410];
	[tilespmem:s14+$0x410] =	vst v24  }
0x34d: {  	s1 =	smov.u32 s25;
	v27 =	vld [tilespmem:s6+$0x410];
	s25 =	rddreg [dreg:$0x17]  }
0x34e: {  	v26 =	vadd.f32 v21, v20;
	v28 =	vld [tilespmem:s25+$0x420];
	_ =	sdelay $0x1  }
0x34f: {  	[tilespmem:s31+$0x410] =	vst v26;
	v9 =	vadd.f32 v23, v62  }
0x350: {  	v29 =	vadd.f32 v25, v16;
	v5 =	vld [tilespmem:s16+$0x410]  }
0x351: {  	[tilespmem:s18+$0x2410] =	vst v9;
	v6 =	vadd.f32 v27, v7  }
0x352: {  	[tilespmem:s26+$0x2410] =	vst v29;
	v30 =	vld [tilespmem:s23+$0x410];
	v31 =	vadd.f32 v28, v4  }
0x353: {  	[tilespmem:s14+$0x2410] =	vst v6  }
0x354: {  	v32 =	vld [tilespmem:s1+$0x410];
	[tilespmem:s30+$0x4420] =	vst v31  }
0x355: {  	s3 =	smov.u32 s21;
	v5 =	vadd.f32 v5, v20;
	v6 =	vld [tilespmem:s4+$0x410];
	s21 =	rddreg [dreg:$0x16]  }
0x356: {  	v9 =	vld [tilespmem:s21+$0x420]  }
0x357: {  	s19 =	smov.u32 s22;
	v12 =	vadd.f32 v30, v62;
	[tilespmem:s31+$0x2410] =	vst v5  }
0x358: {  	v5 =	vld [tilespmem:s19+$0x410]  }
0x359: {  	v33 =	vadd.f32 v32, v16;
	[tilespmem:s18+$0x4410] =	vst v12  }
0x35a: {  	v34 =	vld [tilespmem:s12+$0x410];
	v6 =	vadd.f32 v6, v7  }
0x35b: {  	s24 =	smov.u32 s9;
	[tilespmem:s26+$0x4410] =	vst v33;
	v4 =	vadd.f32 v9, v4  }
0x35c: {  	v35 =	vld [tilespmem:s24+$0x410];
	[tilespmem:s14+$0x4410] =	vst v6  }
0x35d: {  	v5 =	vadd.f32 v5, v20;
	[tilespmem:s30+$0x6420] =	vst v4  }
0x35e: {  	v36 =	vld [tilespmem:s8+$0x410];
	s12 =	rddreg [dreg:$0x1c]  }
0x35f: {  	v10 =	vadd.f32 v34, v62;
	[tilespmem:s31+$0x4410] =	vst v5;
	v37 =	vld [tilespmem:s12+$0x430]  }
0x360: {  	s9 =	smov.u32 s11;
	v5 =	vld [tilespmem:s29+$0x410];
	s11 =	rddreg [dreg:$0x10]  }
0x361: {  	v8 =	vadd.f32 v35, v16;
	[tilespmem:s18+$0x6410] =	vst v10;
	v38 =	vld [tilespmem:s11+$0x430]  }
0x362: {  	v39 =	vld [tilespmem:s0+$0x420]  }
0x363: {  	[tilespmem:s26+$0x6410] =	vst v8;
	v10 =	vld [tilespmem:s7+$0x420];
	v4 =	vadd.f32 v36, v7  }
0x364: {  	s5 =	smov.u32 s28;
	v40 =	vld [tilespmem:s17+$0x420]  }
0x365: {  	v8 =	vld [tilespmem:s5+$0x420];
	[tilespmem:s14+$0x6410] =	vst v4;
	v41 =	vadd.f32 v5, v20  }
0x366: {  	v42 =	vld [tilespmem:s15+$0x420];
	v43 =	vadd.f32 v38, v37  }
0x367: {  	s22 =	smov.u32 s13;
	v44 =	vld [tilespmem:s2+$0x420];
	[tilespmem:s31+$0x6410] =	vst v41  }
0x368: {  	s28 =	smov.u32 s20;
	v45 =	vadd.f32 v10, v39;
	v46 =	vld [tilespmem:s22+$0x420];
	[tilespmem:s30+$0x430] =	vst v43  }
0x369: {  	s13 =	smov.u32 s0;
	v47 =	vld [tilespmem:s28+$0x420];
	s0 =	rddreg [dreg:$0x1d]  }
0x36a: {  	[tilespmem:s18+$0x420] =	vst v45;
	v48 =	vld [tilespmem:s0+$0x430]  }
0x36b: {  	v50 =	vld [tilespmem:s9+$0x420]  }
0x36c: {  	v49 =	vadd.f32 v8, v40  }
0x36d: {  	v51 =	vadd.f32 v44, v42  }
0x36e: {  	[tilespmem:s26+$0x420] =	vst v49;
	v53 =	vadd.f32 v47, v46  }
0x36f: {  	v52 =	vld [tilespmem:s3+$0x420];
	[tilespmem:s14+$0x420] =	vst v51;
	v54 =	vadd.f32 v48, v37  }
0x370: {  	s20 =	smov.u32 s16;
	v55 =	vld [tilespmem:s6+$0x420];
	v8 =	vadd.f32 v50, v39;
	[tilespmem:s31+$0x420] =	vst v53  }
0x371: {  	v4 =	vld [tilespmem:s20+$0x420];
	[tilespmem:s30+$0x2430] =	vst v54  }
0x372: {  	[tilespmem:s18+$0x2420] =	vst v8;
	v11 =	vld [tilespmem:s25+$0x430]  }
0x373: {  	v57 =	vld [tilespmem:s23+$0x420]  }
0x374: {  	v56 =	vadd.f32 v52, v40  }
0x375: {  	v58 =	vadd.f32 v55, v42  }
0x376: {  	[tilespmem:s26+$0x2420] =	vst v56;
	v4 =	vadd.f32 v4, v46  }
0x377: {  	[tilespmem:s14+$0x2420] =	vst v58;
	v60 =	vadd.f32 v11, v37  }
0x378: {  	v59 =	vld [tilespmem:s1+$0x420];
	v12 =	vadd.f32 v57, v39;
	[tilespmem:s31+$0x2420] =	vst v4  }
0x379: {  	[tilespmem:s30+$0x4430] =	vst v60  }
0x37a: {  	s16 =	smov.u32 s19;
	s19 =	smov.u32 s7;
	s7 =	smov.u32 s17;
	[tilespmem:s18+$0x4420] =	vst v12  }
0x37b: {  	s17 =	smov.u32 s3;
	s3 =	smov.u32 s1;
	v61 =	vld [tilespmem:s4+$0x420];
	s1 =	sld [smem:$0x7ED]  }
0x37c: {  	_ = 	snop  }
0x37d: {  	v62 =	vadd.f32 v59, v40;
	v4 =	vld [tilespmem:s16+$0x420]  }
0x37e: {  	v63 =	vld [tilespmem:s1+$0x420]  }
0x37f: {  	s21 =	smov.u32 s21;
	[tilespmem:s26+$0x4420] =	vst v62  }
0x380: {  	s24 =	smov.u32 s21;
	v8 =	vld [tilespmem:s21+$0x430];
	v11 =	vadd.f32 v61, v42;
	s21 =	rddreg [dreg:$0x8]  }
0x381: {  	v12 =	vld [tilespmem:s21+$0x420]  }
0x382: {  	[tilespmem:s14+$0x4420] =	vst v11;
	v4 =	vadd.f32 v4, v46  }
0x383: {  	v16 =	vld [tilespmem:s8+$0x420];
	v9 =	vadd.f32 v63, v39  }
0x384: {  	[tilespmem:s31+$0x4420] =	vst v4  }
0x385: {  	v4 =	vld [tilespmem:s29+$0x420];
	[tilespmem:s18+$0x6420] =	vst v9  }
0x386: {  	v7 =	vadd.f32 v12, v40;
	v9 =	vld [tilespmem:s13+$0x430]  }
0x387: {  	v17 =	vld [tilespmem:s19+$0x430]  }
0x388: {  	v5 =	vadd.f32 v16, v42;
	[tilespmem:s26+$0x6420] =	vst v7  }
0x389: {  	v7 =	vld [tilespmem:s7+$0x430]  }
0x38a: {  	v18 =	vld [tilespmem:s5+$0x430];
	[tilespmem:s14+$0x6420] =	vst v5;
	v4 =	vadd.f32 v4, v46  }
0x38b: {  	v5 =	vld [tilespmem:s15+$0x430]  }
0x38c: {  	v19 =	vld [tilespmem:s2+$0x430];
	[tilespmem:s31+$0x6420] =	vst v4;
	v20 =	vadd.f32 v17, v9  }
0x38d: {  	s28 =	smov.u32 s28;
	v21 =	vld [tilespmem:s22+$0x430]  }
0x38e: {  	v22 =	vld [tilespmem:s28+$0x430];
	[tilespmem:s18+$0x430] =	vst v20  }
0x38f: {  	v6 =	vadd.f32 v8, v37;
	v25 =	vld [tilespmem:s9+$0x430];
	_ =	sdelay $0x1  }
0x390: {  	[tilespmem:s30+$0x6430] =	vst v6;
	v24 =	vadd.f32 v18, v7  }
0x391: {  	v6 =	vld [tilespmem:s12+$0x440];
	v26 =	vadd.f32 v19, v5  }
0x392: {  	v23 =	vld [tilespmem:s11+$0x440];
	[tilespmem:s26+$0x430] =	vst v24;
	v28 =	vadd.f32 v22, v21  }
0x393: {  	v27 =	vld [tilespmem:s17+$0x430];
	[tilespmem:s14+$0x430] =	vst v26;
	v8 =	vadd.f32 v25, v9  }
0x394: {  	v30 =	vld [tilespmem:s6+$0x430];
	[tilespmem:s31+$0x430] =	vst v28  }
0x395: {  	s10 =	smov.u32 s23;
	v4 =	vld [tilespmem:s20+$0x430];
	[tilespmem:s18+$0x2430] =	vst v8  }
0x396: {  	v32 =	vld [tilespmem:s10+$0x430]  }
0x397: {  	v29 =	vadd.f32 v23, v6  }
0x398: {  	v31 =	vadd.f32 v27, v7  }
0x399: {  	[tilespmem:s30+$0x440] =	vst v29;
	v33 =	vadd.f32 v30, v5  }
0x39a: {  	v12 =	vld [tilespmem:s0+$0x440];
	[tilespmem:s26+$0x2430] =	vst v31;
	v4 =	vadd.f32 v4, v21  }
0x39b: {  	v34 =	vld [tilespmem:s3+$0x430];
	[tilespmem:s14+$0x2430] =	vst v33;
	v10 =	vadd.f32 v32, v9  }
0x39c: {  	v36 =	vld [tilespmem:s4+$0x430];
	[tilespmem:s31+$0x2430] =	vst v4  }
0x39d: {  	v4 =	vld [tilespmem:s16+$0x430];
	[tilespmem:s18+$0x4430] =	vst v10  }
0x39e: {  	v38 =	vld [tilespmem:s1+$0x430]  }
0x39f: {  	v35 =	vadd.f32 v12, v6  }
0x3a0: {  	v37 =	vadd.f32 v34, v7  }
0x3a1: {  	[tilespmem:s30+$0x2440] =	vst v35;
	v39 =	vadd.f32 v36, v5  }
0x3a2: {  	v8 =	vld [tilespmem:s25+$0x440];
	[tilespmem:s26+$0x4430] =	vst v37;
	v4 =	vadd.f32 v4, v21  }
0x3a3: {  	v40 =	vld [tilespmem:s21+$0x430];
	[tilespmem:s14+$0x4430] =	vst v39;
	v9 =	vadd.f32 v38, v9  }
0x3a4: {  	v10 =	vld [tilespmem:s8+$0x430];
	[tilespmem:s31+$0x4430] =	vst v4  }
0x3a5: {  	v4 =	vld [tilespmem:s29+$0x430];
	[tilespmem:s18+$0x6430] =	vst v9  }
0x3a6: {  	v9 =	vld [tilespmem:s13+$0x440]  }
0x3a7: {  	v41 =	vld [tilespmem:s19+$0x440]  }
0x3a8: {  	v8 =	vadd.f32 v8, v6  }
0x3a9: {  	v7 =	vadd.f32 v40, v7  }
0x3aa: {  	[tilespmem:s30+$0x4440] =	vst v8;
	v5 =	vadd.f32 v10, v5  }
0x3ab: {  	s12 =	smov.u32 s7;
	v8 =	vld [tilespmem:s24+$0x440];
	[tilespmem:s26+$0x6430] =	vst v7;
	v4 =	vadd.f32 v4, v21  }
0x3ac: {  	v7 =	vld [tilespmem:s12+$0x440];
	[tilespmem:s14+$0x6430] =	vst v5;
	v44 =	vadd.f32 v41, v9  }
0x3ad: {  	s23 =	smov.u32 s15;
	v42 =	vld [tilespmem:s5+$0x440];
	[tilespmem:s31+$0x6430] =	vst v4  }
0x3ae: {  	s15 =	smov.u32 s2;
	v5 =	vld [tilespmem:s23+$0x440];
	[tilespmem:s18+$0x440] =	vst v44  }
0x3af: {  	v43 =	vld [tilespmem:s15+$0x440];
	s1 =	sld [smem:$0x7E7]  }
0x3b0: {  	v46 =	vadd.f32 v3, v2;
	v45 =	vld [tilespmem:s22+$0x440]  }
0x3b1: {  	v47 =	vld [tilespmem:s28+$0x440]  }
0x3b2: {  	v48 =	vadd.f32 v42, v7;
	[tilespmem:s1+$0x6440] =	vst v46  }
0x3b3: {  	v49 =	vld [tilespmem:s9+$0x440];
	s24 =	rddreg [dreg:$0x1f]  }
0x3b4: {  	v51 =	vadd.f32 v43, v5;
	[tilespmem:s26+$0x440] =	vst v48;
	v50 =	vld [tilespmem:s24+$0x450]  }
0x3b5: {  	v6 =	vadd.f32 v8, v6;
	v52 =	vld [tilespmem:s17+$0x440];
	s9 =	rddreg [dreg:$0x18]  }
0x3b6: {  	s2 =	smov.u32 s6;
	v3 =	vadd.f32 v47, v45;
	[tilespmem:s14+$0x440] =	vst v51;
	v53 =	vld [tilespmem:s9+$0x450]  }
0x3b7: {  	s7 =	smov.u32 s11;
	[tilespmem:s30+$0x6440] =	vst v6;
	v4 =	vld [tilespmem:s2+$0x440]  }
0x3b8: {  	v2 =	vadd.f32 v49, v9;
	s17 =	rddreg [dreg:$0x1c];
	[tilespmem:s31+$0x440] =	vst v3;
	v54 =	vld [tilespmem:s7+$0x450]  }
0x3b9: {  	v3 =	vld [tilespmem:s20+$0x440]  }
0x3ba: {  	v6 =	vld [tilespmem:s17+$0x450];
	[tilespmem:s18+$0x2440] =	vst v2  }
0x3bb: {  	v56 =	vld [tilespmem:s10+$0x440];
	v55 =	vadd.f32 v52, v7  }
0x3bc: {  	v57 =	vadd.f32 v4, v5  }
0x3bd: {  	v58 =	vadd.f32 v53, v50;
	[tilespmem:s26+$0x2440] =	vst v55  }
0x3be: {  	v60 =	vadd.f32 v3, v45;
	[tilespmem:s14+$0x2440] =	vst v57  }
0x3bf: {  	s11 =	smov.u32 s0;
	v61 =	vadd.f32 v54, v6;
	[tilespmem:s1+$0x450] =	vst v58  }
0x3c0: {  	s0 =	smov.u32 s19;
	s19 =	smov.u32 s12;
	v8 =	vadd.f32 v56, v9;
	s12 =	rddreg [dreg:$0x1e];
	[tilespmem:s31+$0x2440] =	vst v60  }
0x3c1: {  	v59 =	vld [tilespmem:s3+$0x440];
	[tilespmem:s30+$0x450] =	vst v61  }
0x3c2: {  	v62 =	vld [tilespmem:s4+$0x440];
	[tilespmem:s18+$0x4440] =	vst v8  }
0x3c3: {  	s9 =	smov.u32 s10;
	v63 =	vld [tilespmem:s12+$0x450];
	s10 =	sld [smem:$0x7ED];
	_ =	sdelay $0x1  }
0x3c4: {  	v2 =	vld [tilespmem:s16+$0x440]  }
0x3c5: {  	v16 =	vadd.f32 v59, v7;
	v17 =	vld [tilespmem:s10+$0x440]  }
0x3c6: {  	v4 =	vadd.f32 v62, v5  }
0x3c7: {  	[tilespmem:s26+$0x4440] =	vst v16;
	v18 =	vadd.f32 v63, v50  }
0x3c8: {  	v19 =	vld [tilespmem:s21+$0x440];
	[tilespmem:s14+$0x4440] =	vst v4  }
0x3c9: {  	v3 =	vld [tilespmem:s11+$0x450];
	v2 =	vadd.f32 v2, v45;
	[tilespmem:s1+$0x2450] =	vst v18  }
0x3ca: {  	v4 =	vld [tilespmem:s8+$0x440];
	s12 =	rddreg [dreg:$0x1b];
	v9 =	vadd.f32 v17, v9  }
0x3cb: {  	[tilespmem:s31+$0x4440] =	vst v2;
	v8 =	vld [tilespmem:s12+$0x450]  }
0x3cc: {  	s6 =	smov.u32 s13;
	v2 =	vld [tilespmem:s29+$0x440];
	[tilespmem:s18+$0x6440] =	vst v9  }
0x3cd: {  	v7 =	vadd.f32 v19, v7;
	v9 =	vld [tilespmem:s6+$0x450]  }
0x3ce: {  	v20 =	vld [tilespmem:s0+$0x450]  }
0x3cf: {  	v3 =	vadd.f32 v3, v6;
	[tilespmem:s26+$0x6440] =	vst v7  }
0x3d0: {  	s13 =	smov.u32 s5;
	v4 =	vadd.f32 v4, v5;
	v21 =	vld [tilespmem:s19+$0x450]  }
0x3d1: {  	[tilespmem:s30+$0x2450] =	vst v3;
	v7 =	vld [tilespmem:s13+$0x450];
	v2 =	vadd.f32 v2, v45  }
0x3d2: {  	[tilespmem:s14+$0x6440] =	vst v4;
	v8 =	vadd.f32 v8, v50  }
0x3d3: {  	v4 =	vld [tilespmem:s23+$0x450];
	[tilespmem:s31+$0x6440] =	vst v2;
	v23 =	vadd.f32 v20, v9  }
0x3d4: {  	v22 =	vld [tilespmem:s15+$0x450];
	[tilespmem:s1+$0x4450] =	vst v8  }
0x3d5: {  	v3 =	vld [tilespmem:s25+$0x450];
	[tilespmem:s18+$0x450] =	vst v23  }
0x3d6: {  	v24 =	vld [tilespmem:s22+$0x450];
	v26 =	vadd.f32 v7, v21;
	s15 =	sld [smem:$0x7EE]  }
0x3d7: {  	v25 =	vld [tilespmem:s28+$0x450];
	s11 =	rddreg [dreg:$0x15]  }
0x3d8: {  	v8 =	vld [tilespmem:s11+$0x450];
	[tilespmem:s26+$0x450] =	vst v26  }
0x3d9: {  	v28 =	vadd.f32 v22, v4;
	s8 =	rddreg [dreg:$0xf];
	v27 =	vld [tilespmem:s15+$0x450]  }
0x3da: {  	v29 =	vld [tilespmem:s8+$0x450]  }
0x3db: {  	s5 =	smov.u32 s2;
	v3 =	vadd.f32 v3, v6;
	[tilespmem:s14+$0x450] =	vst v28  }
0x3dc: {  	v30 =	vadd.f32 v25, v24;
	v31 =	vld [tilespmem:s5+$0x450]  }
0x3dd: {  	[tilespmem:s30+$0x4450] =	vst v3;
	v33 =	vadd.f32 v8, v50  }
0x3de: {  	s2 =	smov.u32 s7;
	s7 =	smov.u32 s4;
	s4 =	rddreg [dreg:$0x16];
	[tilespmem:s31+$0x450] =	vst v30;
	v7 =	vadd.f32 v27, v9  }
0x3df: {  	v32 =	vld [tilespmem:s4+$0x450];
	v35 =	vadd.f32 v29, v21;
	[tilespmem:s1+$0x6450] =	vst v33  }
0x3e0: {  	v34 =	vld [tilespmem:s20+$0x450];
	[tilespmem:s18+$0x2450] =	vst v7  }
0x3e1: {  	v3 =	vadd.f32 v31, v4;
	v36 =	vld [tilespmem:s9+$0x450];
	s22 =	rddreg [dreg:$0x1f];
	[tilespmem:s26+$0x2450] =	vst v35  }
0x3e2: {  	s3 =	smov.u32 s0;
	s0 =	smov.u32 s9;
	v37 =	vld [tilespmem:s22+$0x460];
	s9 =	rddreg [dreg:$0x9]  }
0x3e3: {  	s24 =	smov.u32 s20;
	s20 =	rddreg [dreg:$0x18];
	[tilespmem:s14+$0x2450] =	vst v3;
	v7 =	vld [tilespmem:s9+$0x450]  }
0x3e4: {  	v40 =	vld [tilespmem:s7+$0x450]  }
0x3e5: {  	v6 =	vadd.f32 v32, v6;
	v38 =	vld [tilespmem:s20+$0x460]  }
0x3e6: {  	v39 =	vadd.f32 v34, v24  }
0x3e7: {  	[tilespmem:s30+$0x6450] =	vst v6;
	v2 =	vadd.f32 v36, v9  }
0x3e8: {  	[tilespmem:s31+$0x2450] =	vst v39;
	v41 =	vld [tilespmem:s17+$0x460];
	v43 =	vadd.f32 v7, v21  }
0x3e9: {  	v3 =	vld [tilespmem:s16+$0x450];
	[tilespmem:s18+$0x4450] =	vst v2;
	v45 =	vadd.f32 v40, v4  }
0x3ea: {  	v42 =	vld [tilespmem:s2+$0x460];
	v46 =	vadd.f32 v38, v37;
	[tilespmem:s26+$0x4450] =	vst v43  }
0x3eb: {  	[tilespmem:s14+$0x4450] =	vst v45  }
0x3ec: {  	v44 =	vld [tilespmem:s10+$0x450];
	[tilespmem:s1+$0x460] =	vst v46  }
0x3ed: {  	s2 =	sld [smem:$0x7F7]  }
0x3ee: {  	v48 =	vadd.f32 v3, v24;
	v47 =	vld [tilespmem:s21+$0x450]  }
0x3ef: {  	v49 =	vadd.f32 v42, v41  }
0x3f0: {  	s17 =	rddreg [dreg:$0x1e];
	[tilespmem:s31+$0x4450] =	vst v48;
	v50 =	vld [tilespmem:s2+$0x450]  }
0x3f1: {  	[tilespmem:s30+$0x460] =	vst v49;
	v2 =	vld [tilespmem:s29+$0x450];
	v7 =	vadd.f32 v44, v9  }
0x3f2: {  	v51 =	vld [tilespmem:s17+$0x460];
	s28 =	rddreg [dreg:$0x1d]  }
0x3f3: {  	s25 =	smov.u32 s6;
	v3 =	vld [tilespmem:s28+$0x460];
	[tilespmem:s18+$0x6450] =	vst v7;
	v5 =	vadd.f32 v47, v21  }
0x3f4: {  	v7 =	vld [tilespmem:s25+$0x460]  }
0x3f5: {  	v52 =	vld [tilespmem:s3+$0x460];
	[tilespmem:s26+$0x6450] =	vst v5;
	v4 =	vadd.f32 v50, v4  }
0x3f6: {  	v2 =	vadd.f32 v2, v24;
	v5 =	vld [tilespmem:s19+$0x460]  }
0x3f7: {  	v53 =	vld [tilespmem:s13+$0x460];
	[tilespmem:s14+$0x6450] =	vst v4  }
0x3f8: {  	v4 =	vld [tilespmem:s23+$0x460];
	s17 =	rddreg [dreg:$0xc];
	[tilespmem:s31+$0x6450] =	vst v2  }
0x3f9: {  	v54 =	vld [tilespmem:s17+$0x460];
	s3 =	rddreg [dreg:$0x13]  }
0x3fa: {  	v57 =	vadd.f32 v51, v37;
	s6 =	rddreg [dreg:$0x14];
	v56 =	vld [tilespmem:s3+$0x460]  }
0x3fb: {  	v3 =	vadd.f32 v3, v41;
	v58 =	vld [tilespmem:s6+$0x460]  }
0x3fc: {  	v55 =	vadd.f32 v52, v7;
	[tilespmem:s1+$0x2460] =	vst v57  }
0x3fd: {  	[tilespmem:s30+$0x2460] =	vst v3;
	v59 =	vadd.f32 v53, v5  }
0x3fe: {  	[tilespmem:s18+$0x460] =	vst v55;
	v12 =	vld [tilespmem:s12+$0x460];
	v61 =	vadd.f32 v54, v4  }
0x3ff: {  	v60 =	vld [tilespmem:s15+$0x460];
	[tilespmem:s26+$0x460] =	vst v59  }
0x400: {  	v62 =	vld [tilespmem:s8+$0x460];
	v63 =	vadd.f32 v58, v56;
	[tilespmem:s14+$0x460] =	vst v61  }
0x401: {  	s12 =	smov.u32 s8;
	s8 =	smov.u32 s5;
	v16 =	vld [tilespmem:s5+$0x460];
	s5 =	rddreg [dreg:$0x17]  }
0x402: {  	[tilespmem:s31+$0x460] =	vst v63;
	v17 =	vld [tilespmem:s5+$0x460]  }
0x403: {  	v18 =	vadd.f32 v12, v37;
	v19 =	vld [tilespmem:s24+$0x460]  }
0x404: {  	v6 =	vadd.f32 v60, v7  }
0x405: {  	[tilespmem:s1+$0x4460] =	vst v18;
	v20 =	vadd.f32 v62, v5  }
0x406: {  	[tilespmem:s18+$0x2460] =	vst v6;
	v22 =	vld [tilespmem:s11+$0x460];
	v3 =	vadd.f32 v16, v4  }
0x407: {  	v21 =	vld [tilespmem:s0+$0x460];
	[tilespmem:s26+$0x2460] =	vst v20;
	v23 =	vadd.f32 v17, v41  }
0x408: {  	v24 =	vld [tilespmem:s9+$0x460];
	v25 =	vadd.f32 v19, v56;
	[tilespmem:s14+$0x2460] =	vst v3  }
0x409: {  	[tilespmem:s30+$0x4460] =	vst v23;
	v26 =	vld [tilespmem:s7+$0x460]  }
0x40a: {  	[tilespmem:s31+$0x2460] =	vst v25;
	v27 =	vld [tilespmem:s4+$0x460]  }
0x40b: {  	v28 =	vadd.f32 v22, v37;
	v29 =	vld [tilespmem:s16+$0x460]  }
0x40c: {  	v2 =	vadd.f32 v21, v7  }
0x40d: {  	[tilespmem:s1+$0x6460] =	vst v28;
	v30 =	vadd.f32 v24, v5  }
0x40e: {  	[tilespmem:s18+$0x4460] =	vst v2;
	v33 =	vadd.f32 v26, v4  }
0x40f: {  	v32 =	vld [tilespmem:s22+$0x470];
	[tilespmem:s26+$0x4460] =	vst v30;
	v34 =	vadd.f32 v27, v41  }
0x410: {  	v31 =	vld [tilespmem:s10+$0x460];
	v37 =	vadd.f32 v29, v56;
	[tilespmem:s14+$0x4460] =	vst v33  }
0x411: {  	v35 =	vld [tilespmem:s21+$0x460];
	[tilespmem:s30+$0x6460] =	vst v34  }
0x412: {  	v38 =	vld [tilespmem:s2+$0x460];
	s22 =	rddreg [dreg:$0x1c];
	[tilespmem:s31+$0x4460] =	vst v37  }
0x413: {  	v2 =	vld [tilespmem:s29+$0x460];
	_ =	sdelay $0x1  }
0x414: {  	v36 =	vld [tilespmem:s20+$0x470];
	v3 =	vadd.f32 v31, v7  }
0x415: {  	v41 =	vadd.f32 v35, v5;
	v39 =	vld [tilespmem:s22+$0x470];
	s20 =	rddreg [dreg:$0x10]  }
0x416: {  	[tilespmem:s18+$0x6460] =	vst v3;
	v40 =	vld [tilespmem:s20+$0x470];
	v44 =	vadd.f32 v38, v4  }
0x417: {  	v42 =	vld [tilespmem:s25+$0x470];
	s22 =	sld [smem:$0x7EC];
	[tilespmem:s26+$0x6460] =	vst v41;
	v2 =	vadd.f32 v2, v56  }
0x418: {  	v45 =	vld [tilespmem:s19+$0x470];
	[tilespmem:s14+$0x6460] =	vst v44  }
0x419: {  	v46 =	vld [tilespmem:s13+$0x470];
	[tilespmem:s31+$0x6460] =	vst v2  }
0x41a: {  	v43 =	vld [tilespmem:s22+$0x470];
	s25 =	sld [smem:$0x7E8]  }
0x41b: {  	v1 =	vadd.f32 v1, v0;
	v3 =	vld [tilespmem:s23+$0x470]  }
0x41c: {  	v12 =	vadd.f32 v36, v32;
	v47 =	vld [tilespmem:s17+$0x470]  }
0x41d: {  	v2 =	vld [tilespmem:s3+$0x470];
	[tilespmem:s25+$0x470] =	vst v1  }
0x41e: {  	v49 =	vadd.f32 v40, v39;
	v48 =	vld [tilespmem:s6+$0x470];
	s6 =	rddreg [dreg:$0x7];
	[tilespmem:s1+$0x470] =	vst v12  }
0x41f: {  	s13 =	smov.u32 s1;
	v8 =	vadd.f32 v43, v42;
	v50 =	vld [tilespmem:s6+$0x470];
	s1 =	rddreg [dreg:$0x1e]  }
0x420: {  	[tilespmem:s30+$0x470] =	vst v49;
	v12 =	vld [tilespmem:s1+$0x470]  }
0x421: {  	v51 =	vadd.f32 v46, v45;
	[tilespmem:s18+$0x470] =	vst v8;
	v52 =	vld [tilespmem:s28+$0x470]  }
0x422: {  	v53 =	vadd.f32 v47, v3;
	v54 =	vld [tilespmem:s15+$0x470]  }
0x423: {  	[tilespmem:s26+$0x470] =	vst v51;
	v55 =	vadd.f32 v48, v2  }
0x424: {  	[tilespmem:s14+$0x470] =	vst v53;
	v56 =	vld [tilespmem:s12+$0x470];
	v7 =	vadd.f32 v50, v0  }
0x425: {  	[tilespmem:s31+$0x470] =	vst v55;
	v12 =	vadd.f32 v12, v32  }
0x426: {  	v8 =	vld [tilespmem:s8+$0x470];
	v6 =	vadd.f32 v52, v39;
	[tilespmem:s25+$0x2470] =	vst v7  }
0x427: {  	v1 =	vld [tilespmem:s24+$0x470];
	v9 =	vadd.f32 v54, v42;
	s19 =	rddreg [dreg:$0xa];
	[tilespmem:s13+$0x2470] =	vst v12  }
0x428: {  	v7 =	vld [tilespmem:s19+$0x470];
	s20 =	rddreg [dreg:$0x1b];
	[tilespmem:s30+$0x2470] =	vst v6  }
0x429: {  	v57 =	vadd.f32 v56, v45;
	[tilespmem:s18+$0x2470] =	vst v9  }
0x42a: {  	v12 =	vld [tilespmem:s20+$0x470];
	s22 =	sld [smem:$0x7F0]  }
0x42b: {  	v8 =	vadd.f32 v8, v3;
	v58 =	vld [tilespmem:s5+$0x470];
	[tilespmem:s26+$0x2470] =	vst v57  }
0x42c: {  	v1 =	vadd.f32 v1, v2;
	v6 =	vld [tilespmem:s9+$0x470]  }
0x42d: {  	[tilespmem:s14+$0x2470] =	vst v8;
	v9 =	vld [tilespmem:s22+$0x470];
	v7 =	vadd.f32 v7, v0  }
0x42e: {  	s17 =	smov.u32 s25;
	[tilespmem:s31+$0x2470] =	vst v1  }
0x42f: {  	v8 =	vld [tilespmem:s7+$0x470];
	v12 =	vadd.f32 v12, v32;
	[tilespmem:s17+$0x4470] =	vst v7  }
0x430: {  	v1 =	vld [tilespmem:s16+$0x470];
	v59 =	vadd.f32 v58, v39;
	s23 =	rddreg [dreg:$0xd]  }
0x431: {  	v6 =	vadd.f32 v6, v45;
	[tilespmem:s13+$0x4470] =	vst v12;
	v60 =	vld [tilespmem:s23+$0x470]  }
0x432: {  	[tilespmem:s30+$0x4470] =	vst v59;
	v9 =	vadd.f32 v9, v42;
	v12 =	vld [tilespmem:s11+$0x470]  }
0x433: {  	v7 =	vld [tilespmem:s4+$0x470];
	[tilespmem:s26+$0x4470] =	vst v6  }
0x434: {  	v8 =	vadd.f32 v8, v3;
	v6 =	vld [tilespmem:s21+$0x470];
	[tilespmem:s18+$0x4470] =	vst v9  }
0x435: {  	v1 =	vadd.f32 v1, v2;
	v9 =	vld [tilespmem:s10+$0x470]  }
0x436: {  	[tilespmem:s14+$0x4470] =	vst v8;
	v0 =	vadd.f32 v60, v0  }
0x437: {  	[tilespmem:s31+$0x4470] =	vst v1;
	v11 =	vadd.f32 v12, v32  }
0x438: {  	v61 =	vadd.f32 v7, v39;
	[tilespmem:s17+$0x6470] =	vst v0  }
0x439: {  	v8 =	vld [tilespmem:s2+$0x470];
	v62 =	vadd.f32 v6, v45;
	[tilespmem:s13+$0x6470] =	vst v11  }
0x43a: {  	v1 =	vld [tilespmem:s29+$0x470];
	[tilespmem:s30+$0x6470] =	vst v61;
	v5 =	vadd.f32 v9, v42  }
0x43b: {  	[tilespmem:s26+$0x6470] =	vst v62  }
0x43c: {  	[tilespmem:s18+$0x6470] =	vst v5  }
0x43d: {  	s25 =	sld [smem:$0x7EB]  }
0x43e: {  	v3 =	vadd.f32 v8, v3  }
0x43f: {  	v63 =	vadd.f32 v1, v2  }
0x440: {  	s24 =	sld [smem:$0x7F8];
	[tilespmem:s14+$0x6470] =	vst v3;
	s7 =	sadd.s32 $0x1, s25  }
0x441: {  	s28 =	sld [smem:$0x7FC];
	[tilespmem:s31+$0x6470] =	vst v63;
	p0 =	sne.s32 s7, $0x40  }
.Ltmp4:
0x442: {  	s31 =	sld [smem:$0x7EA];
	(pc) =	sbr.rel @p0 .LBB2_2-.Ltmp4, $4  }
0x443: {  	s29 =	simm.s32 $0x2000;
	s0 =	sshll.u32 s24, $0x10;
	s26 =	sshll.u32 s25, $0x8  }
0x444: {  	s30 =	simm.s32 $0x20000;
	s1 =	sand.u32 $0x3C00, s26;
	s0 =	sadd.s32 s0, s28  }
0x445: {  	s3 =	rddreg [dreg:$0x6];
	s0 =	sadd.s32 s1, s0;
	s6 =	sadd.s32 $0x1, s31  }
0x446: {  	[hbm4b:s0+s29] =	stream.strided.scatter [tilespmem:s3], [sflag:$0x2], $0x8000, s30, s29, $0x38;
	[tilespmem:$0x1A000] =	vst v63  }
0x447: {  	s1 =	simm.s32 $0x2  }
0x448: {  	_ =	swait.ge [sflag:s1], $0x8000  }
0x449: {  	[sflag:s1] =	ssyncset.done $0x0  }
0x44a: {  	[sflag:s1] =	ssyncadd.s32 $0xFFFF8000  }
0x44b: {  	_ =	swait.ge [sflag:s1], $0x8000  }
0x44c: {  	s2 =	sld [smem:$0x7F9]  }
0x44d: {  	s0 =	sld [smem:$0x7FD];
	_ =	sdelay $0x1  }
0x44e: {  	s2 =	sadd.s32 $0x1, s2  }
0x44f: {  	p0 =	sne.s32 s2, s0  }
.Ltmp5:
0x450: {  	_ = 	snop;
	(pc) =	sbr.rel @p0 .LBB2_1-.Ltmp5, $3  }
0x451: {  	_ =	sdelay $0x1  }
0x452: {  	[sflag:s1] =	ssyncset.done $0x0  }
0x453: {  	[sflag:s1] =	ssyncadd.s32 $0xFFFF8000  }
0x454: {  	_ =	sfence.sel $0x180000  }
0x455: {  	[bflag:$0x0] =	sbarrier.arrive $0xFFFF  }
0x456: {  	_ =	strace $0x90000047  }
0x457: {  	s0 =	stileid.u32;
	[bflag:$0x2] =	sbarrier.arrive $0xFFFF  }
0x458: {  	p0 =	sne.s32 s0, $0x0;
	s0 =	rddreg [dreg:$0x3]  }
0x459: {  	s0 =	sadd.s32 @!p0 $0x100000, s0  }
0x45a: {  	[sflag:s0] =	ssyncadd.tile.s32 @!p0 $0x1;
	_ =	shalt  }
.Lfunc_end2:
_tile_overlayer_lowered:
.L_overlay_start_2:
0x45b: {  	(tag) =	ssettag $0x2  }
0x45c: {  	s0 =	rddreg [dreg:$0x0];
	s2 =	stileid.u32  }
0x45d: {  	s1 =	rddreg [dreg:$0x1];
	p0 =	sne.s32 s2, $0x0  }
0x45e: {  	s3 =	rddreg [dreg:$0x2];
	[bflag:$0x3] =	sbarrier.arrive $0xFFFF;
	s2 =	simm.s32 @!p0 $0x1C03  }
0x45f: {  	[timem:s3], [sflag:s2] =	dma.local @!p0 [hbm:s0], s1  }
0x460: {  	s0 =	simm.s32 @!p0 $0x3  }
0x461: {  	_ =	swait.ge @!p0 [sflag:s0], s1  }
0x462: {  	s1 =	ssub.s32 @!p0 $0x0, s1;
	[sflag:s0] =	ssyncset.done @!p0 $0x0  }
0x463: {  	[sflag:s0] =	ssyncadd.s32 @!p0 s1  }
0x464: {  	[bflag:$0x3] =	sbarrier.arrive $0xFFFF  }
0x465: {  	_ =	shalt  }

</sc_bundles>
